<compile_context>
chip_gen: v7x
topology: tpu7x:2x2x1
jax: 0.10.2.dev20260603
libtpu: 0.0.44.dev20260713+nightly
codegen_flags: <defaults>
</compile_context>

<pallas_src>
import functools

import jax
import jax.numpy as jnp
from jax import lax
from jax.experimental import pallas as pl
from jax.experimental.pallas import tpu as pltpu
from jax.experimental.pallas import tpu_sc as plsc

B = 16384
V = 1000000
D = 16
NOH = 26
L = 20
NC = 13
F = 48
NW = 32
IDX_COLS = 128
XD = 448
CS = 16
GN = CS * F
G = GN // IDX_COLS
SAMPLES_PER_W = B // NW
N_GROUPS = SAMPLES_PER_W // CS
TOTAL_GROUPS = B // CS


def _vtake(vec, i):
    ids = jnp.full((16, 1), i, jnp.int32)
    dn = lax.GatherDimensionNumbers(offset_dims=(), collapsed_slice_dims=(0,),
                                    start_index_map=(0,))
    return lax.gather(vec, ids, dn, (1,),
                      mode=lax.GatherScatterMode.PROMISE_IN_BOUNDS)


def _sc_embed(meta, ctns, deep_table, wide16):
    mesh = plsc.VectorSubcoreMesh(core_axis_name="c", subcore_axis_name="s")

    @functools.partial(
        pl.kernel,
        out_type=(
            jax.ShapeDtypeStruct((B, XD), jnp.float32),
            jax.ShapeDtypeStruct((B, F), jnp.float32),
        ),
        mesh=mesh,
        scratch_types=[
            [pltpu.VMEM((4, G, IDX_COLS), jnp.int32) for _ in range(2)],
            [pltpu.VMEM((GN, D), jnp.float32) for _ in range(2)],
            [pltpu.VMEM((GN, D), jnp.float32) for _ in range(2)],
            [pltpu.VMEM((CS, XD), jnp.float32) for _ in range(2)],
            [pltpu.VMEM((CS, F), jnp.float32) for _ in range(2)],
            [pltpu.SemaphoreType.DMA for _ in range(2)],
            [pltpu.SemaphoreType.DMA for _ in range(2)],
        ],
        compiler_params=pltpu.CompilerParams(use_tc_tiling_on_sc=False,
                                             needs_layout_passes=False),
    )
    def k(meta_hbm, ctns_hbm, deep_hbm, wide_hbm, x_hbm, wv_hbm,
          meta_v, deep_v, wrow_v, x_v, wv_v, sem_d, sem_w):
        wid = lax.axis_index("s") * 2 + lax.axis_index("c")
        g0 = wid * N_GROUPS

        def fetch(gid, b):
            pltpu.sync_copy(meta_hbm.at[gid], meta_v[b])
            pltpu.sync_copy(ctns_hbm.at[pl.ds(gid * CS, CS)],
                            x_v[b].at[:, pl.ds(NOH * D + D, 16)])
            for j in range(G):
                pltpu.async_copy(
                    deep_hbm.at[meta_v[b].at[0, j]],
                    deep_v[b].at[pl.ds(j * IDX_COLS, IDX_COLS)], sem_d[b])
                pltpu.async_copy(
                    wide_hbm.at[meta_v[b].at[1, j]],
                    wrow_v[b].at[pl.ds(j * IDX_COLS, IDX_COLS)], sem_w[b])

        def wait_fetch(b):
            for j in range(G):
                pltpu.make_async_copy(
                    deep_hbm.at[meta_v[b].at[0, j]],
                    deep_v[b].at[pl.ds(j * IDX_COLS, IDX_COLS)],
                    sem_d[b]).wait()
                pltpu.make_async_copy(
                    wide_hbm.at[meta_v[b].at[1, j]],
                    wrow_v[b].at[pl.ds(j * IDX_COLS, IDX_COLS)],
                    sem_w[b]).wait()

        def compute(gid, b):
            mv, dv, wrv, xv, wvv = (meta_v[b], deep_v[b], wrow_v[b],
                                    x_v[b], wv_v[b])
            iota = lax.broadcasted_iota(jnp.int32, (16,), 0)

            def sample(ss, _):
                base = ss * F
                w = []
                for t in range(3):
                    p = base + 16 * t
                    w.append(plsc.bitcast(
                        mv[3, p >> 7, pl.ds(p & 127, 16)], jnp.float32))
                for f in range(NOH):
                    wb = _vtake(w[f // 16], f % 16)
                    xv[ss, pl.ds(16 * f, 16)] = dv[base + f, :] * wb
                terms = []
                for f in range(NOH, NOH + L):
                    wb = _vtake(w[f // 16], f % 16)
                    terms.append(dv[base + f, :] * wb)
                nzero = 32 - L
                terms = terms + [jnp.zeros((16,), jnp.float32)] * nzero
                width = 16
                while width >= 1:
                    terms = [terms[i] + terms[i + width]
                             for i in range(width)]
                    width //= 2
                xv[ss, pl.ds(16 * NOH, 16)] = terms[0]
                for t in range(3):
                    p = base + 16 * t
                    lanev = mv[2, p >> 7, pl.ds(p & 127, 16)]
                    wp = plsc.load_gather(wrv, [iota + p, lanev]) * w[t]
                    wvv[ss, pl.ds(16 * t, 16)] = wp
                return 0

            lax.fori_loop(0, CS, sample, 0)
            pltpu.sync_copy(xv, x_hbm.at[pl.ds(gid * CS, CS)])
            pltpu.sync_copy(wvv, wv_hbm.at[pl.ds(gid * CS, CS)])

        fetch(g0, 0)

        def body(gg, _):
            for b in range(2):
                g = gg * 2 + b
                nb = (b + 1) % 2

                @pl.when(g + 1 < N_GROUPS)
                def _():
                    fetch(g0 + g + 1, nb)

                wait_fetch(b)
                compute(g0 + g, b)
            return 0

        lax.fori_loop(0, N_GROUPS // 2, body, 0)

    return k(meta, ctns, deep_table, wide16)


def _leaky(v):
    return jnp.where(v >= 0, v, 0.01 * v)


def _dot(a, b, dims):
    return jax.lax.dot_general(a, b, (dims, ((), ())),
                               preferred_element_type=jnp.float32,
                               precision=jax.lax.Precision.HIGHEST)


def _mlp_body(x_ref, wv_ref, w2p_ref, b2_ref, w3_ref,
              b3_ref, w4t_ref, b4_ref, out_ref):
    h = _dot(x_ref[...], w2p_ref[...], ((1,), (1,)))
    h = _leaky(h + b2_ref[...])
    h = _leaky(_dot(h, w3_ref[...], ((1,), (1,))) + b3_ref[...])
    h = _dot(h, w4t_ref[...], ((1,), (0,)))
    wide = 16.0 * jnp.sum(wv_ref[...], axis=1, keepdims=True)
    out_ref[...] = jax.nn.sigmoid(h + b4_ref[0, 0] + wide)


def _tc_mlp(x, wv, w2p, b2, w3, b3, w4t, b4):
    bt = 1024
    full = lambda shape: pl.BlockSpec(shape, lambda i: (0, 0))
    return pl.pallas_call(
        _mlp_body,
        grid=(B // bt,),
        in_specs=[
            pl.BlockSpec((bt, XD), lambda i: (i, 0)),
            pl.BlockSpec((bt, F), lambda i: (i, 0)),
            full((256, XD)),
            full((1, 256)),
            full((128, 256)),
            full((1, 128)),
            full((128, 1)),
            pl.BlockSpec(memory_space=pltpu.SMEM),
        ],
        out_specs=pl.BlockSpec((bt, 1), lambda i: (i, 0)),
        out_shape=jax.ShapeDtypeStruct((B, 1), jnp.float32),
    )(x, wv, w2p, b2, w3, b3, w4t, b4)


def kernel(onehot_i, onehot_x, multihot_list, ctns, wide_table, deep_table,
           w2, b2, w3, b3, w4, b4):
    mh_i = multihot_list[0, 0]
    mh_x = multihot_list[0, 1].astype(jnp.float32)
    zeros_i = jnp.zeros((B, F - NOH - L), jnp.int32)
    zeros_x = jnp.zeros((B, F - NOH - L), jnp.float32)
    idx = jnp.concatenate([onehot_i, mh_i, zeros_i], axis=1)
    wgt = jnp.concatenate([onehot_x, mh_x, zeros_x], axis=1)
    idx2 = idx.reshape(TOTAL_GROUPS, GN)
    wbits = jax.lax.bitcast_convert_type(wgt, jnp.int32).reshape(
        TOTAL_GROUPS, GN)
    meta = jnp.stack([idx2, idx2 >> 4, idx2 & 15, wbits],
                     axis=1).reshape(TOTAL_GROUPS, 4, G, IDX_COLS)

    ctns16 = jnp.concatenate([ctns, jnp.zeros((B, 3), jnp.float32)], axis=1)
    x, wv = _sc_embed(meta, ctns16, deep_table,
                      wide_table.reshape(V // 16, D))

    w2p = jnp.concatenate([w2, jnp.zeros((256, 3), jnp.float32)], axis=1)

    out = _tc_mlp(x, wv, w2p, b2.reshape(1, 256), w3,
                  b3.reshape(1, 128), w4.reshape(128, 1), b4.reshape(1, 1))
    return out.reshape(B)

# --- scband reference (transcript-rebuilt; emitter-appended) ---
"""Pipeline reference for scband-wide-deep-61332132987354 (READ-ONLY COPY).

The authoritative reference and input builder live on the scoring server;
editing this copy changes nothing except your own understanding.
"""

import jax, jax.numpy as jnp
import numpy as np

B = 16384
V = 1000000
D = 16
NOH = 26
L = 20
NC = 13


def setup_inputs(seed: int = 0) -> dict:
    key = jax.random.key(seed)
    ks = jax.random.split(key, 12)
    onehot_i = jax.random.randint(ks[0], (B, NOH), 0, V, dtype=jnp.int32)
    onehot_x = jax.random.normal(ks[1], (B, NOH), dtype=jnp.float32)
    multihot_list = jax.random.randint(ks[2], (1, 2, B, L), 0, V, dtype=jnp.int32)
    ctns = jax.random.normal(ks[3], (B, NC), dtype=jnp.float32)
    wide_table = jax.random.uniform(ks[4], (V, 1), minval=-0.001, maxval=0.001, dtype=jnp.float32)
    deep_table = jax.random.normal(ks[5], (V, D), dtype=jnp.float32) * 0.01
    w2 = jax.random.normal(ks[6], (256, 445), dtype=jnp.float32) * 0.05
    b2 = jax.random.normal(ks[7], (256,), dtype=jnp.float32) * 0.05
    w3 = jax.random.normal(ks[8], (128, 256), dtype=jnp.float32) * 0.05
    b3 = jax.random.normal(ks[9], (128,), dtype=jnp.float32) * 0.05
    w4 = jax.random.normal(ks[10], (1, 128), dtype=jnp.float32) * 0.05
    b4 = jax.random.normal(ks[11], (1,), dtype=jnp.float32) * 0.05
    return {"onehot_i": onehot_i, "onehot_x": onehot_x, "multihot_list": multihot_list,
            "ctns": ctns, "wide_table": wide_table, "deep_table": deep_table,
            "w2": w2, "b2": b2, "w3": w3, "b3": b3, "w4": w4, "b4": b4}


def _embed(idx, table):
    return jnp.take(table, idx.reshape(-1), axis=0).reshape(idx.shape + (table.shape[1],))


def reference(onehot_i, onehot_x, multihot_list, ctns, wide_table, deep_table, w2, b2, w3, b3, w4, b4):
    emb_dim = D
    bsz = onehot_i.shape[0]
    # replicate torch: onehot_x.repeat(emb_dim,1,1).permute(1,2,0) -> [B, F, emb_dim]
    ox = jnp.repeat(onehot_x[:, :, None], emb_dim, axis=2)
    mh_i = multihot_list[0, 0]
    mh_x = multihot_list[0, 1].astype(jnp.float32)
    mx = jnp.repeat(mh_x[:, :, None], emb_dim, axis=2)
    # wide part (wide_table has dim 1, broadcasts against emb_dim-wide x)
    oh_wide = (_embed(onehot_i, wide_table) * ox).reshape(bsz, -1)
    mh_wide = (_embed(mh_i, wide_table) * mx).sum(axis=1)
    wide_out = jnp.concatenate([oh_wide, mh_wide], axis=1).sum(axis=1)
    # deep part
    oh_deep = (_embed(onehot_i, deep_table) * ox).reshape(bsz, -1)
    mh_deep = (_embed(mh_i, deep_table) * mx).sum(axis=1)
    x = jnp.concatenate([oh_deep, mh_deep, ctns], axis=1)
    # dropout p=0.0 -> identity
    lk = lambda v: jnp.where(v >= 0, v, 0.01 * v)
    x = lk(x @ w2.T + b2)
    x = lk(x @ w3.T + b3)
    x = (x @ w4.T + b4).squeeze()
    return jax.nn.sigmoid(x + wide_out)

if __name__ == "__main__":
    import jax
    _d = setup_inputs()
    print(jax.jit(kernel)(*tuple(_d.values())))

</pallas_src>

<mosaic_0001>
#map = affine_map<(d0, d1) -> (0, 0, 0, 0)>
#map1 = affine_map<(d0, d1) -> (0, 0)>
module attributes {stable_mosaic.version = 14 : i64} {
  func.func @k(%arg0: i32, %arg1: i32, %arg2: memref<1024x4x6x128xi32, #tpu.memory_space<hbm>>, %arg3: memref<16384x16xf32, #tpu.memory_space<hbm>>, %arg4: memref<1000000x16xf32, #tpu.memory_space<hbm>>, %arg5: memref<62500x16xf32, #tpu.memory_space<hbm>>, %arg6: memref<16384x448xf32, #tpu.memory_space<hbm>>, %arg7: memref<16384x48xf32, #tpu.memory_space<hbm>>, %arg8: memref<4x6x128xi32, #tpu.memory_space<vmem>>, %arg9: memref<4x6x128xi32, #tpu.memory_space<vmem>>, %arg10: memref<768x16xf32, #tpu.memory_space<vmem>>, %arg11: memref<768x16xf32, #tpu.memory_space<vmem>>, %arg12: memref<768x16xf32, #tpu.memory_space<vmem>>, %arg13: memref<768x16xf32, #tpu.memory_space<vmem>>, %arg14: memref<16x448xf32, #tpu.memory_space<vmem>>, %arg15: memref<16x448xf32, #tpu.memory_space<vmem>>, %arg16: memref<16x48xf32, #tpu.memory_space<vmem>>, %arg17: memref<16x48xf32, #tpu.memory_space<vmem>>, %arg18: memref<!tpu.dma_semaphore, #tpu.memory_space<semaphore_mem>>, %arg19: memref<!tpu.dma_semaphore, #tpu.memory_space<semaphore_mem>>, %arg20: memref<!tpu.dma_semaphore, #tpu.memory_space<semaphore_mem>>, %arg21: memref<!tpu.dma_semaphore, #tpu.memory_space<semaphore_mem>>) attributes {dimension_semantics = [#tpu.dimension_semantics<core_parallel>, #tpu.dimension_semantics<subcore_parallel>], iteration_bounds = array<i64: 2, 16>, scalar_prefetch = 0 : i64, scratch_operands = 14 : i64, tpu.core_type = #tpu.core_type<sc_vector_subcore>, window_params = [{transform_indices = #map}, {transform_indices = #map1}, {transform_indices = #map1}, {transform_indices = #map1}, {transform_indices = #map1}, {transform_indices = #map1}]} {
    %mul3A = arith.constant 2 : i32
    %mul3A_0 = arith.muli %arg1, %mul3A : i32
    %add3A = arith.addi %mul3A_0, %arg0 : i32
    %mul3A_1 = arith.constant 32 : i32
    %mul3A_2 = arith.muli %add3A, %mul3A_1 : i32
    "tpu.region"() ({
      %run_scoped3A = tpu.sem_alloc : memref<!tpu.dma_semaphore, #tpu.memory_space<semaphore_mem>>
      %dma_start3A_142 = arith.constant 0 : i32
      %dma_start3A_143 = arith.constant 0 : i32
      %dma_start3A_144 = arith.constant 0 : i32
      %dma_start3A_145 = tpu.memref_slice %arg2[%mul3A_2, %dma_start3A_142, %dma_start3A_143, %dma_start3A_144] : memref<1024x4x6x128xi32, #tpu.memory_space<hbm>> -> memref<1x4x6x128xi32, #tpu.memory_space<hbm>>
      %dma_start3A_146 = tpu.memref_squeeze %dma_start3A_145 : memref<1x4x6x128xi32, #tpu.memory_space<hbm>> -> memref<4x6x128xi32, #tpu.memory_space<hbm>>
      %dma_start3A_147 = arith.constant 0 : i32
      %dma_start3A_148 = arith.constant 0 : i32
      %dma_start3A_149 = arith.constant 0 : i32
      %dma_start3A_150 = tpu.memref_slice %arg2[%mul3A_2, %dma_start3A_147, %dma_start3A_148, %dma_start3A_149] : memref<1024x4x6x128xi32, #tpu.memory_space<hbm>> -> memref<1x4x6x128xi32, #tpu.memory_space<hbm>>
      %dma_start3A_151 = tpu.memref_squeeze %dma_start3A_150 : memref<1x4x6x128xi32, #tpu.memory_space<hbm>> -> memref<4x6x128xi32, #tpu.memory_space<hbm>>
      tpu.enqueue_dma source(%dma_start3A_151 : memref<4x6x128xi32, #tpu.memory_space<hbm>>) target(%arg8 : memref<4x6x128xi32, #tpu.memory_space<vmem>>) target_semaphore(%run_scoped3A : memref<!tpu.dma_semaphore, #tpu.memory_space<semaphore_mem>>)
      %dma_wait3A = arith.constant 0 : i32
      %dma_wait3A_152 = arith.constant 0 : i32
      %dma_wait3A_153 = arith.constant 0 : i32
      %dma_wait3A_154 = tpu.memref_slice %arg2[%mul3A_2, %dma_wait3A, %dma_wait3A_152, %dma_wait3A_153] : memref<1024x4x6x128xi32, #tpu.memory_space<hbm>> -> memref<1x4x6x128xi32, #tpu.memory_space<hbm>>
      %dma_wait3A_155 = tpu.memref_squeeze %dma_wait3A_154 : memref<1x4x6x128xi32, #tpu.memory_space<hbm>> -> memref<4x6x128xi32, #tpu.memory_space<hbm>>
      %dma_wait3A_156 = arith.constant 0 : i32
      %dma_wait3A_157 = arith.constant 0 : i32
      %dma_wait3A_158 = arith.constant 0 : i32
      %dma_wait3A_159 = tpu.memref_slice %arg2[%mul3A_2, %dma_wait3A_156, %dma_wait3A_157, %dma_wait3A_158] : memref<1024x4x6x128xi32, #tpu.memory_space<hbm>> -> memref<1x4x6x128xi32, #tpu.memory_space<hbm>>
      %dma_wait3A_160 = tpu.memref_squeeze %dma_wait3A_159 : memref<1x4x6x128xi32, #tpu.memory_space<hbm>> -> memref<4x6x128xi32, #tpu.memory_space<hbm>>
      tpu.wait_dma2 semaphore(%run_scoped3A : memref<!tpu.dma_semaphore, #tpu.memory_space<semaphore_mem>>) src(%dma_wait3A_160 : memref<4x6x128xi32, #tpu.memory_space<hbm>>) dst(%arg8 : memref<4x6x128xi32, #tpu.memory_space<vmem>>)
      tpu.yield
    }) : () -> ()
    %mul3A_3 = arith.constant 16 : i32
    %mul3A_4 = arith.muli %mul3A_2, %mul3A_3 : i32
    "tpu.region"() ({
      %run_scoped3A = tpu.sem_alloc : memref<!tpu.dma_semaphore, #tpu.memory_space<semaphore_mem>>
      %dma_start3A_142 = arith.constant 0 : i32
      %dma_start3A_143 = arith.constant 432 : i32
      %dma_start3A_144 = tpu.memref_slice %arg14[%dma_start3A_142, %dma_start3A_143] : memref<16x448xf32, #tpu.memory_space<vmem>> -> memref<16x16xf32, #tpu.memory_space<vmem>>
      %dma_start3A_145 = arith.constant 0 : i32
      %dma_start3A_146 = tpu.memref_slice %arg3[%mul3A_4, %dma_start3A_145] : memref<16384x16xf32, #tpu.memory_space<hbm>> -> memref<16x16xf32, #tpu.memory_space<hbm>>
      %dma_start3A_147 = arith.constant 0 : i32
      %dma_start3A_148 = arith.constant 432 : i32
      %dma_start3A_149 = tpu.memref_slice %arg14[%dma_start3A_147, %dma_start3A_148] : memref<16x448xf32, #tpu.memory_space<vmem>> -> memref<16x16xf32, #tpu.memory_space<vmem>>
      %dma_start3A_150 = arith.constant 0 : i32
      %dma_start3A_151 = tpu.memref_slice %arg3[%mul3A_4, %dma_start3A_150] : memref<16384x16xf32, #tpu.memory_space<hbm>> -> memref<16x16xf32, #tpu.memory_space<hbm>>
      tpu.enqueue_dma source(%dma_start3A_151 : memref<16x16xf32, #tpu.memory_space<hbm>>) target(%dma_start3A_149 : memref<16x16xf32, #tpu.memory_space<vmem>>) target_semaphore(%run_scoped3A : memref<!tpu.dma_semaphore, #tpu.memory_space<semaphore_mem>>)
      %dma_wait3A = arith.constant 0 : i32
      %dma_wait3A_152 = arith.constant 432 : i32
      %dma_wait3A_153 = tpu.memref_slice %arg14[%dma_wait3A, %dma_wait3A_152] : memref<16x448xf32, #tpu.memory_space<vmem>> -> memref<16x16xf32, #tpu.memory_space<vmem>>
      %dma_wait3A_154 = arith.constant 0 : i32
      %dma_wait3A_155 = tpu.memref_slice %arg3[%mul3A_4, %dma_wait3A_154] : memref<16384x16xf32, #tpu.memory_space<hbm>> -> memref<16x16xf32, #tpu.memory_space<hbm>>
      %dma_wait3A_156 = arith.constant 0 : i32
      %dma_wait3A_157 = arith.constant 432 : i32
      %dma_wait3A_158 = tpu.memref_slice %arg14[%dma_wait3A_156, %dma_wait3A_157] : memref<16x448xf32, #tpu.memory_space<vmem>> -> memref<16x16xf32, #tpu.memory_space<vmem>>
      %dma_wait3A_159 = arith.constant 0 : i32
      %dma_wait3A_160 = tpu.memref_slice %arg3[%mul3A_4, %dma_wait3A_159] : memref<16384x16xf32, #tpu.memory_space<hbm>> -> memref<16x16xf32, #tpu.memory_space<hbm>>
      tpu.wait_dma2 semaphore(%run_scoped3A : memref<!tpu.dma_semaphore, #tpu.memory_space<semaphore_mem>>) src(%dma_wait3A_160 : memref<16x16xf32, #tpu.memory_space<hbm>>) dst(%dma_wait3A_158 : memref<16x16xf32, #tpu.memory_space<vmem>>)
      tpu.yield
    }) : () -> ()
    %dma_start3A = arith.constant 0 : i32
    %dma_start3A_5 = arith.constant 0 : i32
    %dma_start3A_6 = arith.constant 0 : i32
    %dma_start3A_7 = arith.constant 0 : i32
    %dma_start3A_8 = tpu.memref_slice %arg10[%dma_start3A_6, %dma_start3A_7] : memref<768x16xf32, #tpu.memory_space<vmem>> -> memref<128x16xf32, #tpu.memory_space<vmem>>
    %dma_start3A_9 = arith.constant 0 : i32
    %dma_start3A_10 = tpu.memref_slice %arg8[%dma_start3A, %dma_start3A_5, %dma_start3A_9] : memref<4x6x128xi32, #tpu.memory_space<vmem>> -> memref<1x1x128xi32, #tpu.memory_space<vmem>>
    %dma_start3A_11 = tpu.memref_squeeze %dma_start3A_10 : memref<1x1x128xi32, #tpu.memory_space<vmem>> -> memref<128xi32, #tpu.memory_space<vmem>>
    %dma_start3A_12 = arith.constant 0 : i32
    %dma_start3A_13 = arith.constant 0 : i32
    %dma_start3A_14 = tpu.memref_slice %arg4[%dma_start3A_12, %dma_start3A_13] : memref<1000000x16xf32, #tpu.memory_space<hbm>> -> memref<1000000x16xf32, #tpu.memory_space<hbm>>
    tpu.enqueue_indirect_dma source(%dma_start3A_14 : memref<1000000x16xf32, #tpu.memory_space<hbm>>) target(%dma_start3A_8 : memref<128x16xf32, #tpu.memory_space<vmem>>) offsets(%dma_start3A_11 : memref<128xi32, #tpu.memory_space<vmem>>) semaphore(%arg18 : memref<!tpu.dma_semaphore, #tpu.memory_space<semaphore_mem>>)
    %dma_start3A_15 = arith.constant 1 : i32
    %dma_start3A_16 = arith.constant 0 : i32
    %dma_start3A_17 = arith.constant 0 : i32
    %dma_start3A_18 = arith.constant 0 : i32
    %dma_start3A_19 = tpu.memref_slice %arg12[%dma_start3A_17, %dma_start3A_18] : memref<768x16xf32, #tpu.memory_space<vmem>> -> memref<128x16xf32, #tpu.memory_space<vmem>>
    %dma_start3A_20 = arith.constant 0 : i32
    %dma_start3A_21 = tpu.memref_slice %arg8[%dma_start3A_15, %dma_start3A_16, %dma_start3A_20] : memref<4x6x128xi32, #tpu.memory_space<vmem>> -> memref<1x1x128xi32, #tpu.memory_space<vmem>>
    %dma_start3A_22 = tpu.memref_squeeze %dma_start3A_21 : memref<1x1x128xi32, #tpu.memory_space<vmem>> -> memref<128xi32, #tpu.memory_space<vmem>>
    %dma_start3A_23 = arith.constant 0 : i32
    %dma_start3A_24 = arith.constant 0 : i32
    %dma_start3A_25 = tpu.memref_slice %arg5[%dma_start3A_23, %dma_start3A_24] : memref<62500x16xf32, #tpu.memory_space<hbm>> -> memref<62500x16xf32, #tpu.memory_space<hbm>>
    tpu.enqueue_indirect_dma source(%dma_start3A_25 : memref<62500x16xf32, #tpu.memory_space<hbm>>) target(%dma_start3A_19 : memref<128x16xf32, #tpu.memory_space<vmem>>) offsets(%dma_start3A_22 : memref<128xi32, #tpu.memory_space<vmem>>) semaphore(%arg20 : memref<!tpu.dma_semaphore, #tpu.memory_space<semaphore_mem>>)
    %dma_start3A_26 = arith.constant 0 : i32
    %dma_start3A_27 = arith.constant 1 : i32
    %dma_start3A_28 = arith.constant 128 : i32
    %dma_start3A_29 = arith.constant 0 : i32
    %dma_start3A_30 = tpu.memref_slice %arg10[%dma_start3A_28, %dma_start3A_29] : memref<768x16xf32, #tpu.memory_space<vmem>> -> memref<128x16xf32, #tpu.memory_space<vmem>>
    %dma_start3A_31 = arith.constant 0 : i32
    %dma_start3A_32 = tpu.memref_slice %arg8[%dma_start3A_26, %dma_start3A_27, %dma_start3A_31] : memref<4x6x128xi32, #tpu.memory_space<vmem>> -> memref<1x1x128xi32, #tpu.memory_space<vmem>>
    %dma_start3A_33 = tpu.memref_squeeze %dma_start3A_32 : memref<1x1x128xi32, #tpu.memory_space<vmem>> -> memref<128xi32, #tpu.memory_space<vmem>>
    %dma_start3A_34 = arith.constant 0 : i32
    %dma_start3A_35 = arith.constant 0 : i32
    %dma_start3A_36 = tpu.memref_slice %arg4[%dma_start3A_34, %dma_start3A_35] : memref<1000000x16xf32, #tpu.memory_space<hbm>> -> memref<1000000x16xf32, #tpu.memory_space<hbm>>
    tpu.enqueue_indirect_dma source(%dma_start3A_36 : memref<1000000x16xf32, #tpu.memory_space<hbm>>) target(%dma_start3A_30 : memref<128x16xf32, #tpu.memory_space<vmem>>) offsets(%dma_start3A_33 : memref<128xi32, #tpu.memory_space<vmem>>) semaphore(%arg18 : memref<!tpu.dma_semaphore, #tpu.memory_space<semaphore_mem>>)
    %dma_start3A_37 = arith.constant 1 : i32
    %dma_start3A_38 = arith.constant 1 : i32
    %dma_start3A_39 = arith.constant 128 : i32
    %dma_start3A_40 = arith.constant 0 : i32
    %dma_start3A_41 = tpu.memref_slice %arg12[%dma_start3A_39, %dma_start3A_40] : memref<768x16xf32, #tpu.memory_space<vmem>> -> memref<128x16xf32, #tpu.memory_space<vmem>>
    %dma_start3A_42 = arith.constant 0 : i32
    %dma_start3A_43 = tpu.memref_slice %arg8[%dma_start3A_37, %dma_start3A_38, %dma_start3A_42] : memref<4x6x128xi32, #tpu.memory_space<vmem>> -> memref<1x1x128xi32, #tpu.memory_space<vmem>>
    %dma_start3A_44 = tpu.memref_squeeze %dma_start3A_43 : memref<1x1x128xi32, #tpu.memory_space<vmem>> -> memref<128xi32, #tpu.memory_space<vmem>>
    %dma_start3A_45 = arith.constant 0 : i32
    %dma_start3A_46 = arith.constant 0 : i32
    %dma_start3A_47 = tpu.memref_slice %arg5[%dma_start3A_45, %dma_start3A_46] : memref<62500x16xf32, #tpu.memory_space<hbm>> -> memref<62500x16xf32, #tpu.memory_space<hbm>>
    tpu.enqueue_indirect_dma source(%dma_start3A_47 : memref<62500x16xf32, #tpu.memory_space<hbm>>) target(%dma_start3A_41 : memref<128x16xf32, #tpu.memory_space<vmem>>) offsets(%dma_start3A_44 : memref<128xi32, #tpu.memory_space<vmem>>) semaphore(%arg20 : memref<!tpu.dma_semaphore, #tpu.memory_space<semaphore_mem>>)
    %dma_start3A_48 = arith.constant 0 : i32
    %dma_start3A_49 = arith.constant 2 : i32
    %dma_start3A_50 = arith.constant 256 : i32
    %dma_start3A_51 = arith.constant 0 : i32
    %dma_start3A_52 = tpu.memref_slice %arg10[%dma_start3A_50, %dma_start3A_51] : memref<768x16xf32, #tpu.memory_space<vmem>> -> memref<128x16xf32, #tpu.memory_space<vmem>>
    %dma_start3A_53 = arith.constant 0 : i32
    %dma_start3A_54 = tpu.memref_slice %arg8[%dma_start3A_48, %dma_start3A_49, %dma_start3A_53] : memref<4x6x128xi32, #tpu.memory_space<vmem>> -> memref<1x1x128xi32, #tpu.memory_space<vmem>>
    %dma_start3A_55 = tpu.memref_squeeze %dma_start3A_54 : memref<1x1x128xi32, #tpu.memory_space<vmem>> -> memref<128xi32, #tpu.memory_space<vmem>>
    %dma_start3A_56 = arith.constant 0 : i32
    %dma_start3A_57 = arith.constant 0 : i32
    %dma_start3A_58 = tpu.memref_slice %arg4[%dma_start3A_56, %dma_start3A_57] : memref<1000000x16xf32, #tpu.memory_space<hbm>> -> memref<1000000x16xf32, #tpu.memory_space<hbm>>
    tpu.enqueue_indirect_dma source(%dma_start3A_58 : memref<1000000x16xf32, #tpu.memory_space<hbm>>) target(%dma_start3A_52 : memref<128x16xf32, #tpu.memory_space<vmem>>) offsets(%dma_start3A_55 : memref<128xi32, #tpu.memory_space<vmem>>) semaphore(%arg18 : memref<!tpu.dma_semaphore, #tpu.memory_space<semaphore_mem>>)
    %dma_start3A_59 = arith.constant 1 : i32
    %dma_start3A_60 = arith.constant 2 : i32
    %dma_start3A_61 = arith.constant 256 : i32
    %dma_start3A_62 = arith.constant 0 : i32
    %dma_start3A_63 = tpu.memref_slice %arg12[%dma_start3A_61, %dma_start3A_62] : memref<768x16xf32, #tpu.memory_space<vmem>> -> memref<128x16xf32, #tpu.memory_space<vmem>>
    %dma_start3A_64 = arith.constant 0 : i32
    %dma_start3A_65 = tpu.memref_slice %arg8[%dma_start3A_59, %dma_start3A_60, %dma_start3A_64] : memref<4x6x128xi32, #tpu.memory_space<vmem>> -> memref<1x1x128xi32, #tpu.memory_space<vmem>>
    %dma_start3A_66 = tpu.memref_squeeze %dma_start3A_65 : memref<1x1x128xi32, #tpu.memory_space<vmem>> -> memref<128xi32, #tpu.memory_space<vmem>>
    %dma_start3A_67 = arith.constant 0 : i32
    %dma_start3A_68 = arith.constant 0 : i32
    %dma_start3A_69 = tpu.memref_slice %arg5[%dma_start3A_67, %dma_start3A_68] : memref<62500x16xf32, #tpu.memory_space<hbm>> -> memref<62500x16xf32, #tpu.memory_space<hbm>>
    tpu.enqueue_indirect_dma source(%dma_start3A_69 : memref<62500x16xf32, #tpu.memory_space<hbm>>) target(%dma_start3A_63 : memref<128x16xf32, #tpu.memory_space<vmem>>) offsets(%dma_start3A_66 : memref<128xi32, #tpu.memory_space<vmem>>) semaphore(%arg20 : memref<!tpu.dma_semaphore, #tpu.memory_space<semaphore_mem>>)
    %dma_start3A_70 = arith.constant 0 : i32
    %dma_start3A_71 = arith.constant 3 : i32
    %dma_start3A_72 = arith.constant 384 : i32
    %dma_start3A_73 = arith.constant 0 : i32
    %dma_start3A_74 = tpu.memref_slice %arg10[%dma_start3A_72, %dma_start3A_73] : memref<768x16xf32, #tpu.memory_space<vmem>> -> memref<128x16xf32, #tpu.memory_space<vmem>>
    %dma_start3A_75 = arith.constant 0 : i32
    %dma_start3A_76 = tpu.memref_slice %arg8[%dma_start3A_70, %dma_start3A_71, %dma_start3A_75] : memref<4x6x128xi32, #tpu.memory_space<vmem>> -> memref<1x1x128xi32, #tpu.memory_space<vmem>>
    %dma_start3A_77 = tpu.memref_squeeze %dma_start3A_76 : memref<1x1x128xi32, #tpu.memory_space<vmem>> -> memref<128xi32, #tpu.memory_space<vmem>>
    %dma_start3A_78 = arith.constant 0 : i32
    %dma_start3A_79 = arith.constant 0 : i32
    %dma_start3A_80 = tpu.memref_slice %arg4[%dma_start3A_78, %dma_start3A_79] : memref<1000000x16xf32, #tpu.memory_space<hbm>> -> memref<1000000x16xf32, #tpu.memory_space<hbm>>
    tpu.enqueue_indirect_dma source(%dma_start3A_80 : memref<1000000x16xf32, #tpu.memory_space<hbm>>) target(%dma_start3A_74 : memref<128x16xf32, #tpu.memory_space<vmem>>) offsets(%dma_start3A_77 : memref<128xi32, #tpu.memory_space<vmem>>) semaphore(%arg18 : memref<!tpu.dma_semaphore, #tpu.memory_space<semaphore_mem>>)
    %dma_start3A_81 = arith.constant 1 : i32
    %dma_start3A_82 = arith.constant 3 : i32
    %dma_start3A_83 = arith.constant 384 : i32
    %dma_start3A_84 = arith.constant 0 : i32
    %dma_start3A_85 = tpu.memref_slice %arg12[%dma_start3A_83, %dma_start3A_84] : memref<768x16xf32, #tpu.memory_space<vmem>> -> memref<128x16xf32, #tpu.memory_space<vmem>>
    %dma_start3A_86 = arith.constant 0 : i32
    %dma_start3A_87 = tpu.memref_slice %arg8[%dma_start3A_81, %dma_start3A_82, %dma_start3A_86] : memref<4x6x128xi32, #tpu.memory_space<vmem>> -> memref<1x1x128xi32, #tpu.memory_space<vmem>>
    %dma_start3A_88 = tpu.memref_squeeze %dma_start3A_87 : memref<1x1x128xi32, #tpu.memory_space<vmem>> -> memref<128xi32, #tpu.memory_space<vmem>>
    %dma_start3A_89 = arith.constant 0 : i32
    %dma_start3A_90 = arith.constant 0 : i32
    %dma_start3A_91 = tpu.memref_slice %arg5[%dma_start3A_89, %dma_start3A_90] : memref<62500x16xf32, #tpu.memory_space<hbm>> -> memref<62500x16xf32, #tpu.memory_space<hbm>>
    tpu.enqueue_indirect_dma source(%dma_start3A_91 : memref<62500x16xf32, #tpu.memory_space<hbm>>) target(%dma_start3A_85 : memref<128x16xf32, #tpu.memory_space<vmem>>) offsets(%dma_start3A_88 : memref<128xi32, #tpu.memory_space<vmem>>) semaphore(%arg20 : memref<!tpu.dma_semaphore, #tpu.memory_space<semaphore_mem>>)
    %dma_start3A_92 = arith.constant 0 : i32
    %dma_start3A_93 = arith.constant 4 : i32
    %dma_start3A_94 = arith.constant 512 : i32
    %dma_start3A_95 = arith.constant 0 : i32
    %dma_start3A_96 = tpu.memref_slice %arg10[%dma_start3A_94, %dma_start3A_95] : memref<768x16xf32, #tpu.memory_space<vmem>> -> memref<128x16xf32, #tpu.memory_space<vmem>>
    %dma_start3A_97 = arith.constant 0 : i32
    %dma_start3A_98 = tpu.memref_slice %arg8[%dma_start3A_92, %dma_start3A_93, %dma_start3A_97] : memref<4x6x128xi32, #tpu.memory_space<vmem>> -> memref<1x1x128xi32, #tpu.memory_space<vmem>>
    %dma_start3A_99 = tpu.memref_squeeze %dma_start3A_98 : memref<1x1x128xi32, #tpu.memory_space<vmem>> -> memref<128xi32, #tpu.memory_space<vmem>>
    %dma_start3A_100 = arith.constant 0 : i32
    %dma_start3A_101 = arith.constant 0 : i32
    %dma_start3A_102 = tpu.memref_slice %arg4[%dma_start3A_100, %dma_start3A_101] : memref<1000000x16xf32, #tpu.memory_space<hbm>> -> memref<1000000x16xf32, #tpu.memory_space<hbm>>
    tpu.enqueue_indirect_dma source(%dma_start3A_102 : memref<1000000x16xf32, #tpu.memory_space<hbm>>) target(%dma_start3A_96 : memref<128x16xf32, #tpu.memory_space<vmem>>) offsets(%dma_start3A_99 : memref<128xi32, #tpu.memory_space<vmem>>) semaphore(%arg18 : memref<!tpu.dma_semaphore, #tpu.memory_space<semaphore_mem>>)
    %dma_start3A_103 = arith.constant 1 : i32
    %dma_start3A_104 = arith.constant 4 : i32
    %dma_start3A_105 = arith.constant 512 : i32
    %dma_start3A_106 = arith.constant 0 : i32
    %dma_start3A_107 = tpu.memref_slice %arg12[%dma_start3A_105, %dma_start3A_106] : memref<768x16xf32, #tpu.memory_space<vmem>> -> memref<128x16xf32, #tpu.memory_space<vmem>>
    %dma_start3A_108 = arith.constant 0 : i32
    %dma_start3A_109 = tpu.memref_slice %arg8[%dma_start3A_103, %dma_start3A_104, %dma_start3A_108] : memref<4x6x128xi32, #tpu.memory_space<vmem>> -> memref<1x1x128xi32, #tpu.memory_space<vmem>>
    %dma_start3A_110 = tpu.memref_squeeze %dma_start3A_109 : memref<1x1x128xi32, #tpu.memory_space<vmem>> -> memref<128xi32, #tpu.memory_space<vmem>>
    %dma_start3A_111 = arith.constant 0 : i32
    %dma_start3A_112 = arith.constant 0 : i32
    %dma_start3A_113 = tpu.memref_slice %arg5[%dma_start3A_111, %dma_start3A_112] : memref<62500x16xf32, #tpu.memory_space<hbm>> -> memref<62500x16xf32, #tpu.memory_space<hbm>>
    tpu.enqueue_indirect_dma source(%dma_start3A_113 : memref<62500x16xf32, #tpu.memory_space<hbm>>) target(%dma_start3A_107 : memref<128x16xf32, #tpu.memory_space<vmem>>) offsets(%dma_start3A_110 : memref<128xi32, #tpu.memory_space<vmem>>) semaphore(%arg20 : memref<!tpu.dma_semaphore, #tpu.memory_space<semaphore_mem>>)
    %dma_start3A_114 = arith.constant 0 : i32
    %dma_start3A_115 = arith.constant 5 : i32
    %dma_start3A_116 = arith.constant 640 : i32
    %dma_start3A_117 = arith.constant 0 : i32
    %dma_start3A_118 = tpu.memref_slice %arg10[%dma_start3A_116, %dma_start3A_117] : memref<768x16xf32, #tpu.memory_space<vmem>> -> memref<128x16xf32, #tpu.memory_space<vmem>>
    %dma_start3A_119 = arith.constant 0 : i32
    %dma_start3A_120 = tpu.memref_slice %arg8[%dma_start3A_114, %dma_start3A_115, %dma_start3A_119] : memref<4x6x128xi32, #tpu.memory_space<vmem>> -> memref<1x1x128xi32, #tpu.memory_space<vmem>>
    %dma_start3A_121 = tpu.memref_squeeze %dma_start3A_120 : memref<1x1x128xi32, #tpu.memory_space<vmem>> -> memref<128xi32, #tpu.memory_space<vmem>>
    %dma_start3A_122 = arith.constant 0 : i32
    %dma_start3A_123 = arith.constant 0 : i32
    %dma_start3A_124 = tpu.memref_slice %arg4[%dma_start3A_122, %dma_start3A_123] : memref<1000000x16xf32, #tpu.memory_space<hbm>> -> memref<1000000x16xf32, #tpu.memory_space<hbm>>
    tpu.enqueue_indirect_dma source(%dma_start3A_124 : memref<1000000x16xf32, #tpu.memory_space<hbm>>) target(%dma_start3A_118 : memref<128x16xf32, #tpu.memory_space<vmem>>) offsets(%dma_start3A_121 : memref<128xi32, #tpu.memory_space<vmem>>) semaphore(%arg18 : memref<!tpu.dma_semaphore, #tpu.memory_space<semaphore_mem>>)
    %dma_start3A_125 = arith.constant 1 : i32
    %dma_start3A_126 = arith.constant 5 : i32
    %dma_start3A_127 = arith.constant 640 : i32
    %dma_start3A_128 = arith.constant 0 : i32
    %dma_start3A_129 = tpu.memref_slice %arg12[%dma_start3A_127, %dma_start3A_128] : memref<768x16xf32, #tpu.memory_space<vmem>> -> memref<128x16xf32, #tpu.memory_space<vmem>>
    %dma_start3A_130 = arith.constant 0 : i32
    %dma_start3A_131 = tpu.memref_slice %arg8[%dma_start3A_125, %dma_start3A_126, %dma_start3A_130] : memref<4x6x128xi32, #tpu.memory_space<vmem>> -> memref<1x1x128xi32, #tpu.memory_space<vmem>>
    %dma_start3A_132 = tpu.memref_squeeze %dma_start3A_131 : memref<1x1x128xi32, #tpu.memory_space<vmem>> -> memref<128xi32, #tpu.memory_space<vmem>>
    %dma_start3A_133 = arith.constant 0 : i32
    %dma_start3A_134 = arith.constant 0 : i32
    %dma_start3A_135 = tpu.memref_slice %arg5[%dma_start3A_133, %dma_start3A_134] : memref<62500x16xf32, #tpu.memory_space<hbm>> -> memref<62500x16xf32, #tpu.memory_space<hbm>>
    tpu.enqueue_indirect_dma source(%dma_start3A_135 : memref<62500x16xf32, #tpu.memory_space<hbm>>) target(%dma_start3A_129 : memref<128x16xf32, #tpu.memory_space<vmem>>) offsets(%dma_start3A_132 : memref<128xi32, #tpu.memory_space<vmem>>) semaphore(%arg20 : memref<!tpu.dma_semaphore, #tpu.memory_space<semaphore_mem>>)
    %scan3A = arith.constant 0 : i32
    %scan3A_136 = arith.constant 0 : i32
    %scan3A_137 = arith.constant 16 : i32
    %scan3A_138 = arith.addi %scan3A_136, %scan3A_137 : i32
    %scan3A_139 = arith.constant 1 : i32
    %scan3A_140 = scf.for %scan3A_142 = %scan3A_136 to %scan3A_138 step %scan3A_139 iter_args(%scan3A_143 = %scan3A) -> (i32)  : i32 {
      %mul3A_144 = arith.constant 2 : i32
      %mul3A_145 = arith.muli %scan3A_142, %mul3A_144 : i32
      %add3A_146 = arith.constant 0 : i32
      %add3A_147 = arith.addi %mul3A_145, %add3A_146 : i32
      %add3A_148 = arith.constant 1 : i32
      %add3A_149 = arith.addi %add3A_147, %add3A_148 : i32
      %lt3A = arith.constant 32 : i32
      %lt3A_150 = arith.cmpi slt, %add3A_149, %lt3A : i32
      %convert_element_type3A = arith.extui %lt3A_150 : i1 to i32
      %cond3A = arith.constant 0 : i32
      %cond3A_151 = arith.cmpi ne, %convert_element_type3A, %cond3A : i32
      scf.if %cond3A_151 {
        %add3A_452 = arith.addi %mul3A_2, %add3A_147 : i32
        %add3A_453 = arith.constant 1 : i32
        %add3A_454 = arith.addi %add3A_452, %add3A_453 : i32
        "tpu.region"() ({
          %run_scoped3A = tpu.sem_alloc : memref<!tpu.dma_semaphore, #tpu.memory_space<semaphore_mem>>
          %dma_start3A_589 = arith.constant 0 : i32
          %dma_start3A_590 = arith.constant 0 : i32
          %dma_start3A_591 = arith.constant 0 : i32
          %dma_start3A_592 = tpu.memref_slice %arg2[%add3A_454, %dma_start3A_589, %dma_start3A_590, %dma_start3A_591] : memref<1024x4x6x128xi32, #tpu.memory_space<hbm>> -> memref<1x4x6x128xi32, #tpu.memory_space<hbm>>
          %dma_start3A_593 = tpu.memref_squeeze %dma_start3A_592 : memref<1x4x6x128xi32, #tpu.memory_space<hbm>> -> memref<4x6x128xi32, #tpu.memory_space<hbm>>
          %dma_start3A_594 = arith.constant 0 : i32
          %dma_start3A_595 = arith.constant 0 : i32
          %dma_start3A_596 = arith.constant 0 : i32
          %dma_start3A_597 = tpu.memref_slice %arg2[%add3A_454, %dma_start3A_594, %dma_start3A_595, %dma_start3A_596] : memref<1024x4x6x128xi32, #tpu.memory_space<hbm>> -> memref<1x4x6x128xi32, #tpu.memory_space<hbm>>
          %dma_start3A_598 = tpu.memref_squeeze %dma_start3A_597 : memref<1x4x6x128xi32, #tpu.memory_space<hbm>> -> memref<4x6x128xi32, #tpu.memory_space<hbm>>
          tpu.enqueue_dma source(%dma_start3A_598 : memref<4x6x128xi32, #tpu.memory_space<hbm>>) target(%arg9 : memref<4x6x128xi32, #tpu.memory_space<vmem>>) target_semaphore(%run_scoped3A : memref<!tpu.dma_semaphore, #tpu.memory_space<semaphore_mem>>)
          %dma_wait3A_599 = arith.constant 0 : i32
          %dma_wait3A_600 = arith.constant 0 : i32
          %dma_wait3A_601 = arith.constant 0 : i32
          %dma_wait3A_602 = tpu.memref_slice %arg2[%add3A_454, %dma_wait3A_599, %dma_wait3A_600, %dma_wait3A_601] : memref<1024x4x6x128xi32, #tpu.memory_space<hbm>> -> memref<1x4x6x128xi32, #tpu.memory_space<hbm>>
          %dma_wait3A_603 = tpu.memref_squeeze %dma_wait3A_602 : memref<1x4x6x128xi32, #tpu.memory_space<hbm>> -> memref<4x6x128xi32, #tpu.memory_space<hbm>>
          %dma_wait3A_604 = arith.constant 0 : i32
          %dma_wait3A_605 = arith.constant 0 : i32
          %dma_wait3A_606 = arith.constant 0 : i32
          %dma_wait3A_607 = tpu.memref_slice %arg2[%add3A_454, %dma_wait3A_604, %dma_wait3A_605, %dma_wait3A_606] : memref<1024x4x6x128xi32, #tpu.memory_space<hbm>> -> memref<1x4x6x128xi32, #tpu.memory_space<hbm>>
          %dma_wait3A_608 = tpu.memref_squeeze %dma_wait3A_607 : memref<1x4x6x128xi32, #tpu.memory_space<hbm>> -> memref<4x6x128xi32, #tpu.memory_space<hbm>>
          tpu.wait_dma2 semaphore(%run_scoped3A : memref<!tpu.dma_semaphore, #tpu.memory_space<semaphore_mem>>) src(%dma_wait3A_608 : memref<4x6x128xi32, #tpu.memory_space<hbm>>) dst(%arg9 : memref<4x6x128xi32, #tpu.memory_space<vmem>>)
          tpu.yield
        }) : () -> ()
        %mul3A_455 = arith.constant 16 : i32
        %mul3A_456 = arith.muli %add3A_454, %mul3A_455 : i32
        "tpu.region"() ({
          %run_scoped3A = tpu.sem_alloc : memref<!tpu.dma_semaphore, #tpu.memory_space<semaphore_mem>>
          %dma_start3A_589 = arith.constant 0 : i32
          %dma_start3A_590 = arith.constant 432 : i32
          %dma_start3A_591 = tpu.memref_slice %arg15[%dma_start3A_589, %dma_start3A_590] : memref<16x448xf32, #tpu.memory_space<vmem>> -> memref<16x16xf32, #tpu.memory_space<vmem>>
          %dma_start3A_592 = arith.constant 0 : i32
          %dma_start3A_593 = tpu.memref_slice %arg3[%mul3A_456, %dma_start3A_592] : memref<16384x16xf32, #tpu.memory_space<hbm>> -> memref<16x16xf32, #tpu.memory_space<hbm>>
          %dma_start3A_594 = arith.constant 0 : i32
          %dma_start3A_595 = arith.constant 432 : i32
          %dma_start3A_596 = tpu.memref_slice %arg15[%dma_start3A_594, %dma_start3A_595] : memref<16x448xf32, #tpu.memory_space<vmem>> -> memref<16x16xf32, #tpu.memory_space<vmem>>
          %dma_start3A_597 = arith.constant 0 : i32
          %dma_start3A_598 = tpu.memref_slice %arg3[%mul3A_456, %dma_start3A_597] : memref<16384x16xf32, #tpu.memory_space<hbm>> -> memref<16x16xf32, #tpu.memory_space<hbm>>
          tpu.enqueue_dma source(%dma_start3A_598 : memref<16x16xf32, #tpu.memory_space<hbm>>) target(%dma_start3A_596 : memref<16x16xf32, #tpu.memory_space<vmem>>) target_semaphore(%run_scoped3A : memref<!tpu.dma_semaphore, #tpu.memory_space<semaphore_mem>>)
          %dma_wait3A_599 = arith.constant 0 : i32
          %dma_wait3A_600 = arith.constant 432 : i32
          %dma_wait3A_601 = tpu.memref_slice %arg15[%dma_wait3A_599, %dma_wait3A_600] : memref<16x448xf32, #tpu.memory_space<vmem>> -> memref<16x16xf32, #tpu.memory_space<vmem>>
          %dma_wait3A_602 = arith.constant 0 : i32
          %dma_wait3A_603 = tpu.memref_slice %arg3[%mul3A_456, %dma_wait3A_602] : memref<16384x16xf32, #tpu.memory_space<hbm>> -> memref<16x16xf32, #tpu.memory_space<hbm>>
          %dma_wait3A_604 = arith.constant 0 : i32
          %dma_wait3A_605 = arith.constant 432 : i32
          %dma_wait3A_606 = tpu.memref_slice %arg15[%dma_wait3A_604, %dma_wait3A_605] : memref<16x448xf32, #tpu.memory_space<vmem>> -> memref<16x16xf32, #tpu.memory_space<vmem>>
          %dma_wait3A_607 = arith.constant 0 : i32
          %dma_wait3A_608 = tpu.memref_slice %arg3[%mul3A_456, %dma_wait3A_607] : memref<16384x16xf32, #tpu.memory_space<hbm>> -> memref<16x16xf32, #tpu.memory_space<hbm>>
          tpu.wait_dma2 semaphore(%run_scoped3A : memref<!tpu.dma_semaphore, #tpu.memory_space<semaphore_mem>>) src(%dma_wait3A_608 : memref<16x16xf32, #tpu.memory_space<hbm>>) dst(%dma_wait3A_606 : memref<16x16xf32, #tpu.memory_space<vmem>>)
          tpu.yield
        }) : () -> ()
        %dma_start3A_457 = arith.constant 0 : i32
        %dma_start3A_458 = arith.constant 0 : i32
        %dma_start3A_459 = arith.constant 0 : i32
        %dma_start3A_460 = arith.constant 0 : i32
        %dma_start3A_461 = tpu.memref_slice %arg11[%dma_start3A_459, %dma_start3A_460] : memref<768x16xf32, #tpu.memory_space<vmem>> -> memref<128x16xf32, #tpu.memory_space<vmem>>
        %dma_start3A_462 = arith.constant 0 : i32
        %dma_start3A_463 = tpu.memref_slice %arg9[%dma_start3A_457, %dma_start3A_458, %dma_start3A_462] : memref<4x6x128xi32, #tpu.memory_space<vmem>> -> memref<1x1x128xi32, #tpu.memory_space<vmem>>
        %dma_start3A_464 = tpu.memref_squeeze %dma_start3A_463 : memref<1x1x128xi32, #tpu.memory_space<vmem>> -> memref<128xi32, #tpu.memory_space<vmem>>
        %dma_start3A_465 = arith.constant 0 : i32
        %dma_start3A_466 = arith.constant 0 : i32
        %dma_start3A_467 = tpu.memref_slice %arg4[%dma_start3A_465, %dma_start3A_466] : memref<1000000x16xf32, #tpu.memory_space<hbm>> -> memref<1000000x16xf32, #tpu.memory_space<hbm>>
        tpu.enqueue_indirect_dma source(%dma_start3A_467 : memref<1000000x16xf32, #tpu.memory_space<hbm>>) target(%dma_start3A_461 : memref<128x16xf32, #tpu.memory_space<vmem>>) offsets(%dma_start3A_464 : memref<128xi32, #tpu.memory_space<vmem>>) semaphore(%arg19 : memref<!tpu.dma_semaphore, #tpu.memory_space<semaphore_mem>>)
        %dma_start3A_468 = arith.constant 1 : i32
        %dma_start3A_469 = arith.constant 0 : i32
        %dma_start3A_470 = arith.constant 0 : i32
        %dma_start3A_471 = arith.constant 0 : i32
        %dma_start3A_472 = tpu.memref_slice %arg13[%dma_start3A_470, %dma_start3A_471] : memref<768x16xf32, #tpu.memory_space<vmem>> -> memref<128x16xf32, #tpu.memory_space<vmem>>
        %dma_start3A_473 = arith.constant 0 : i32
        %dma_start3A_474 = tpu.memref_slice %arg9[%dma_start3A_468, %dma_start3A_469, %dma_start3A_473] : memref<4x6x128xi32, #tpu.memory_space<vmem>> -> memref<1x1x128xi32, #tpu.memory_space<vmem>>
        %dma_start3A_475 = tpu.memref_squeeze %dma_start3A_474 : memref<1x1x128xi32, #tpu.memory_space<vmem>> -> memref<128xi32, #tpu.memory_space<vmem>>
        %dma_start3A_476 = arith.constant 0 : i32
        %dma_start3A_477 = arith.constant 0 : i32
        %dma_start3A_478 = tpu.memref_slice %arg5[%dma_start3A_476, %dma_start3A_477] : memref<62500x16xf32, #tpu.memory_space<hbm>> -> memref<62500x16xf32, #tpu.memory_space<hbm>>
        tpu.enqueue_indirect_dma source(%dma_start3A_478 : memref<62500x16xf32, #tpu.memory_space<hbm>>) target(%dma_start3A_472 : memref<128x16xf32, #tpu.memory_space<vmem>>) offsets(%dma_start3A_475 : memref<128xi32, #tpu.memory_space<vmem>>) semaphore(%arg21 : memref<!tpu.dma_semaphore, #tpu.memory_space<semaphore_mem>>)
        %dma_start3A_479 = arith.constant 0 : i32
        %dma_start3A_480 = arith.constant 1 : i32
        %dma_start3A_481 = arith.constant 128 : i32
        %dma_start3A_482 = arith.constant 0 : i32
        %dma_start3A_483 = tpu.memref_slice %arg11[%dma_start3A_481, %dma_start3A_482] : memref<768x16xf32, #tpu.memory_space<vmem>> -> memref<128x16xf32, #tpu.memory_space<vmem>>
        %dma_start3A_484 = arith.constant 0 : i32
        %dma_start3A_485 = tpu.memref_slice %arg9[%dma_start3A_479, %dma_start3A_480, %dma_start3A_484] : memref<4x6x128xi32, #tpu.memory_space<vmem>> -> memref<1x1x128xi32, #tpu.memory_space<vmem>>
        %dma_start3A_486 = tpu.memref_squeeze %dma_start3A_485 : memref<1x1x128xi32, #tpu.memory_space<vmem>> -> memref<128xi32, #tpu.memory_space<vmem>>
        %dma_start3A_487 = arith.constant 0 : i32
        %dma_start3A_488 = arith.constant 0 : i32
        %dma_start3A_489 = tpu.memref_slice %arg4[%dma_start3A_487, %dma_start3A_488] : memref<1000000x16xf32, #tpu.memory_space<hbm>> -> memref<1000000x16xf32, #tpu.memory_space<hbm>>
        tpu.enqueue_indirect_dma source(%dma_start3A_489 : memref<1000000x16xf32, #tpu.memory_space<hbm>>) target(%dma_start3A_483 : memref<128x16xf32, #tpu.memory_space<vmem>>) offsets(%dma_start3A_486 : memref<128xi32, #tpu.memory_space<vmem>>) semaphore(%arg19 : memref<!tpu.dma_semaphore, #tpu.memory_space<semaphore_mem>>)
        %dma_start3A_490 = arith.constant 1 : i32
        %dma_start3A_491 = arith.constant 1 : i32
        %dma_start3A_492 = arith.constant 128 : i32
        %dma_start3A_493 = arith.constant 0 : i32
        %dma_start3A_494 = tpu.memref_slice %arg13[%dma_start3A_492, %dma_start3A_493] : memref<768x16xf32, #tpu.memory_space<vmem>> -> memref<128x16xf32, #tpu.memory_space<vmem>>
        %dma_start3A_495 = arith.constant 0 : i32
        %dma_start3A_496 = tpu.memref_slice %arg9[%dma_start3A_490, %dma_start3A_491, %dma_start3A_495] : memref<4x6x128xi32, #tpu.memory_space<vmem>> -> memref<1x1x128xi32, #tpu.memory_space<vmem>>
        %dma_start3A_497 = tpu.memref_squeeze %dma_start3A_496 : memref<1x1x128xi32, #tpu.memory_space<vmem>> -> memref<128xi32, #tpu.memory_space<vmem>>
        %dma_start3A_498 = arith.constant 0 : i32
        %dma_start3A_499 = arith.constant 0 : i32
        %dma_start3A_500 = tpu.memref_slice %arg5[%dma_start3A_498, %dma_start3A_499] : memref<62500x16xf32, #tpu.memory_space<hbm>> -> memref<62500x16xf32, #tpu.memory_space<hbm>>
        tpu.enqueue_indirect_dma source(%dma_start3A_500 : memref<62500x16xf32, #tpu.memory_space<hbm>>) target(%dma_start3A_494 : memref<128x16xf32, #tpu.memory_space<vmem>>) offsets(%dma_start3A_497 : memref<128xi32, #tpu.memory_space<vmem>>) semaphore(%arg21 : memref<!tpu.dma_semaphore, #tpu.memory_space<semaphore_mem>>)
        %dma_start3A_501 = arith.constant 0 : i32
        %dma_start3A_502 = arith.constant 2 : i32
        %dma_start3A_503 = arith.constant 256 : i32
        %dma_start3A_504 = arith.constant 0 : i32
        %dma_start3A_505 = tpu.memref_slice %arg11[%dma_start3A_503, %dma_start3A_504] : memref<768x16xf32, #tpu.memory_space<vmem>> -> memref<128x16xf32, #tpu.memory_space<vmem>>
        %dma_start3A_506 = arith.constant 0 : i32
        %dma_start3A_507 = tpu.memref_slice %arg9[%dma_start3A_501, %dma_start3A_502, %dma_start3A_506] : memref<4x6x128xi32, #tpu.memory_space<vmem>> -> memref<1x1x128xi32, #tpu.memory_space<vmem>>
        %dma_start3A_508 = tpu.memref_squeeze %dma_start3A_507 : memref<1x1x128xi32, #tpu.memory_space<vmem>> -> memref<128xi32, #tpu.memory_space<vmem>>
        %dma_start3A_509 = arith.constant 0 : i32
        %dma_start3A_510 = arith.constant 0 : i32
        %dma_start3A_511 = tpu.memref_slice %arg4[%dma_start3A_509, %dma_start3A_510] : memref<1000000x16xf32, #tpu.memory_space<hbm>> -> memref<1000000x16xf32, #tpu.memory_space<hbm>>
        tpu.enqueue_indirect_dma source(%dma_start3A_511 : memref<1000000x16xf32, #tpu.memory_space<hbm>>) target(%dma_start3A_505 : memref<128x16xf32, #tpu.memory_space<vmem>>) offsets(%dma_start3A_508 : memref<128xi32, #tpu.memory_space<vmem>>) semaphore(%arg19 : memref<!tpu.dma_semaphore, #tpu.memory_space<semaphore_mem>>)
        %dma_start3A_512 = arith.constant 1 : i32
        %dma_start3A_513 = arith.constant 2 : i32
        %dma_start3A_514 = arith.constant 256 : i32
        %dma_start3A_515 = arith.constant 0 : i32
        %dma_start3A_516 = tpu.memref_slice %arg13[%dma_start3A_514, %dma_start3A_515] : memref<768x16xf32, #tpu.memory_space<vmem>> -> memref<128x16xf32, #tpu.memory_space<vmem>>
        %dma_start3A_517 = arith.constant 0 : i32
        %dma_start3A_518 = tpu.memref_slice %arg9[%dma_start3A_512, %dma_start3A_513, %dma_start3A_517] : memref<4x6x128xi32, #tpu.memory_space<vmem>> -> memref<1x1x128xi32, #tpu.memory_space<vmem>>
        %dma_start3A_519 = tpu.memref_squeeze %dma_start3A_518 : memref<1x1x128xi32, #tpu.memory_space<vmem>> -> memref<128xi32, #tpu.memory_space<vmem>>
        %dma_start3A_520 = arith.constant 0 : i32
        %dma_start3A_521 = arith.constant 0 : i32
        %dma_start3A_522 = tpu.memref_slice %arg5[%dma_start3A_520, %dma_start3A_521] : memref<62500x16xf32, #tpu.memory_space<hbm>> -> memref<62500x16xf32, #tpu.memory_space<hbm>>
        tpu.enqueue_indirect_dma source(%dma_start3A_522 : memref<62500x16xf32, #tpu.memory_space<hbm>>) target(%dma_start3A_516 : memref<128x16xf32, #tpu.memory_space<vmem>>) offsets(%dma_start3A_519 : memref<128xi32, #tpu.memory_space<vmem>>) semaphore(%arg21 : memref<!tpu.dma_semaphore, #tpu.memory_space<semaphore_mem>>)
        %dma_start3A_523 = arith.constant 0 : i32
        %dma_start3A_524 = arith.constant 3 : i32
        %dma_start3A_525 = arith.constant 384 : i32
        %dma_start3A_526 = arith.constant 0 : i32
        %dma_start3A_527 = tpu.memref_slice %arg11[%dma_start3A_525, %dma_start3A_526] : memref<768x16xf32, #tpu.memory_space<vmem>> -> memref<128x16xf32, #tpu.memory_space<vmem>>
        %dma_start3A_528 = arith.constant 0 : i32
        %dma_start3A_529 = tpu.memref_slice %arg9[%dma_start3A_523, %dma_start3A_524, %dma_start3A_528] : memref<4x6x128xi32, #tpu.memory_space<vmem>> -> memref<1x1x128xi32, #tpu.memory_space<vmem>>
        %dma_start3A_530 = tpu.memref_squeeze %dma_start3A_529 : memref<1x1x128xi32, #tpu.memory_space<vmem>> -> memref<128xi32, #tpu.memory_space<vmem>>
        %dma_start3A_531 = arith.constant 0 : i32
        %dma_start3A_532 = arith.constant 0 : i32
        %dma_start3A_533 = tpu.memref_slice %arg4[%dma_start3A_531, %dma_start3A_532] : memref<1000000x16xf32, #tpu.memory_space<hbm>> -> memref<1000000x16xf32, #tpu.memory_space<hbm>>
        tpu.enqueue_indirect_dma source(%dma_start3A_533 : memref<1000000x16xf32, #tpu.memory_space<hbm>>) target(%dma_start3A_527 : memref<128x16xf32, #tpu.memory_space<vmem>>) offsets(%dma_start3A_530 : memref<128xi32, #tpu.memory_space<vmem>>) semaphore(%arg19 : memref<!tpu.dma_semaphore, #tpu.memory_space<semaphore_mem>>)
        %dma_start3A_534 = arith.constant 1 : i32
        %dma_start3A_535 = arith.constant 3 : i32
        %dma_start3A_536 = arith.constant 384 : i32
        %dma_start3A_537 = arith.constant 0 : i32
        %dma_start3A_538 = tpu.memref_slice %arg13[%dma_start3A_536, %dma_start3A_537] : memref<768x16xf32, #tpu.memory_space<vmem>> -> memref<128x16xf32, #tpu.memory_space<vmem>>
        %dma_start3A_539 = arith.constant 0 : i32
        %dma_start3A_540 = tpu.memref_slice %arg9[%dma_start3A_534, %dma_start3A_535, %dma_start3A_539] : memref<4x6x128xi32, #tpu.memory_space<vmem>> -> memref<1x1x128xi32, #tpu.memory_space<vmem>>
        %dma_start3A_541 = tpu.memref_squeeze %dma_start3A_540 : memref<1x1x128xi32, #tpu.memory_space<vmem>> -> memref<128xi32, #tpu.memory_space<vmem>>
        %dma_start3A_542 = arith.constant 0 : i32
        %dma_start3A_543 = arith.constant 0 : i32
        %dma_start3A_544 = tpu.memref_slice %arg5[%dma_start3A_542, %dma_start3A_543] : memref<62500x16xf32, #tpu.memory_space<hbm>> -> memref<62500x16xf32, #tpu.memory_space<hbm>>
        tpu.enqueue_indirect_dma source(%dma_start3A_544 : memref<62500x16xf32, #tpu.memory_space<hbm>>) target(%dma_start3A_538 : memref<128x16xf32, #tpu.memory_space<vmem>>) offsets(%dma_start3A_541 : memref<128xi32, #tpu.memory_space<vmem>>) semaphore(%arg21 : memref<!tpu.dma_semaphore, #tpu.memory_space<semaphore_mem>>)
        %dma_start3A_545 = arith.constant 0 : i32
        %dma_start3A_546 = arith.constant 4 : i32
        %dma_start3A_547 = arith.constant 512 : i32
        %dma_start3A_548 = arith.constant 0 : i32
        %dma_start3A_549 = tpu.memref_slice %arg11[%dma_start3A_547, %dma_start3A_548] : memref<768x16xf32, #tpu.memory_space<vmem>> -> memref<128x16xf32, #tpu.memory_space<vmem>>
        %dma_start3A_550 = arith.constant 0 : i32
        %dma_start3A_551 = tpu.memref_slice %arg9[%dma_start3A_545, %dma_start3A_546, %dma_start3A_550] : memref<4x6x128xi32, #tpu.memory_space<vmem>> -> memref<1x1x128xi32, #tpu.memory_space<vmem>>
        %dma_start3A_552 = tpu.memref_squeeze %dma_start3A_551 : memref<1x1x128xi32, #tpu.memory_space<vmem>> -> memref<128xi32, #tpu.memory_space<vmem>>
        %dma_start3A_553 = arith.constant 0 : i32
        %dma_start3A_554 = arith.constant 0 : i32
        %dma_start3A_555 = tpu.memref_slice %arg4[%dma_start3A_553, %dma_start3A_554] : memref<1000000x16xf32, #tpu.memory_space<hbm>> -> memref<1000000x16xf32, #tpu.memory_space<hbm>>
        tpu.enqueue_indirect_dma source(%dma_start3A_555 : memref<1000000x16xf32, #tpu.memory_space<hbm>>) target(%dma_start3A_549 : memref<128x16xf32, #tpu.memory_space<vmem>>) offsets(%dma_start3A_552 : memref<128xi32, #tpu.memory_space<vmem>>) semaphore(%arg19 : memref<!tpu.dma_semaphore, #tpu.memory_space<semaphore_mem>>)
        %dma_start3A_556 = arith.constant 1 : i32
        %dma_start3A_557 = arith.constant 4 : i32
        %dma_start3A_558 = arith.constant 512 : i32
        %dma_start3A_559 = arith.constant 0 : i32
        %dma_start3A_560 = tpu.memref_slice %arg13[%dma_start3A_558, %dma_start3A_559] : memref<768x16xf32, #tpu.memory_space<vmem>> -> memref<128x16xf32, #tpu.memory_space<vmem>>
        %dma_start3A_561 = arith.constant 0 : i32
        %dma_start3A_562 = tpu.memref_slice %arg9[%dma_start3A_556, %dma_start3A_557, %dma_start3A_561] : memref<4x6x128xi32, #tpu.memory_space<vmem>> -> memref<1x1x128xi32, #tpu.memory_space<vmem>>
        %dma_start3A_563 = tpu.memref_squeeze %dma_start3A_562 : memref<1x1x128xi32, #tpu.memory_space<vmem>> -> memref<128xi32, #tpu.memory_space<vmem>>
        %dma_start3A_564 = arith.constant 0 : i32
        %dma_start3A_565 = arith.constant 0 : i32
        %dma_start3A_566 = tpu.memref_slice %arg5[%dma_start3A_564, %dma_start3A_565] : memref<62500x16xf32, #tpu.memory_space<hbm>> -> memref<62500x16xf32, #tpu.memory_space<hbm>>
        tpu.enqueue_indirect_dma source(%dma_start3A_566 : memref<62500x16xf32, #tpu.memory_space<hbm>>) target(%dma_start3A_560 : memref<128x16xf32, #tpu.memory_space<vmem>>) offsets(%dma_start3A_563 : memref<128xi32, #tpu.memory_space<vmem>>) semaphore(%arg21 : memref<!tpu.dma_semaphore, #tpu.memory_space<semaphore_mem>>)
        %dma_start3A_567 = arith.constant 0 : i32
        %dma_start3A_568 = arith.constant 5 : i32
        %dma_start3A_569 = arith.constant 640 : i32
        %dma_start3A_570 = arith.constant 0 : i32
        %dma_start3A_571 = tpu.memref_slice %arg11[%dma_start3A_569, %dma_start3A_570] : memref<768x16xf32, #tpu.memory_space<vmem>> -> memref<128x16xf32, #tpu.memory_space<vmem>>
        %dma_start3A_572 = arith.constant 0 : i32
        %dma_start3A_573 = tpu.memref_slice %arg9[%dma_start3A_567, %dma_start3A_568, %dma_start3A_572] : memref<4x6x128xi32, #tpu.memory_space<vmem>> -> memref<1x1x128xi32, #tpu.memory_space<vmem>>
        %dma_start3A_574 = tpu.memref_squeeze %dma_start3A_573 : memref<1x1x128xi32, #tpu.memory_space<vmem>> -> memref<128xi32, #tpu.memory_space<vmem>>
        %dma_start3A_575 = arith.constant 0 : i32
        %dma_start3A_576 = arith.constant 0 : i32
        %dma_start3A_577 = tpu.memref_slice %arg4[%dma_start3A_575, %dma_start3A_576] : memref<1000000x16xf32, #tpu.memory_space<hbm>> -> memref<1000000x16xf32, #tpu.memory_space<hbm>>
        tpu.enqueue_indirect_dma source(%dma_start3A_577 : memref<1000000x16xf32, #tpu.memory_space<hbm>>) target(%dma_start3A_571 : memref<128x16xf32, #tpu.memory_space<vmem>>) offsets(%dma_start3A_574 : memref<128xi32, #tpu.memory_space<vmem>>) semaphore(%arg19 : memref<!tpu.dma_semaphore, #tpu.memory_space<semaphore_mem>>)
        %dma_start3A_578 = arith.constant 1 : i32
        %dma_start3A_579 = arith.constant 5 : i32
        %dma_start3A_580 = arith.constant 640 : i32
        %dma_start3A_581 = arith.constant 0 : i32
        %dma_start3A_582 = tpu.memref_slice %arg13[%dma_start3A_580, %dma_start3A_581] : memref<768x16xf32, #tpu.memory_space<vmem>> -> memref<128x16xf32, #tpu.memory_space<vmem>>
        %dma_start3A_583 = arith.constant 0 : i32
        %dma_start3A_584 = tpu.memref_slice %arg9[%dma_start3A_578, %dma_start3A_579, %dma_start3A_583] : memref<4x6x128xi32, #tpu.memory_space<vmem>> -> memref<1x1x128xi32, #tpu.memory_space<vmem>>
        %dma_start3A_585 = tpu.memref_squeeze %dma_start3A_584 : memref<1x1x128xi32, #tpu.memory_space<vmem>> -> memref<128xi32, #tpu.memory_space<vmem>>
        %dma_start3A_586 = arith.constant 0 : i32
        %dma_start3A_587 = arith.constant 0 : i32
        %dma_start3A_588 = tpu.memref_slice %arg5[%dma_start3A_586, %dma_start3A_587] : memref<62500x16xf32, #tpu.memory_space<hbm>> -> memref<62500x16xf32, #tpu.memory_space<hbm>>
        tpu.enqueue_indirect_dma source(%dma_start3A_588 : memref<62500x16xf32, #tpu.memory_space<hbm>>) target(%dma_start3A_582 : memref<128x16xf32, #tpu.memory_space<vmem>>) offsets(%dma_start3A_585 : memref<128xi32, #tpu.memory_space<vmem>>) semaphore(%arg21 : memref<!tpu.dma_semaphore, #tpu.memory_space<semaphore_mem>>)
      } else {
      }
      %dma_wait3A = arith.constant 0 : i32
      %dma_wait3A_152 = arith.constant 0 : i32
      %dma_wait3A_153 = arith.constant 0 : i32
      %dma_wait3A_154 = arith.constant 0 : i32
      %dma_wait3A_155 = tpu.memref_slice %arg10[%dma_wait3A_153, %dma_wait3A_154] : memref<768x16xf32, #tpu.memory_space<vmem>> -> memref<128x16xf32, #tpu.memory_space<vmem>>
      %dma_wait3A_156 = arith.constant 0 : i32
      %dma_wait3A_157 = tpu.memref_slice %arg8[%dma_wait3A, %dma_wait3A_152, %dma_wait3A_156] : memref<4x6x128xi32, #tpu.memory_space<vmem>> -> memref<1x1x128xi32, #tpu.memory_space<vmem>>
      %dma_wait3A_158 = tpu.memref_squeeze %dma_wait3A_157 : memref<1x1x128xi32, #tpu.memory_space<vmem>> -> memref<128xi32, #tpu.memory_space<vmem>>
      %dma_wait3A_159 = arith.constant 0 : i32
      %dma_wait3A_160 = arith.constant 0 : i32
      %dma_wait3A_161 = tpu.memref_slice %arg4[%dma_wait3A_159, %dma_wait3A_160] : memref<1000000x16xf32, #tpu.memory_space<hbm>> -> memref<1000000x16xf32, #tpu.memory_space<hbm>>
      tpu.wait_indirect_dma semaphore(%arg18 : memref<!tpu.dma_semaphore, #tpu.memory_space<semaphore_mem>>) src(%dma_wait3A_161 : memref<1000000x16xf32, #tpu.memory_space<hbm>>) dst(%dma_wait3A_155 : memref<128x16xf32, #tpu.memory_space<vmem>>)
      %dma_wait3A_162 = arith.constant 1 : i32
      %dma_wait3A_163 = arith.constant 0 : i32
      %dma_wait3A_164 = arith.constant 0 : i32
      %dma_wait3A_165 = arith.constant 0 : i32
      %dma_wait3A_166 = tpu.memref_slice %arg12[%dma_wait3A_164, %dma_wait3A_165] : memref<768x16xf32, #tpu.memory_space<vmem>> -> memref<128x16xf32, #tpu.memory_space<vmem>>
      %dma_wait3A_167 = arith.constant 0 : i32
      %dma_wait3A_168 = tpu.memref_slice %arg8[%dma_wait3A_162, %dma_wait3A_163, %dma_wait3A_167] : memref<4x6x128xi32, #tpu.memory_space<vmem>> -> memref<1x1x128xi32, #tpu.memory_space<vmem>>
      %dma_wait3A_169 = tpu.memref_squeeze %dma_wait3A_168 : memref<1x1x128xi32, #tpu.memory_space<vmem>> -> memref<128xi32, #tpu.memory_space<vmem>>
      %dma_wait3A_170 = arith.constant 0 : i32
      %dma_wait3A_171 = arith.constant 0 : i32
      %dma_wait3A_172 = tpu.memref_slice %arg5[%dma_wait3A_170, %dma_wait3A_171] : memref<62500x16xf32, #tpu.memory_space<hbm>> -> memref<62500x16xf32, #tpu.memory_space<hbm>>
      tpu.wait_indirect_dma semaphore(%arg20 : memref<!tpu.dma_semaphore, #tpu.memory_space<semaphore_mem>>) src(%dma_wait3A_172 : memref<62500x16xf32, #tpu.memory_space<hbm>>) dst(%dma_wait3A_166 : memref<128x16xf32, #tpu.memory_space<vmem>>)
      %dma_wait3A_173 = arith.constant 0 : i32
      %dma_wait3A_174 = arith.constant 1 : i32
      %dma_wait3A_175 = arith.constant 128 : i32
      %dma_wait3A_176 = arith.constant 0 : i32
      %dma_wait3A_177 = tpu.memref_slice %arg10[%dma_wait3A_175, %dma_wait3A_176] : memref<768x16xf32, #tpu.memory_space<vmem>> -> memref<128x16xf32, #tpu.memory_space<vmem>>
      %dma_wait3A_178 = arith.constant 0 : i32
      %dma_wait3A_179 = tpu.memref_slice %arg8[%dma_wait3A_173, %dma_wait3A_174, %dma_wait3A_178] : memref<4x6x128xi32, #tpu.memory_space<vmem>> -> memref<1x1x128xi32, #tpu.memory_space<vmem>>
      %dma_wait3A_180 = tpu.memref_squeeze %dma_wait3A_179 : memref<1x1x128xi32, #tpu.memory_space<vmem>> -> memref<128xi32, #tpu.memory_space<vmem>>
      %dma_wait3A_181 = arith.constant 0 : i32
      %dma_wait3A_182 = arith.constant 0 : i32
      %dma_wait3A_183 = tpu.memref_slice %arg4[%dma_wait3A_181, %dma_wait3A_182] : memref<1000000x16xf32, #tpu.memory_space<hbm>> -> memref<1000000x16xf32, #tpu.memory_space<hbm>>
      tpu.wait_indirect_dma semaphore(%arg18 : memref<!tpu.dma_semaphore, #tpu.memory_space<semaphore_mem>>) src(%dma_wait3A_183 : memref<1000000x16xf32, #tpu.memory_space<hbm>>) dst(%dma_wait3A_177 : memref<128x16xf32, #tpu.memory_space<vmem>>)
      %dma_wait3A_184 = arith.constant 1 : i32
      %dma_wait3A_185 = arith.constant 1 : i32
      %dma_wait3A_186 = arith.constant 128 : i32
      %dma_wait3A_187 = arith.constant 0 : i32
      %dma_wait3A_188 = tpu.memref_slice %arg12[%dma_wait3A_186, %dma_wait3A_187] : memref<768x16xf32, #tpu.memory_space<vmem>> -> memref<128x16xf32, #tpu.memory_space<vmem>>
      %dma_wait3A_189 = arith.constant 0 : i32
      %dma_wait3A_190 = tpu.memref_slice %arg8[%dma_wait3A_184, %dma_wait3A_185, %dma_wait3A_189] : memref<4x6x128xi32, #tpu.memory_space<vmem>> -> memref<1x1x128xi32, #tpu.memory_space<vmem>>
      %dma_wait3A_191 = tpu.memref_squeeze %dma_wait3A_190 : memref<1x1x128xi32, #tpu.memory_space<vmem>> -> memref<128xi32, #tpu.memory_space<vmem>>
      %dma_wait3A_192 = arith.constant 0 : i32
      %dma_wait3A_193 = arith.constant 0 : i32
      %dma_wait3A_194 = tpu.memref_slice %arg5[%dma_wait3A_192, %dma_wait3A_193] : memref<62500x16xf32, #tpu.memory_space<hbm>> -> memref<62500x16xf32, #tpu.memory_space<hbm>>
      tpu.wait_indirect_dma semaphore(%arg20 : memref<!tpu.dma_semaphore, #tpu.memory_space<semaphore_mem>>) src(%dma_wait3A_194 : memref<62500x16xf32, #tpu.memory_space<hbm>>) dst(%dma_wait3A_188 : memref<128x16xf32, #tpu.memory_space<vmem>>)
      %dma_wait3A_195 = arith.constant 0 : i32
      %dma_wait3A_196 = arith.constant 2 : i32
      %dma_wait3A_197 = arith.constant 256 : i32
      %dma_wait3A_198 = arith.constant 0 : i32
      %dma_wait3A_199 = tpu.memref_slice %arg10[%dma_wait3A_197, %dma_wait3A_198] : memref<768x16xf32, #tpu.memory_space<vmem>> -> memref<128x16xf32, #tpu.memory_space<vmem>>
      %dma_wait3A_200 = arith.constant 0 : i32
      %dma_wait3A_201 = tpu.memref_slice %arg8[%dma_wait3A_195, %dma_wait3A_196, %dma_wait3A_200] : memref<4x6x128xi32, #tpu.memory_space<vmem>> -> memref<1x1x128xi32, #tpu.memory_space<vmem>>
      %dma_wait3A_202 = tpu.memref_squeeze %dma_wait3A_201 : memref<1x1x128xi32, #tpu.memory_space<vmem>> -> memref<128xi32, #tpu.memory_space<vmem>>
      %dma_wait3A_203 = arith.constant 0 : i32
      %dma_wait3A_204 = arith.constant 0 : i32
      %dma_wait3A_205 = tpu.memref_slice %arg4[%dma_wait3A_203, %dma_wait3A_204] : memref<1000000x16xf32, #tpu.memory_space<hbm>> -> memref<1000000x16xf32, #tpu.memory_space<hbm>>
      tpu.wait_indirect_dma semaphore(%arg18 : memref<!tpu.dma_semaphore, #tpu.memory_space<semaphore_mem>>) src(%dma_wait3A_205 : memref<1000000x16xf32, #tpu.memory_space<hbm>>) dst(%dma_wait3A_199 : memref<128x16xf32, #tpu.memory_space<vmem>>)
      %dma_wait3A_206 = arith.constant 1 : i32
      %dma_wait3A_207 = arith.constant 2 : i32
      %dma_wait3A_208 = arith.constant 256 : i32
      %dma_wait3A_209 = arith.constant 0 : i32
      %dma_wait3A_210 = tpu.memref_slice %arg12[%dma_wait3A_208, %dma_wait3A_209] : memref<768x16xf32, #tpu.memory_space<vmem>> -> memref<128x16xf32, #tpu.memory_space<vmem>>
      %dma_wait3A_211 = arith.constant 0 : i32
      %dma_wait3A_212 = tpu.memref_slice %arg8[%dma_wait3A_206, %dma_wait3A_207, %dma_wait3A_211] : memref<4x6x128xi32, #tpu.memory_space<vmem>> -> memref<1x1x128xi32, #tpu.memory_space<vmem>>
      %dma_wait3A_213 = tpu.memref_squeeze %dma_wait3A_212 : memref<1x1x128xi32, #tpu.memory_space<vmem>> -> memref<128xi32, #tpu.memory_space<vmem>>
      %dma_wait3A_214 = arith.constant 0 : i32
      %dma_wait3A_215 = arith.constant 0 : i32
      %dma_wait3A_216 = tpu.memref_slice %arg5[%dma_wait3A_214, %dma_wait3A_215] : memref<62500x16xf32, #tpu.memory_space<hbm>> -> memref<62500x16xf32, #tpu.memory_space<hbm>>
      tpu.wait_indirect_dma semaphore(%arg20 : memref<!tpu.dma_semaphore, #tpu.memory_space<semaphore_mem>>) src(%dma_wait3A_216 : memref<62500x16xf32, #tpu.memory_space<hbm>>) dst(%dma_wait3A_210 : memref<128x16xf32, #tpu.memory_space<vmem>>)
      %dma_wait3A_217 = arith.constant 0 : i32
      %dma_wait3A_218 = arith.constant 3 : i32
      %dma_wait3A_219 = arith.constant 384 : i32
      %dma_wait3A_220 = arith.constant 0 : i32
      %dma_wait3A_221 = tpu.memref_slice %arg10[%dma_wait3A_219, %dma_wait3A_220] : memref<768x16xf32, #tpu.memory_space<vmem>> -> memref<128x16xf32, #tpu.memory_space<vmem>>
      %dma_wait3A_222 = arith.constant 0 : i32
      %dma_wait3A_223 = tpu.memref_slice %arg8[%dma_wait3A_217, %dma_wait3A_218, %dma_wait3A_222] : memref<4x6x128xi32, #tpu.memory_space<vmem>> -> memref<1x1x128xi32, #tpu.memory_space<vmem>>
      %dma_wait3A_224 = tpu.memref_squeeze %dma_wait3A_223 : memref<1x1x128xi32, #tpu.memory_space<vmem>> -> memref<128xi32, #tpu.memory_space<vmem>>
      %dma_wait3A_225 = arith.constant 0 : i32
      %dma_wait3A_226 = arith.constant 0 : i32
      %dma_wait3A_227 = tpu.memref_slice %arg4[%dma_wait3A_225, %dma_wait3A_226] : memref<1000000x16xf32, #tpu.memory_space<hbm>> -> memref<1000000x16xf32, #tpu.memory_space<hbm>>
      tpu.wait_indirect_dma semaphore(%arg18 : memref<!tpu.dma_semaphore, #tpu.memory_space<semaphore_mem>>) src(%dma_wait3A_227 : memref<1000000x16xf32, #tpu.memory_space<hbm>>) dst(%dma_wait3A_221 : memref<128x16xf32, #tpu.memory_space<vmem>>)
      %dma_wait3A_228 = arith.constant 1 : i32
      %dma_wait3A_229 = arith.constant 3 : i32
      %dma_wait3A_230 = arith.constant 384 : i32
      %dma_wait3A_231 = arith.constant 0 : i32
      %dma_wait3A_232 = tpu.memref_slice %arg12[%dma_wait3A_230, %dma_wait3A_231] : memref<768x16xf32, #tpu.memory_space<vmem>> -> memref<128x16xf32, #tpu.memory_space<vmem>>
      %dma_wait3A_233 = arith.constant 0 : i32
      %dma_wait3A_234 = tpu.memref_slice %arg8[%dma_wait3A_228, %dma_wait3A_229, %dma_wait3A_233] : memref<4x6x128xi32, #tpu.memory_space<vmem>> -> memref<1x1x128xi32, #tpu.memory_space<vmem>>
      %dma_wait3A_235 = tpu.memref_squeeze %dma_wait3A_234 : memref<1x1x128xi32, #tpu.memory_space<vmem>> -> memref<128xi32, #tpu.memory_space<vmem>>
      %dma_wait3A_236 = arith.constant 0 : i32
      %dma_wait3A_237 = arith.constant 0 : i32
      %dma_wait3A_238 = tpu.memref_slice %arg5[%dma_wait3A_236, %dma_wait3A_237] : memref<62500x16xf32, #tpu.memory_space<hbm>> -> memref<62500x16xf32, #tpu.memory_space<hbm>>
      tpu.wait_indirect_dma semaphore(%arg20 : memref<!tpu.dma_semaphore, #tpu.memory_space<semaphore_mem>>) src(%dma_wait3A_238 : memref<62500x16xf32, #tpu.memory_space<hbm>>) dst(%dma_wait3A_232 : memref<128x16xf32, #tpu.memory_space<vmem>>)
      %dma_wait3A_239 = arith.constant 0 : i32
      %dma_wait3A_240 = arith.constant 4 : i32
      %dma_wait3A_241 = arith.constant 512 : i32
      %dma_wait3A_242 = arith.constant 0 : i32
      %dma_wait3A_243 = tpu.memref_slice %arg10[%dma_wait3A_241, %dma_wait3A_242] : memref<768x16xf32, #tpu.memory_space<vmem>> -> memref<128x16xf32, #tpu.memory_space<vmem>>
      %dma_wait3A_244 = arith.constant 0 : i32
      %dma_wait3A_245 = tpu.memref_slice %arg8[%dma_wait3A_239, %dma_wait3A_240, %dma_wait3A_244] : memref<4x6x128xi32, #tpu.memory_space<vmem>> -> memref<1x1x128xi32, #tpu.memory_space<vmem>>
      %dma_wait3A_246 = tpu.memref_squeeze %dma_wait3A_245 : memref<1x1x128xi32, #tpu.memory_space<vmem>> -> memref<128xi32, #tpu.memory_space<vmem>>
      %dma_wait3A_247 = arith.constant 0 : i32
      %dma_wait3A_248 = arith.constant 0 : i32
      %dma_wait3A_249 = tpu.memref_slice %arg4[%dma_wait3A_247, %dma_wait3A_248] : memref<1000000x16xf32, #tpu.memory_space<hbm>> -> memref<1000000x16xf32, #tpu.memory_space<hbm>>
      tpu.wait_indirect_dma semaphore(%arg18 : memref<!tpu.dma_semaphore, #tpu.memory_space<semaphore_mem>>) src(%dma_wait3A_249 : memref<1000000x16xf32, #tpu.memory_space<hbm>>) dst(%dma_wait3A_243 : memref<128x16xf32, #tpu.memory_space<vmem>>)
      %dma_wait3A_250 = arith.constant 1 : i32
      %dma_wait3A_251 = arith.constant 4 : i32
      %dma_wait3A_252 = arith.constant 512 : i32
      %dma_wait3A_253 = arith.constant 0 : i32
      %dma_wait3A_254 = tpu.memref_slice %arg12[%dma_wait3A_252, %dma_wait3A_253] : memref<768x16xf32, #tpu.memory_space<vmem>> -> memref<128x16xf32, #tpu.memory_space<vmem>>
      %dma_wait3A_255 = arith.constant 0 : i32
      %dma_wait3A_256 = tpu.memref_slice %arg8[%dma_wait3A_250, %dma_wait3A_251, %dma_wait3A_255] : memref<4x6x128xi32, #tpu.memory_space<vmem>> -> memref<1x1x128xi32, #tpu.memory_space<vmem>>
      %dma_wait3A_257 = tpu.memref_squeeze %dma_wait3A_256 : memref<1x1x128xi32, #tpu.memory_space<vmem>> -> memref<128xi32, #tpu.memory_space<vmem>>
      %dma_wait3A_258 = arith.constant 0 : i32
      %dma_wait3A_259 = arith.constant 0 : i32
      %dma_wait3A_260 = tpu.memref_slice %arg5[%dma_wait3A_258, %dma_wait3A_259] : memref<62500x16xf32, #tpu.memory_space<hbm>> -> memref<62500x16xf32, #tpu.memory_space<hbm>>
      tpu.wait_indirect_dma semaphore(%arg20 : memref<!tpu.dma_semaphore, #tpu.memory_space<semaphore_mem>>) src(%dma_wait3A_260 : memref<62500x16xf32, #tpu.memory_space<hbm>>) dst(%dma_wait3A_254 : memref<128x16xf32, #tpu.memory_space<vmem>>)
      %dma_wait3A_261 = arith.constant 0 : i32
      %dma_wait3A_262 = arith.constant 5 : i32
      %dma_wait3A_263 = arith.constant 640 : i32
      %dma_wait3A_264 = arith.constant 0 : i32
      %dma_wait3A_265 = tpu.memref_slice %arg10[%dma_wait3A_263, %dma_wait3A_264] : memref<768x16xf32, #tpu.memory_space<vmem>> -> memref<128x16xf32, #tpu.memory_space<vmem>>
      %dma_wait3A_266 = arith.constant 0 : i32
      %dma_wait3A_267 = tpu.memref_slice %arg8[%dma_wait3A_261, %dma_wait3A_262, %dma_wait3A_266] : memref<4x6x128xi32, #tpu.memory_space<vmem>> -> memref<1x1x128xi32, #tpu.memory_space<vmem>>
      %dma_wait3A_268 = tpu.memref_squeeze %dma_wait3A_267 : memref<1x1x128xi32, #tpu.memory_space<vmem>> -> memref<128xi32, #tpu.memory_space<vmem>>
      %dma_wait3A_269 = arith.constant 0 : i32
      %dma_wait3A_270 = arith.constant 0 : i32
      %dma_wait3A_271 = tpu.memref_slice %arg4[%dma_wait3A_269, %dma_wait3A_270] : memref<1000000x16xf32, #tpu.memory_space<hbm>> -> memref<1000000x16xf32, #tpu.memory_space<hbm>>
      tpu.wait_indirect_dma semaphore(%arg18 : memref<!tpu.dma_semaphore, #tpu.memory_space<semaphore_mem>>) src(%dma_wait3A_271 : memref<1000000x16xf32, #tpu.memory_space<hbm>>) dst(%dma_wait3A_265 : memref<128x16xf32, #tpu.memory_space<vmem>>)
      %dma_wait3A_272 = arith.constant 1 : i32
      %dma_wait3A_273 = arith.constant 5 : i32
      %dma_wait3A_274 = arith.constant 640 : i32
      %dma_wait3A_275 = arith.constant 0 : i32
      %dma_wait3A_276 = tpu.memref_slice %arg12[%dma_wait3A_274, %dma_wait3A_275] : memref<768x16xf32, #tpu.memory_space<vmem>> -> memref<128x16xf32, #tpu.memory_space<vmem>>
      %dma_wait3A_277 = arith.constant 0 : i32
      %dma_wait3A_278 = tpu.memref_slice %arg8[%dma_wait3A_272, %dma_wait3A_273, %dma_wait3A_277] : memref<4x6x128xi32, #tpu.memory_space<vmem>> -> memref<1x1x128xi32, #tpu.memory_space<vmem>>
      %dma_wait3A_279 = tpu.memref_squeeze %dma_wait3A_278 : memref<1x1x128xi32, #tpu.memory_space<vmem>> -> memref<128xi32, #tpu.memory_space<vmem>>
      %dma_wait3A_280 = arith.constant 0 : i32
      %dma_wait3A_281 = arith.constant 0 : i32
      %dma_wait3A_282 = tpu.memref_slice %arg5[%dma_wait3A_280, %dma_wait3A_281] : memref<62500x16xf32, #tpu.memory_space<hbm>> -> memref<62500x16xf32, #tpu.memory_space<hbm>>
      tpu.wait_indirect_dma semaphore(%arg20 : memref<!tpu.dma_semaphore, #tpu.memory_space<semaphore_mem>>) src(%dma_wait3A_282 : memref<62500x16xf32, #tpu.memory_space<hbm>>) dst(%dma_wait3A_276 : memref<128x16xf32, #tpu.memory_space<vmem>>)
      %add3A_283 = arith.addi %mul3A_2, %add3A_147 : i32
      %iota3A = tpu.iota {dimensions = array<i32: 0>} : vector<16xi32>
      %scan3A_284 = arith.constant 0 : i32
      %scan3A_285 = arith.constant 0 : i32
      %scan3A_286 = arith.constant 16 : i32
      %scan3A_287 = arith.addi %scan3A_285, %scan3A_286 : i32
      %scan3A_288 = arith.constant 1 : i32
      %scan3A_289 = scf.for %scan3A_452 = %scan3A_285 to %scan3A_287 step %scan3A_288 iter_args(%scan3A_453 = %scan3A_284) -> (i32)  : i32 {
        %mul3A_454 = arith.constant 48 : i32
        %mul3A_455 = arith.muli %scan3A_452, %mul3A_454 : i32
        %add3A_456 = arith.constant 0 : i32
        %add3A_457 = arith.addi %mul3A_455, %add3A_456 : i32
        %shift_right_arithmetic3A = arith.constant 7 : i32
        %shift_right_arithmetic3A_458 = arith.shrsi %add3A_457, %shift_right_arithmetic3A : i32
        %and3A = arith.constant 127 : i32
        %and3A_459 = arith.andi %add3A_457, %and3A : i32
        %get3A = arith.constant 3 : i32
        %get3A_460 = arith.index_cast %get3A : i32 to index
        %get3A_461 = arith.index_cast %shift_right_arithmetic3A_458 : i32 to index
        %get3A_462 = arith.index_cast %and3A_459 : i32 to index
        %get3A_463 = tpu.vector_load %arg8[%get3A_460, %get3A_461, %get3A_462] {strides = array<i32>} : memref<4x6x128xi32, #tpu.memory_space<vmem>>, vector<16xi32>,
        %bitcast3A = vector.bitcast %get3A_463 : vector<16xi32> to vector<16xf32>
        %add3A_464 = arith.constant 16 : i32
        %add3A_465 = arith.addi %mul3A_455, %add3A_464 : i32
        %shift_right_arithmetic3A_466 = arith.constant 7 : i32
        %shift_right_arithmetic3A_467 = arith.shrsi %add3A_465, %shift_right_arithmetic3A_466 : i32
        %and3A_468 = arith.constant 127 : i32
        %and3A_469 = arith.andi %add3A_465, %and3A_468 : i32
        %get3A_470 = arith.constant 3 : i32
        %get3A_471 = arith.index_cast %get3A_470 : i32 to index
        %get3A_472 = arith.index_cast %shift_right_arithmetic3A_467 : i32 to index
        %get3A_473 = arith.index_cast %and3A_469 : i32 to index
        %get3A_474 = tpu.vector_load %arg8[%get3A_471, %get3A_472, %get3A_473] {strides = array<i32>} : memref<4x6x128xi32, #tpu.memory_space<vmem>>, vector<16xi32>,
        %bitcast3A_475 = vector.bitcast %get3A_474 : vector<16xi32> to vector<16xf32>
        %add3A_476 = arith.constant 32 : i32
        %add3A_477 = arith.addi %mul3A_455, %add3A_476 : i32
        %shift_right_arithmetic3A_478 = arith.constant 7 : i32
        %shift_right_arithmetic3A_479 = arith.shrsi %add3A_477, %shift_right_arithmetic3A_478 : i32
        %and3A_480 = arith.constant 127 : i32
        %and3A_481 = arith.andi %add3A_477, %and3A_480 : i32
        %get3A_482 = arith.constant 3 : i32
        %get3A_483 = arith.index_cast %get3A_482 : i32 to index
        %get3A_484 = arith.index_cast %shift_right_arithmetic3A_479 : i32 to index
        %get3A_485 = arith.index_cast %and3A_481 : i32 to index
        %get3A_486 = tpu.vector_load %arg8[%get3A_483, %get3A_484, %get3A_485] {strides = array<i32>} : memref<4x6x128xi32, #tpu.memory_space<vmem>>, vector<16xi32>,
        %bitcast3A_487 = vector.bitcast %get3A_486 : vector<16xi32> to vector<16xf32>
        %broadcast_in_dim3A = arith.constant 0 : i32
        %broadcast_in_dim3A_488 = vector.broadcast %broadcast_in_dim3A : i32 to vector<16x1xi32>
        %gather3A = vector.shape_cast %broadcast_in_dim3A_488 : vector<16x1xi32> to vector<16xi32>
        %gather3A_489 = tpu.dynamic_gather %bitcast3A[%gather3A] in [0] : vector<16xf32>, vector<16xi32> -> vector<16xf32>
        %add3A_490 = arith.constant 0 : i32
        %add3A_491 = arith.addi %mul3A_455, %add3A_490 : i32
        %get3A_492 = arith.index_cast %add3A_491 : i32 to index
        %get3A_493 = arith.constant 0 : index
        %get3A_494 = tpu.vector_load %arg10[%get3A_492, %get3A_493] {strides = array<i32>} : memref<768x16xf32, #tpu.memory_space<vmem>>, vector<16xf32>,
        %mul3A_495 = arith.mulf %get3A_494, %gather3A_489 : vector<16xf32>
        %swap3A = arith.index_cast %scan3A_452 : i32 to index
        %swap3A_496 = arith.constant 0 : index
        %swap3A_497 = tpu.vector_load %arg14[%swap3A, %swap3A_496] {strides = array<i32>} : memref<16x448xf32, #tpu.memory_space<vmem>>, vector<16xf32>,
        tpu.vector_store %arg14[%swap3A, %swap3A_496], %mul3A_495 {strides = array<i32>} : memref<16x448xf32, #tpu.memory_space<vmem>>, vector<16xf32>,
        %broadcast_in_dim3A_498 = arith.constant 1 : i32
        %broadcast_in_dim3A_499 = vector.broadcast %broadcast_in_dim3A_498 : i32 to vector<16x1xi32>
        %gather3A_500 = vector.shape_cast %broadcast_in_dim3A_499 : vector<16x1xi32> to vector<16xi32>
        %gather3A_501 = tpu.dynamic_gather %bitcast3A[%gather3A_500] in [0] : vector<16xf32>, vector<16xi32> -> vector<16xf32>
        %add3A_502 = arith.constant 1 : i32
        %add3A_503 = arith.addi %mul3A_455, %add3A_502 : i32
        %get3A_504 = arith.index_cast %add3A_503 : i32 to index
        %get3A_505 = arith.constant 0 : index
        %get3A_506 = tpu.vector_load %arg10[%get3A_504, %get3A_505] {strides = array<i32>} : memref<768x16xf32, #tpu.memory_space<vmem>>, vector<16xf32>,
        %mul3A_507 = arith.mulf %get3A_506, %gather3A_501 : vector<16xf32>
        %swap3A_508 = arith.index_cast %scan3A_452 : i32 to index
        %swap3A_509 = arith.constant 16 : index
        %swap3A_510 = tpu.vector_load %arg14[%swap3A_508, %swap3A_509] {strides = array<i32>} : memref<16x448xf32, #tpu.memory_space<vmem>>, vector<16xf32>,
        tpu.vector_store %arg14[%swap3A_508, %swap3A_509], %mul3A_507 {strides = array<i32>} : memref<16x448xf32, #tpu.memory_space<vmem>>, vector<16xf32>,
        %broadcast_in_dim3A_511 = arith.constant 2 : i32
        %broadcast_in_dim3A_512 = vector.broadcast %broadcast_in_dim3A_511 : i32 to vector<16x1xi32>
        %gather3A_513 = vector.shape_cast %broadcast_in_dim3A_512 : vector<16x1xi32> to vector<16xi32>
        %gather3A_514 = tpu.dynamic_gather %bitcast3A[%gather3A_513] in [0] : vector<16xf32>, vector<16xi32> -> vector<16xf32>
        %add3A_515 = arith.constant 2 : i32
        %add3A_516 = arith.addi %mul3A_455, %add3A_515 : i32
        %get3A_517 = arith.index_cast %add3A_516 : i32 to index
        %get3A_518 = arith.constant 0 : index
        %get3A_519 = tpu.vector_load %arg10[%get3A_517, %get3A_518] {strides = array<i32>} : memref<768x16xf32, #tpu.memory_space<vmem>>, vector<16xf32>,
        %mul3A_520 = arith.mulf %get3A_519, %gather3A_514 : vector<16xf32>
        %swap3A_521 = arith.index_cast %scan3A_452 : i32 to index
        %swap3A_522 = arith.constant 32 : index
        %swap3A_523 = tpu.vector_load %arg14[%swap3A_521, %swap3A_522] {strides = array<i32>} : memref<16x448xf32, #tpu.memory_space<vmem>>, vector<16xf32>,
        tpu.vector_store %arg14[%swap3A_521, %swap3A_522], %mul3A_520 {strides = array<i32>} : memref<16x448xf32, #tpu.memory_space<vmem>>, vector<16xf32>,
        %broadcast_in_dim3A_524 = arith.constant 3 : i32
        %broadcast_in_dim3A_525 = vector.broadcast %broadcast_in_dim3A_524 : i32 to vector<16x1xi32>
        %gather3A_526 = vector.shape_cast %broadcast_in_dim3A_525 : vector<16x1xi32> to vector<16xi32>
        %gather3A_527 = tpu.dynamic_gather %bitcast3A[%gather3A_526] in [0] : vector<16xf32>, vector<16xi32> -> vector<16xf32>
        %add3A_528 = arith.constant 3 : i32
        %add3A_529 = arith.addi %mul3A_455, %add3A_528 : i32
        %get3A_530 = arith.index_cast %add3A_529 : i32 to index
        %get3A_531 = arith.constant 0 : index
        %get3A_532 = tpu.vector_load %arg10[%get3A_530, %get3A_531] {strides = array<i32>} : memref<768x16xf32, #tpu.memory_space<vmem>>, vector<16xf32>,
        %mul3A_533 = arith.mulf %get3A_532, %gather3A_527 : vector<16xf32>
        %swap3A_534 = arith.index_cast %scan3A_452 : i32 to index
        %swap3A_535 = arith.constant 48 : index
        %swap3A_536 = tpu.vector_load %arg14[%swap3A_534, %swap3A_535] {strides = array<i32>} : memref<16x448xf32, #tpu.memory_space<vmem>>, vector<16xf32>,
        tpu.vector_store %arg14[%swap3A_534, %swap3A_535], %mul3A_533 {strides = array<i32>} : memref<16x448xf32, #tpu.memory_space<vmem>>, vector<16xf32>,
        %broadcast_in_dim3A_537 = arith.constant 4 : i32
        %broadcast_in_dim3A_538 = vector.broadcast %broadcast_in_dim3A_537 : i32 to vector<16x1xi32>
        %gather3A_539 = vector.shape_cast %broadcast_in_dim3A_538 : vector<16x1xi32> to vector<16xi32>
        %gather3A_540 = tpu.dynamic_gather %bitcast3A[%gather3A_539] in [0] : vector<16xf32>, vector<16xi32> -> vector<16xf32>
        %add3A_541 = arith.constant 4 : i32
        %add3A_542 = arith.addi %mul3A_455, %add3A_541 : i32
        %get3A_543 = arith.index_cast %add3A_542 : i32 to index
        %get3A_544 = arith.constant 0 : index
        %get3A_545 = tpu.vector_load %arg10[%get3A_543, %get3A_544] {strides = array<i32>} : memref<768x16xf32, #tpu.memory_space<vmem>>, vector<16xf32>,
        %mul3A_546 = arith.mulf %get3A_545, %gather3A_540 : vector<16xf32>
        %swap3A_547 = arith.index_cast %scan3A_452 : i32 to index
        %swap3A_548 = arith.constant 64 : index
        %swap3A_549 = tpu.vector_load %arg14[%swap3A_547, %swap3A_548] {strides = array<i32>} : memref<16x448xf32, #tpu.memory_space<vmem>>, vector<16xf32>,
        tpu.vector_store %arg14[%swap3A_547, %swap3A_548], %mul3A_546 {strides = array<i32>} : memref<16x448xf32, #tpu.memory_space<vmem>>, vector<16xf32>,
        %broadcast_in_dim3A_550 = arith.constant 5 : i32
        %broadcast_in_dim3A_551 = vector.broadcast %broadcast_in_dim3A_550 : i32 to vector<16x1xi32>
        %gather3A_552 = vector.shape_cast %broadcast_in_dim3A_551 : vector<16x1xi32> to vector<16xi32>
        %gather3A_553 = tpu.dynamic_gather %bitcast3A[%gather3A_552] in [0] : vector<16xf32>, vector<16xi32> -> vector<16xf32>
        %add3A_554 = arith.constant 5 : i32
        %add3A_555 = arith.addi %mul3A_455, %add3A_554 : i32
        %get3A_556 = arith.index_cast %add3A_555 : i32 to index
        %get3A_557 = arith.constant 0 : index
        %get3A_558 = tpu.vector_load %arg10[%get3A_556, %get3A_557] {strides = array<i32>} : memref<768x16xf32, #tpu.memory_space<vmem>>, vector<16xf32>,
        %mul3A_559 = arith.mulf %get3A_558, %gather3A_553 : vector<16xf32>
        %swap3A_560 = arith.index_cast %scan3A_452 : i32 to index
        %swap3A_561 = arith.constant 80 : index
        %swap3A_562 = tpu.vector_load %arg14[%swap3A_560, %swap3A_561] {strides = array<i32>} : memref<16x448xf32, #tpu.memory_space<vmem>>, vector<16xf32>,
        tpu.vector_store %arg14[%swap3A_560, %swap3A_561], %mul3A_559 {strides = array<i32>} : memref<16x448xf32, #tpu.memory_space<vmem>>, vector<16xf32>,
        %broadcast_in_dim3A_563 = arith.constant 6 : i32
        %broadcast_in_dim3A_564 = vector.broadcast %broadcast_in_dim3A_563 : i32 to vector<16x1xi32>
        %gather3A_565 = vector.shape_cast %broadcast_in_dim3A_564 : vector<16x1xi32> to vector<16xi32>
        %gather3A_566 = tpu.dynamic_gather %bitcast3A[%gather3A_565] in [0] : vector<16xf32>, vector<16xi32> -> vector<16xf32>
        %add3A_567 = arith.constant 6 : i32
        %add3A_568 = arith.addi %mul3A_455, %add3A_567 : i32
        %get3A_569 = arith.index_cast %add3A_568 : i32 to index
        %get3A_570 = arith.constant 0 : index
        %get3A_571 = tpu.vector_load %arg10[%get3A_569, %get3A_570] {strides = array<i32>} : memref<768x16xf32, #tpu.memory_space<vmem>>, vector<16xf32>,
        %mul3A_572 = arith.mulf %get3A_571, %gather3A_566 : vector<16xf32>
        %swap3A_573 = arith.index_cast %scan3A_452 : i32 to index
        %swap3A_574 = arith.constant 96 : index
        %swap3A_575 = tpu.vector_load %arg14[%swap3A_573, %swap3A_574] {strides = array<i32>} : memref<16x448xf32, #tpu.memory_space<vmem>>, vector<16xf32>,
        tpu.vector_store %arg14[%swap3A_573, %swap3A_574], %mul3A_572 {strides = array<i32>} : memref<16x448xf32, #tpu.memory_space<vmem>>, vector<16xf32>,
        %broadcast_in_dim3A_576 = arith.constant 7 : i32
        %broadcast_in_dim3A_577 = vector.broadcast %broadcast_in_dim3A_576 : i32 to vector<16x1xi32>
        %gather3A_578 = vector.shape_cast %broadcast_in_dim3A_577 : vector<16x1xi32> to vector<16xi32>
        %gather3A_579 = tpu.dynamic_gather %bitcast3A[%gather3A_578] in [0] : vector<16xf32>, vector<16xi32> -> vector<16xf32>
        %add3A_580 = arith.constant 7 : i32
        %add3A_581 = arith.addi %mul3A_455, %add3A_580 : i32
        %get3A_582 = arith.index_cast %add3A_581 : i32 to index
        %get3A_583 = arith.constant 0 : index
        %get3A_584 = tpu.vector_load %arg10[%get3A_582, %get3A_583] {strides = array<i32>} : memref<768x16xf32, #tpu.memory_space<vmem>>, vector<16xf32>,
        %mul3A_585 = arith.mulf %get3A_584, %gather3A_579 : vector<16xf32>
        %swap3A_586 = arith.index_cast %scan3A_452 : i32 to index
        %swap3A_587 = arith.constant 112 : index
        %swap3A_588 = tpu.vector_load %arg14[%swap3A_586, %swap3A_587] {strides = array<i32>} : memref<16x448xf32, #tpu.memory_space<vmem>>, vector<16xf32>,
        tpu.vector_store %arg14[%swap3A_586, %swap3A_587], %mul3A_585 {strides = array<i32>} : memref<16x448xf32, #tpu.memory_space<vmem>>, vector<16xf32>,
        %broadcast_in_dim3A_589 = arith.constant 8 : i32
        %broadcast_in_dim3A_590 = vector.broadcast %broadcast_in_dim3A_589 : i32 to vector<16x1xi32>
        %gather3A_591 = vector.shape_cast %broadcast_in_dim3A_590 : vector<16x1xi32> to vector<16xi32>
        %gather3A_592 = tpu.dynamic_gather %bitcast3A[%gather3A_591] in [0] : vector<16xf32>, vector<16xi32> -> vector<16xf32>
        %add3A_593 = arith.constant 8 : i32
        %add3A_594 = arith.addi %mul3A_455, %add3A_593 : i32
        %get3A_595 = arith.index_cast %add3A_594 : i32 to index
        %get3A_596 = arith.constant 0 : index
        %get3A_597 = tpu.vector_load %arg10[%get3A_595, %get3A_596] {strides = array<i32>} : memref<768x16xf32, #tpu.memory_space<vmem>>, vector<16xf32>,
        %mul3A_598 = arith.mulf %get3A_597, %gather3A_592 : vector<16xf32>
        %swap3A_599 = arith.index_cast %scan3A_452 : i32 to index
        %swap3A_600 = arith.constant 128 : index
        %swap3A_601 = tpu.vector_load %arg14[%swap3A_599, %swap3A_600] {strides = array<i32>} : memref<16x448xf32, #tpu.memory_space<vmem>>, vector<16xf32>,
        tpu.vector_store %arg14[%swap3A_599, %swap3A_600], %mul3A_598 {strides = array<i32>} : memref<16x448xf32, #tpu.memory_space<vmem>>, vector<16xf32>,
        %broadcast_in_dim3A_602 = arith.constant 9 : i32
        %broadcast_in_dim3A_603 = vector.broadcast %broadcast_in_dim3A_602 : i32 to vector<16x1xi32>
        %gather3A_604 = vector.shape_cast %broadcast_in_dim3A_603 : vector<16x1xi32> to vector<16xi32>
        %gather3A_605 = tpu.dynamic_gather %bitcast3A[%gather3A_604] in [0] : vector<16xf32>, vector<16xi32> -> vector<16xf32>
        %add3A_606 = arith.constant 9 : i32
        %add3A_607 = arith.addi %mul3A_455, %add3A_606 : i32
        %get3A_608 = arith.index_cast %add3A_607 : i32 to index
        %get3A_609 = arith.constant 0 : index
        %get3A_610 = tpu.vector_load %arg10[%get3A_608, %get3A_609] {strides = array<i32>} : memref<768x16xf32, #tpu.memory_space<vmem>>, vector<16xf32>,
        %mul3A_611 = arith.mulf %get3A_610, %gather3A_605 : vector<16xf32>
        %swap3A_612 = arith.index_cast %scan3A_452 : i32 to index
        %swap3A_613 = arith.constant 144 : index
        %swap3A_614 = tpu.vector_load %arg14[%swap3A_612, %swap3A_613] {strides = array<i32>} : memref<16x448xf32, #tpu.memory_space<vmem>>, vector<16xf32>,
        tpu.vector_store %arg14[%swap3A_612, %swap3A_613], %mul3A_611 {strides = array<i32>} : memref<16x448xf32, #tpu.memory_space<vmem>>, vector<16xf32>,
        %broadcast_in_dim3A_615 = arith.constant 10 : i32
        %broadcast_in_dim3A_616 = vector.broadcast %broadcast_in_dim3A_615 : i32 to vector<16x1xi32>
        %gather3A_617 = vector.shape_cast %broadcast_in_dim3A_616 : vector<16x1xi32> to vector<16xi32>
        %gather3A_618 = tpu.dynamic_gather %bitcast3A[%gather3A_617] in [0] : vector<16xf32>, vector<16xi32> -> vector<16xf32>
        %add3A_619 = arith.constant 10 : i32
        %add3A_620 = arith.addi %mul3A_455, %add3A_619 : i32
        %get3A_621 = arith.index_cast %add3A_620 : i32 to index
        %get3A_622 = arith.constant 0 : index
        %get3A_623 = tpu.vector_load %arg10[%get3A_621, %get3A_622] {strides = array<i32>} : memref<768x16xf32, #tpu.memory_space<vmem>>, vector<16xf32>,
        %mul3A_624 = arith.mulf %get3A_623, %gather3A_618 : vector<16xf32>
        %swap3A_625 = arith.index_cast %scan3A_452 : i32 to index
        %swap3A_626 = arith.constant 160 : index
        %swap3A_627 = tpu.vector_load %arg14[%swap3A_625, %swap3A_626] {strides = array<i32>} : memref<16x448xf32, #tpu.memory_space<vmem>>, vector<16xf32>,
        tpu.vector_store %arg14[%swap3A_625, %swap3A_626], %mul3A_624 {strides = array<i32>} : memref<16x448xf32, #tpu.memory_space<vmem>>, vector<16xf32>,
        %broadcast_in_dim3A_628 = arith.constant 11 : i32
        %broadcast_in_dim3A_629 = vector.broadcast %broadcast_in_dim3A_628 : i32 to vector<16x1xi32>
        %gather3A_630 = vector.shape_cast %broadcast_in_dim3A_629 : vector<16x1xi32> to vector<16xi32>
        %gather3A_631 = tpu.dynamic_gather %bitcast3A[%gather3A_630] in [0] : vector<16xf32>, vector<16xi32> -> vector<16xf32>
        %add3A_632 = arith.constant 11 : i32
        %add3A_633 = arith.addi %mul3A_455, %add3A_632 : i32
        %get3A_634 = arith.index_cast %add3A_633 : i32 to index
        %get3A_635 = arith.constant 0 : index
        %get3A_636 = tpu.vector_load %arg10[%get3A_634, %get3A_635] {strides = array<i32>} : memref<768x16xf32, #tpu.memory_space<vmem>>, vector<16xf32>,
        %mul3A_637 = arith.mulf %get3A_636, %gather3A_631 : vector<16xf32>
        %swap3A_638 = arith.index_cast %scan3A_452 : i32 to index
        %swap3A_639 = arith.constant 176 : index
        %swap3A_640 = tpu.vector_load %arg14[%swap3A_638, %swap3A_639] {strides = array<i32>} : memref<16x448xf32, #tpu.memory_space<vmem>>, vector<16xf32>,
        tpu.vector_store %arg14[%swap3A_638, %swap3A_639], %mul3A_637 {strides = array<i32>} : memref<16x448xf32, #tpu.memory_space<vmem>>, vector<16xf32>,
        %broadcast_in_dim3A_641 = arith.constant 12 : i32
        %broadcast_in_dim3A_642 = vector.broadcast %broadcast_in_dim3A_641 : i32 to vector<16x1xi32>
        %gather3A_643 = vector.shape_cast %broadcast_in_dim3A_642 : vector<16x1xi32> to vector<16xi32>
        %gather3A_644 = tpu.dynamic_gather %bitcast3A[%gather3A_643] in [0] : vector<16xf32>, vector<16xi32> -> vector<16xf32>
        %add3A_645 = arith.constant 12 : i32
        %add3A_646 = arith.addi %mul3A_455, %add3A_645 : i32
        %get3A_647 = arith.index_cast %add3A_646 : i32 to index
        %get3A_648 = arith.constant 0 : index
        %get3A_649 = tpu.vector_load %arg10[%get3A_647, %get3A_648] {strides = array<i32>} : memref<768x16xf32, #tpu.memory_space<vmem>>, vector<16xf32>,
        %mul3A_650 = arith.mulf %get3A_649, %gather3A_644 : vector<16xf32>
        %swap3A_651 = arith.index_cast %scan3A_452 : i32 to index
        %swap3A_652 = arith.constant 192 : index
        %swap3A_653 = tpu.vector_load %arg14[%swap3A_651, %swap3A_652] {strides = array<i32>} : memref<16x448xf32, #tpu.memory_space<vmem>>, vector<16xf32>,
        tpu.vector_store %arg14[%swap3A_651, %swap3A_652], %mul3A_650 {strides = array<i32>} : memref<16x448xf32, #tpu.memory_space<vmem>>, vector<16xf32>,
        %broadcast_in_dim3A_654 = arith.constant 13 : i32
        %broadcast_in_dim3A_655 = vector.broadcast %broadcast_in_dim3A_654 : i32 to vector<16x1xi32>
        %gather3A_656 = vector.shape_cast %broadcast_in_dim3A_655 : vector<16x1xi32> to vector<16xi32>
        %gather3A_657 = tpu.dynamic_gather %bitcast3A[%gather3A_656] in [0] : vector<16xf32>, vector<16xi32> -> vector<16xf32>
        %add3A_658 = arith.constant 13 : i32
        %add3A_659 = arith.addi %mul3A_455, %add3A_658 : i32
        %get3A_660 = arith.index_cast %add3A_659 : i32 to index
        %get3A_661 = arith.constant 0 : index
        %get3A_662 = tpu.vector_load %arg10[%get3A_660, %get3A_661] {strides = array<i32>} : memref<768x16xf32, #tpu.memory_space<vmem>>, vector<16xf32>,
        %mul3A_663 = arith.mulf %get3A_662, %gather3A_657 : vector<16xf32>
        %swap3A_664 = arith.index_cast %scan3A_452 : i32 to index
        %swap3A_665 = arith.constant 208 : index
        %swap3A_666 = tpu.vector_load %arg14[%swap3A_664, %swap3A_665] {strides = array<i32>} : memref<16x448xf32, #tpu.memory_space<vmem>>, vector<16xf32>,
        tpu.vector_store %arg14[%swap3A_664, %swap3A_665], %mul3A_663 {strides = array<i32>} : memref<16x448xf32, #tpu.memory_space<vmem>>, vector<16xf32>,
        %broadcast_in_dim3A_667 = arith.constant 14 : i32
        %broadcast_in_dim3A_668 = vector.broadcast %broadcast_in_dim3A_667 : i32 to vector<16x1xi32>
        %gather3A_669 = vector.shape_cast %broadcast_in_dim3A_668 : vector<16x1xi32> to vector<16xi32>
        %gather3A_670 = tpu.dynamic_gather %bitcast3A[%gather3A_669] in [0] : vector<16xf32>, vector<16xi32> -> vector<16xf32>
        %add3A_671 = arith.constant 14 : i32
        %add3A_672 = arith.addi %mul3A_455, %add3A_671 : i32
        %get3A_673 = arith.index_cast %add3A_672 : i32 to index
        %get3A_674 = arith.constant 0 : index
        %get3A_675 = tpu.vector_load %arg10[%get3A_673, %get3A_674] {strides = array<i32>} : memref<768x16xf32, #tpu.memory_space<vmem>>, vector<16xf32>,
        %mul3A_676 = arith.mulf %get3A_675, %gather3A_670 : vector<16xf32>
        %swap3A_677 = arith.index_cast %scan3A_452 : i32 to index
        %swap3A_678 = arith.constant 224 : index
        %swap3A_679 = tpu.vector_load %arg14[%swap3A_677, %swap3A_678] {strides = array<i32>} : memref<16x448xf32, #tpu.memory_space<vmem>>, vector<16xf32>,
        tpu.vector_store %arg14[%swap3A_677, %swap3A_678], %mul3A_676 {strides = array<i32>} : memref<16x448xf32, #tpu.memory_space<vmem>>, vector<16xf32>,
        %broadcast_in_dim3A_680 = arith.constant 15 : i32
        %broadcast_in_dim3A_681 = vector.broadcast %broadcast_in_dim3A_680 : i32 to vector<16x1xi32>
        %gather3A_682 = vector.shape_cast %broadcast_in_dim3A_681 : vector<16x1xi32> to vector<16xi32>
        %gather3A_683 = tpu.dynamic_gather %bitcast3A[%gather3A_682] in [0] : vector<16xf32>, vector<16xi32> -> vector<16xf32>
        %add3A_684 = arith.constant 15 : i32
        %add3A_685 = arith.addi %mul3A_455, %add3A_684 : i32
        %get3A_686 = arith.index_cast %add3A_685 : i32 to index
        %get3A_687 = arith.constant 0 : index
        %get3A_688 = tpu.vector_load %arg10[%get3A_686, %get3A_687] {strides = array<i32>} : memref<768x16xf32, #tpu.memory_space<vmem>>, vector<16xf32>,
        %mul3A_689 = arith.mulf %get3A_688, %gather3A_683 : vector<16xf32>
        %swap3A_690 = arith.index_cast %scan3A_452 : i32 to index
        %swap3A_691 = arith.constant 240 : index
        %swap3A_692 = tpu.vector_load %arg14[%swap3A_690, %swap3A_691] {strides = array<i32>} : memref<16x448xf32, #tpu.memory_space<vmem>>, vector<16xf32>,
        tpu.vector_store %arg14[%swap3A_690, %swap3A_691], %mul3A_689 {strides = array<i32>} : memref<16x448xf32, #tpu.memory_space<vmem>>, vector<16xf32>,
        %broadcast_in_dim3A_693 = arith.constant 0 : i32
        %broadcast_in_dim3A_694 = vector.broadcast %broadcast_in_dim3A_693 : i32 to vector<16x1xi32>
        %gather3A_695 = vector.shape_cast %broadcast_in_dim3A_694 : vector<16x1xi32> to vector<16xi32>
        %gather3A_696 = tpu.dynamic_gather %bitcast3A_475[%gather3A_695] in [0] : vector<16xf32>, vector<16xi32> -> vector<16xf32>
        %add3A_697 = arith.constant 16 : i32
        %add3A_698 = arith.addi %mul3A_455, %add3A_697 : i32
        %get3A_699 = arith.index_cast %add3A_698 : i32 to index
        %get3A_700 = arith.constant 0 : index
        %get3A_701 = tpu.vector_load %arg10[%get3A_699, %get3A_700] {strides = array<i32>} : memref<768x16xf32, #tpu.memory_space<vmem>>, vector<16xf32>,
        %mul3A_702 = arith.mulf %get3A_701, %gather3A_696 : vector<16xf32>
        %swap3A_703 = arith.index_cast %scan3A_452 : i32 to index
        %swap3A_704 = arith.constant 256 : index
        %swap3A_705 = tpu.vector_load %arg14[%swap3A_703, %swap3A_704] {strides = array<i32>} : memref<16x448xf32, #tpu.memory_space<vmem>>, vector<16xf32>,
        tpu.vector_store %arg14[%swap3A_703, %swap3A_704], %mul3A_702 {strides = array<i32>} : memref<16x448xf32, #tpu.memory_space<vmem>>, vector<16xf32>,
        %broadcast_in_dim3A_706 = arith.constant 1 : i32
        %broadcast_in_dim3A_707 = vector.broadcast %broadcast_in_dim3A_706 : i32 to vector<16x1xi32>
        %gather3A_708 = vector.shape_cast %broadcast_in_dim3A_707 : vector<16x1xi32> to vector<16xi32>
        %gather3A_709 = tpu.dynamic_gather %bitcast3A_475[%gather3A_708] in [0] : vector<16xf32>, vector<16xi32> -> vector<16xf32>
        %add3A_710 = arith.constant 17 : i32
        %add3A_711 = arith.addi %mul3A_455, %add3A_710 : i32
        %get3A_712 = arith.index_cast %add3A_711 : i32 to index
        %get3A_713 = arith.constant 0 : index
        %get3A_714 = tpu.vector_load %arg10[%get3A_712, %get3A_713] {strides = array<i32>} : memref<768x16xf32, #tpu.memory_space<vmem>>, vector<16xf32>,
        %mul3A_715 = arith.mulf %get3A_714, %gather3A_709 : vector<16xf32>
        %swap3A_716 = arith.index_cast %scan3A_452 : i32 to index
        %swap3A_717 = arith.constant 272 : index
        %swap3A_718 = tpu.vector_load %arg14[%swap3A_716, %swap3A_717] {strides = array<i32>} : memref<16x448xf32, #tpu.memory_space<vmem>>, vector<16xf32>,
        tpu.vector_store %arg14[%swap3A_716, %swap3A_717], %mul3A_715 {strides = array<i32>} : memref<16x448xf32, #tpu.memory_space<vmem>>, vector<16xf32>,
        %broadcast_in_dim3A_719 = arith.constant 2 : i32
        %broadcast_in_dim3A_720 = vector.broadcast %broadcast_in_dim3A_719 : i32 to vector<16x1xi32>
        %gather3A_721 = vector.shape_cast %broadcast_in_dim3A_720 : vector<16x1xi32> to vector<16xi32>
        %gather3A_722 = tpu.dynamic_gather %bitcast3A_475[%gather3A_721] in [0] : vector<16xf32>, vector<16xi32> -> vector<16xf32>
        %add3A_723 = arith.constant 18 : i32
        %add3A_724 = arith.addi %mul3A_455, %add3A_723 : i32
        %get3A_725 = arith.index_cast %add3A_724 : i32 to index
        %get3A_726 = arith.constant 0 : index
        %get3A_727 = tpu.vector_load %arg10[%get3A_725, %get3A_726] {strides = array<i32>} : memref<768x16xf32, #tpu.memory_space<vmem>>, vector<16xf32>,
        %mul3A_728 = arith.mulf %get3A_727, %gather3A_722 : vector<16xf32>
        %swap3A_729 = arith.index_cast %scan3A_452 : i32 to index
        %swap3A_730 = arith.constant 288 : index
        %swap3A_731 = tpu.vector_load %arg14[%swap3A_729, %swap3A_730] {strides = array<i32>} : memref<16x448xf32, #tpu.memory_space<vmem>>, vector<16xf32>,
        tpu.vector_store %arg14[%swap3A_729, %swap3A_730], %mul3A_728 {strides = array<i32>} : memref<16x448xf32, #tpu.memory_space<vmem>>, vector<16xf32>,
        %broadcast_in_dim3A_732 = arith.constant 3 : i32
        %broadcast_in_dim3A_733 = vector.broadcast %broadcast_in_dim3A_732 : i32 to vector<16x1xi32>
        %gather3A_734 = vector.shape_cast %broadcast_in_dim3A_733 : vector<16x1xi32> to vector<16xi32>
        %gather3A_735 = tpu.dynamic_gather %bitcast3A_475[%gather3A_734] in [0] : vector<16xf32>, vector<16xi32> -> vector<16xf32>
        %add3A_736 = arith.constant 19 : i32
        %add3A_737 = arith.addi %mul3A_455, %add3A_736 : i32
        %get3A_738 = arith.index_cast %add3A_737 : i32 to index
        %get3A_739 = arith.constant 0 : index
        %get3A_740 = tpu.vector_load %arg10[%get3A_738, %get3A_739] {strides = array<i32>} : memref<768x16xf32, #tpu.memory_space<vmem>>, vector<16xf32>,
        %mul3A_741 = arith.mulf %get3A_740, %gather3A_735 : vector<16xf32>
        %swap3A_742 = arith.index_cast %scan3A_452 : i32 to index
        %swap3A_743 = arith.constant 304 : index
        %swap3A_744 = tpu.vector_load %arg14[%swap3A_742, %swap3A_743] {strides = array<i32>} : memref<16x448xf32, #tpu.memory_space<vmem>>, vector<16xf32>,
        tpu.vector_store %arg14[%swap3A_742, %swap3A_743], %mul3A_741 {strides = array<i32>} : memref<16x448xf32, #tpu.memory_space<vmem>>, vector<16xf32>,
        %broadcast_in_dim3A_745 = arith.constant 4 : i32
        %broadcast_in_dim3A_746 = vector.broadcast %broadcast_in_dim3A_745 : i32 to vector<16x1xi32>
        %gather3A_747 = vector.shape_cast %broadcast_in_dim3A_746 : vector<16x1xi32> to vector<16xi32>
        %gather3A_748 = tpu.dynamic_gather %bitcast3A_475[%gather3A_747] in [0] : vector<16xf32>, vector<16xi32> -> vector<16xf32>
        %add3A_749 = arith.constant 20 : i32
        %add3A_750 = arith.addi %mul3A_455, %add3A_749 : i32
        %get3A_751 = arith.index_cast %add3A_750 : i32 to index
        %get3A_752 = arith.constant 0 : index
        %get3A_753 = tpu.vector_load %arg10[%get3A_751, %get3A_752] {strides = array<i32>} : memref<768x16xf32, #tpu.memory_space<vmem>>, vector<16xf32>,
        %mul3A_754 = arith.mulf %get3A_753, %gather3A_748 : vector<16xf32>
        %swap3A_755 = arith.index_cast %scan3A_452 : i32 to index
        %swap3A_756 = arith.constant 320 : index
        %swap3A_757 = tpu.vector_load %arg14[%swap3A_755, %swap3A_756] {strides = array<i32>} : memref<16x448xf32, #tpu.memory_space<vmem>>, vector<16xf32>,
        tpu.vector_store %arg14[%swap3A_755, %swap3A_756], %mul3A_754 {strides = array<i32>} : memref<16x448xf32, #tpu.memory_space<vmem>>, vector<16xf32>,
        %broadcast_in_dim3A_758 = arith.constant 5 : i32
        %broadcast_in_dim3A_759 = vector.broadcast %broadcast_in_dim3A_758 : i32 to vector<16x1xi32>
        %gather3A_760 = vector.shape_cast %broadcast_in_dim3A_759 : vector<16x1xi32> to vector<16xi32>
        %gather3A_761 = tpu.dynamic_gather %bitcast3A_475[%gather3A_760] in [0] : vector<16xf32>, vector<16xi32> -> vector<16xf32>
        %add3A_762 = arith.constant 21 : i32
        %add3A_763 = arith.addi %mul3A_455, %add3A_762 : i32
        %get3A_764 = arith.index_cast %add3A_763 : i32 to index
        %get3A_765 = arith.constant 0 : index
        %get3A_766 = tpu.vector_load %arg10[%get3A_764, %get3A_765] {strides = array<i32>} : memref<768x16xf32, #tpu.memory_space<vmem>>, vector<16xf32>,
        %mul3A_767 = arith.mulf %get3A_766, %gather3A_761 : vector<16xf32>
        %swap3A_768 = arith.index_cast %scan3A_452 : i32 to index
        %swap3A_769 = arith.constant 336 : index
        %swap3A_770 = tpu.vector_load %arg14[%swap3A_768, %swap3A_769] {strides = array<i32>} : memref<16x448xf32, #tpu.memory_space<vmem>>, vector<16xf32>,
        tpu.vector_store %arg14[%swap3A_768, %swap3A_769], %mul3A_767 {strides = array<i32>} : memref<16x448xf32, #tpu.memory_space<vmem>>, vector<16xf32>,
        %broadcast_in_dim3A_771 = arith.constant 6 : i32
        %broadcast_in_dim3A_772 = vector.broadcast %broadcast_in_dim3A_771 : i32 to vector<16x1xi32>
        %gather3A_773 = vector.shape_cast %broadcast_in_dim3A_772 : vector<16x1xi32> to vector<16xi32>
        %gather3A_774 = tpu.dynamic_gather %bitcast3A_475[%gather3A_773] in [0] : vector<16xf32>, vector<16xi32> -> vector<16xf32>
        %add3A_775 = arith.constant 22 : i32
        %add3A_776 = arith.addi %mul3A_455, %add3A_775 : i32
        %get3A_777 = arith.index_cast %add3A_776 : i32 to index
        %get3A_778 = arith.constant 0 : index
        %get3A_779 = tpu.vector_load %arg10[%get3A_777, %get3A_778] {strides = array<i32>} : memref<768x16xf32, #tpu.memory_space<vmem>>, vector<16xf32>,
        %mul3A_780 = arith.mulf %get3A_779, %gather3A_774 : vector<16xf32>
        %swap3A_781 = arith.index_cast %scan3A_452 : i32 to index
        %swap3A_782 = arith.constant 352 : index
        %swap3A_783 = tpu.vector_load %arg14[%swap3A_781, %swap3A_782] {strides = array<i32>} : memref<16x448xf32, #tpu.memory_space<vmem>>, vector<16xf32>,
        tpu.vector_store %arg14[%swap3A_781, %swap3A_782], %mul3A_780 {strides = array<i32>} : memref<16x448xf32, #tpu.memory_space<vmem>>, vector<16xf32>,
        %broadcast_in_dim3A_784 = arith.constant 7 : i32
        %broadcast_in_dim3A_785 = vector.broadcast %broadcast_in_dim3A_784 : i32 to vector<16x1xi32>
        %gather3A_786 = vector.shape_cast %broadcast_in_dim3A_785 : vector<16x1xi32> to vector<16xi32>
        %gather3A_787 = tpu.dynamic_gather %bitcast3A_475[%gather3A_786] in [0] : vector<16xf32>, vector<16xi32> -> vector<16xf32>
        %add3A_788 = arith.constant 23 : i32
        %add3A_789 = arith.addi %mul3A_455, %add3A_788 : i32
        %get3A_790 = arith.index_cast %add3A_789 : i32 to index
        %get3A_791 = arith.constant 0 : index
        %get3A_792 = tpu.vector_load %arg10[%get3A_790, %get3A_791] {strides = array<i32>} : memref<768x16xf32, #tpu.memory_space<vmem>>, vector<16xf32>,
        %mul3A_793 = arith.mulf %get3A_792, %gather3A_787 : vector<16xf32>
        %swap3A_794 = arith.index_cast %scan3A_452 : i32 to index
        %swap3A_795 = arith.constant 368 : index
        %swap3A_796 = tpu.vector_load %arg14[%swap3A_794, %swap3A_795] {strides = array<i32>} : memref<16x448xf32, #tpu.memory_space<vmem>>, vector<16xf32>,
        tpu.vector_store %arg14[%swap3A_794, %swap3A_795], %mul3A_793 {strides = array<i32>} : memref<16x448xf32, #tpu.memory_space<vmem>>, vector<16xf32>,
        %broadcast_in_dim3A_797 = arith.constant 8 : i32
        %broadcast_in_dim3A_798 = vector.broadcast %broadcast_in_dim3A_797 : i32 to vector<16x1xi32>
        %gather3A_799 = vector.shape_cast %broadcast_in_dim3A_798 : vector<16x1xi32> to vector<16xi32>
        %gather3A_800 = tpu.dynamic_gather %bitcast3A_475[%gather3A_799] in [0] : vector<16xf32>, vector<16xi32> -> vector<16xf32>
        %add3A_801 = arith.constant 24 : i32
        %add3A_802 = arith.addi %mul3A_455, %add3A_801 : i32
        %get3A_803 = arith.index_cast %add3A_802 : i32 to index
        %get3A_804 = arith.constant 0 : index
        %get3A_805 = tpu.vector_load %arg10[%get3A_803, %get3A_804] {strides = array<i32>} : memref<768x16xf32, #tpu.memory_space<vmem>>, vector<16xf32>,
        %mul3A_806 = arith.mulf %get3A_805, %gather3A_800 : vector<16xf32>
        %swap3A_807 = arith.index_cast %scan3A_452 : i32 to index
        %swap3A_808 = arith.constant 384 : index
        %swap3A_809 = tpu.vector_load %arg14[%swap3A_807, %swap3A_808] {strides = array<i32>} : memref<16x448xf32, #tpu.memory_space<vmem>>, vector<16xf32>,
        tpu.vector_store %arg14[%swap3A_807, %swap3A_808], %mul3A_806 {strides = array<i32>} : memref<16x448xf32, #tpu.memory_space<vmem>>, vector<16xf32>,
        %broadcast_in_dim3A_810 = arith.constant 9 : i32
        %broadcast_in_dim3A_811 = vector.broadcast %broadcast_in_dim3A_810 : i32 to vector<16x1xi32>
        %gather3A_812 = vector.shape_cast %broadcast_in_dim3A_811 : vector<16x1xi32> to vector<16xi32>
        %gather3A_813 = tpu.dynamic_gather %bitcast3A_475[%gather3A_812] in [0] : vector<16xf32>, vector<16xi32> -> vector<16xf32>
        %add3A_814 = arith.constant 25 : i32
        %add3A_815 = arith.addi %mul3A_455, %add3A_814 : i32
        %get3A_816 = arith.index_cast %add3A_815 : i32 to index
        %get3A_817 = arith.constant 0 : index
        %get3A_818 = tpu.vector_load %arg10[%get3A_816, %get3A_817] {strides = array<i32>} : memref<768x16xf32, #tpu.memory_space<vmem>>, vector<16xf32>,
        %mul3A_819 = arith.mulf %get3A_818, %gather3A_813 : vector<16xf32>
        %swap3A_820 = arith.index_cast %scan3A_452 : i32 to index
        %swap3A_821 = arith.constant 400 : index
        %swap3A_822 = tpu.vector_load %arg14[%swap3A_820, %swap3A_821] {strides = array<i32>} : memref<16x448xf32, #tpu.memory_space<vmem>>, vector<16xf32>,
        tpu.vector_store %arg14[%swap3A_820, %swap3A_821], %mul3A_819 {strides = array<i32>} : memref<16x448xf32, #tpu.memory_space<vmem>>, vector<16xf32>,
        %broadcast_in_dim3A_823 = arith.constant 10 : i32
        %broadcast_in_dim3A_824 = vector.broadcast %broadcast_in_dim3A_823 : i32 to vector<16x1xi32>
        %gather3A_825 = vector.shape_cast %broadcast_in_dim3A_824 : vector<16x1xi32> to vector<16xi32>
        %gather3A_826 = tpu.dynamic_gather %bitcast3A_475[%gather3A_825] in [0] : vector<16xf32>, vector<16xi32> -> vector<16xf32>
        %add3A_827 = arith.constant 26 : i32
        %add3A_828 = arith.addi %mul3A_455, %add3A_827 : i32
        %get3A_829 = arith.index_cast %add3A_828 : i32 to index
        %get3A_830 = arith.constant 0 : index
        %get3A_831 = tpu.vector_load %arg10[%get3A_829, %get3A_830] {strides = array<i32>} : memref<768x16xf32, #tpu.memory_space<vmem>>, vector<16xf32>,
        %mul3A_832 = arith.mulf %get3A_831, %gather3A_826 : vector<16xf32>
        %broadcast_in_dim3A_833 = arith.constant 11 : i32
        %broadcast_in_dim3A_834 = vector.broadcast %broadcast_in_dim3A_833 : i32 to vector<16x1xi32>
        %gather3A_835 = vector.shape_cast %broadcast_in_dim3A_834 : vector<16x1xi32> to vector<16xi32>
        %gather3A_836 = tpu.dynamic_gather %bitcast3A_475[%gather3A_835] in [0] : vector<16xf32>, vector<16xi32> -> vector<16xf32>
        %add3A_837 = arith.constant 27 : i32
        %add3A_838 = arith.addi %mul3A_455, %add3A_837 : i32
        %get3A_839 = arith.index_cast %add3A_838 : i32 to index
        %get3A_840 = arith.constant 0 : index
        %get3A_841 = tpu.vector_load %arg10[%get3A_839, %get3A_840] {strides = array<i32>} : memref<768x16xf32, #tpu.memory_space<vmem>>, vector<16xf32>,
        %mul3A_842 = arith.mulf %get3A_841, %gather3A_836 : vector<16xf32>
        %broadcast_in_dim3A_843 = arith.constant 12 : i32
        %broadcast_in_dim3A_844 = vector.broadcast %broadcast_in_dim3A_843 : i32 to vector<16x1xi32>
        %gather3A_845 = vector.shape_cast %broadcast_in_dim3A_844 : vector<16x1xi32> to vector<16xi32>
        %gather3A_846 = tpu.dynamic_gather %bitcast3A_475[%gather3A_845] in [0] : vector<16xf32>, vector<16xi32> -> vector<16xf32>
        %add3A_847 = arith.constant 28 : i32
        %add3A_848 = arith.addi %mul3A_455, %add3A_847 : i32
        %get3A_849 = arith.index_cast %add3A_848 : i32 to index
        %get3A_850 = arith.constant 0 : index
        %get3A_851 = tpu.vector_load %arg10[%get3A_849, %get3A_850] {strides = array<i32>} : memref<768x16xf32, #tpu.memory_space<vmem>>, vector<16xf32>,
        %mul3A_852 = arith.mulf %get3A_851, %gather3A_846 : vector<16xf32>
        %broadcast_in_dim3A_853 = arith.constant 13 : i32
        %broadcast_in_dim3A_854 = vector.broadcast %broadcast_in_dim3A_853 : i32 to vector<16x1xi32>
        %gather3A_855 = vector.shape_cast %broadcast_in_dim3A_854 : vector<16x1xi32> to vector<16xi32>
        %gather3A_856 = tpu.dynamic_gather %bitcast3A_475[%gather3A_855] in [0] : vector<16xf32>, vector<16xi32> -> vector<16xf32>
        %add3A_857 = arith.constant 29 : i32
        %add3A_858 = arith.addi %mul3A_455, %add3A_857 : i32
        %get3A_859 = arith.index_cast %add3A_858 : i32 to index
        %get3A_860 = arith.constant 0 : index
        %get3A_861 = tpu.vector_load %arg10[%get3A_859, %get3A_860] {strides = array<i32>} : memref<768x16xf32, #tpu.memory_space<vmem>>, vector<16xf32>,
        %mul3A_862 = arith.mulf %get3A_861, %gather3A_856 : vector<16xf32>
        %broadcast_in_dim3A_863 = arith.constant 14 : i32
        %broadcast_in_dim3A_864 = vector.broadcast %broadcast_in_dim3A_863 : i32 to vector<16x1xi32>
        %gather3A_865 = vector.shape_cast %broadcast_in_dim3A_864 : vector<16x1xi32> to vector<16xi32>
        %gather3A_866 = tpu.dynamic_gather %bitcast3A_475[%gather3A_865] in [0] : vector<16xf32>, vector<16xi32> -> vector<16xf32>
        %add3A_867 = arith.constant 30 : i32
        %add3A_868 = arith.addi %mul3A_455, %add3A_867 : i32
        %get3A_869 = arith.index_cast %add3A_868 : i32 to index
        %get3A_870 = arith.constant 0 : index
        %get3A_871 = tpu.vector_load %arg10[%get3A_869, %get3A_870] {strides = array<i32>} : memref<768x16xf32, #tpu.memory_space<vmem>>, vector<16xf32>,
        %mul3A_872 = arith.mulf %get3A_871, %gather3A_866 : vector<16xf32>
        %broadcast_in_dim3A_873 = arith.constant 15 : i32
        %broadcast_in_dim3A_874 = vector.broadcast %broadcast_in_dim3A_873 : i32 to vector<16x1xi32>
        %gather3A_875 = vector.shape_cast %broadcast_in_dim3A_874 : vector<16x1xi32> to vector<16xi32>
        %gather3A_876 = tpu.dynamic_gather %bitcast3A_475[%gather3A_875] in [0] : vector<16xf32>, vector<16xi32> -> vector<16xf32>
        %add3A_877 = arith.constant 31 : i32
        %add3A_878 = arith.addi %mul3A_455, %add3A_877 : i32
        %get3A_879 = arith.index_cast %add3A_878 : i32 to index
        %get3A_880 = arith.constant 0 : index
        %get3A_881 = tpu.vector_load %arg10[%get3A_879, %get3A_880] {strides = array<i32>} : memref<768x16xf32, #tpu.memory_space<vmem>>, vector<16xf32>,
        %mul3A_882 = arith.mulf %get3A_881, %gather3A_876 : vector<16xf32>
        %broadcast_in_dim3A_883 = arith.constant 0 : i32
        %broadcast_in_dim3A_884 = vector.broadcast %broadcast_in_dim3A_883 : i32 to vector<16x1xi32>
        %gather3A_885 = vector.shape_cast %broadcast_in_dim3A_884 : vector<16x1xi32> to vector<16xi32>
        %gather3A_886 = tpu.dynamic_gather %bitcast3A_487[%gather3A_885] in [0] : vector<16xf32>, vector<16xi32> -> vector<16xf32>
        %add3A_887 = arith.constant 32 : i32
        %add3A_888 = arith.addi %mul3A_455, %add3A_887 : i32
        %get3A_889 = arith.index_cast %add3A_888 : i32 to index
        %get3A_890 = arith.constant 0 : index
        %get3A_891 = tpu.vector_load %arg10[%get3A_889, %get3A_890] {strides = array<i32>} : memref<768x16xf32, #tpu.memory_space<vmem>>, vector<16xf32>,
        %mul3A_892 = arith.mulf %get3A_891, %gather3A_886 : vector<16xf32>
        %broadcast_in_dim3A_893 = arith.constant 1 : i32
        %broadcast_in_dim3A_894 = vector.broadcast %broadcast_in_dim3A_893 : i32 to vector<16x1xi32>
        %gather3A_895 = vector.shape_cast %broadcast_in_dim3A_894 : vector<16x1xi32> to vector<16xi32>
        %gather3A_896 = tpu.dynamic_gather %bitcast3A_487[%gather3A_895] in [0] : vector<16xf32>, vector<16xi32> -> vector<16xf32>
        %add3A_897 = arith.constant 33 : i32
        %add3A_898 = arith.addi %mul3A_455, %add3A_897 : i32
        %get3A_899 = arith.index_cast %add3A_898 : i32 to index
        %get3A_900 = arith.constant 0 : index
        %get3A_901 = tpu.vector_load %arg10[%get3A_899, %get3A_900] {strides = array<i32>} : memref<768x16xf32, #tpu.memory_space<vmem>>, vector<16xf32>,
        %mul3A_902 = arith.mulf %get3A_901, %gather3A_896 : vector<16xf32>
        %broadcast_in_dim3A_903 = arith.constant 2 : i32
        %broadcast_in_dim3A_904 = vector.broadcast %broadcast_in_dim3A_903 : i32 to vector<16x1xi32>
        %gather3A_905 = vector.shape_cast %broadcast_in_dim3A_904 : vector<16x1xi32> to vector<16xi32>
        %gather3A_906 = tpu.dynamic_gather %bitcast3A_487[%gather3A_905] in [0] : vector<16xf32>, vector<16xi32> -> vector<16xf32>
        %add3A_907 = arith.constant 34 : i32
        %add3A_908 = arith.addi %mul3A_455, %add3A_907 : i32
        %get3A_909 = arith.index_cast %add3A_908 : i32 to index
        %get3A_910 = arith.constant 0 : index
        %get3A_911 = tpu.vector_load %arg10[%get3A_909, %get3A_910] {strides = array<i32>} : memref<768x16xf32, #tpu.memory_space<vmem>>, vector<16xf32>,
        %mul3A_912 = arith.mulf %get3A_911, %gather3A_906 : vector<16xf32>
        %broadcast_in_dim3A_913 = arith.constant 3 : i32
        %broadcast_in_dim3A_914 = vector.broadcast %broadcast_in_dim3A_913 : i32 to vector<16x1xi32>
        %gather3A_915 = vector.shape_cast %broadcast_in_dim3A_914 : vector<16x1xi32> to vector<16xi32>
        %gather3A_916 = tpu.dynamic_gather %bitcast3A_487[%gather3A_915] in [0] : vector<16xf32>, vector<16xi32> -> vector<16xf32>
        %add3A_917 = arith.constant 35 : i32
        %add3A_918 = arith.addi %mul3A_455, %add3A_917 : i32
        %get3A_919 = arith.index_cast %add3A_918 : i32 to index
        %get3A_920 = arith.constant 0 : index
        %get3A_921 = tpu.vector_load %arg10[%get3A_919, %get3A_920] {strides = array<i32>} : memref<768x16xf32, #tpu.memory_space<vmem>>, vector<16xf32>,
        %mul3A_922 = arith.mulf %get3A_921, %gather3A_916 : vector<16xf32>
        %broadcast_in_dim3A_923 = arith.constant 4 : i32
        %broadcast_in_dim3A_924 = vector.broadcast %broadcast_in_dim3A_923 : i32 to vector<16x1xi32>
        %gather3A_925 = vector.shape_cast %broadcast_in_dim3A_924 : vector<16x1xi32> to vector<16xi32>
        %gather3A_926 = tpu.dynamic_gather %bitcast3A_487[%gather3A_925] in [0] : vector<16xf32>, vector<16xi32> -> vector<16xf32>
        %add3A_927 = arith.constant 36 : i32
        %add3A_928 = arith.addi %mul3A_455, %add3A_927 : i32
        %get3A_929 = arith.index_cast %add3A_928 : i32 to index
        %get3A_930 = arith.constant 0 : index
        %get3A_931 = tpu.vector_load %arg10[%get3A_929, %get3A_930] {strides = array<i32>} : memref<768x16xf32, #tpu.memory_space<vmem>>, vector<16xf32>,
        %mul3A_932 = arith.mulf %get3A_931, %gather3A_926 : vector<16xf32>
        %broadcast_in_dim3A_933 = arith.constant 5 : i32
        %broadcast_in_dim3A_934 = vector.broadcast %broadcast_in_dim3A_933 : i32 to vector<16x1xi32>
        %gather3A_935 = vector.shape_cast %broadcast_in_dim3A_934 : vector<16x1xi32> to vector<16xi32>
        %gather3A_936 = tpu.dynamic_gather %bitcast3A_487[%gather3A_935] in [0] : vector<16xf32>, vector<16xi32> -> vector<16xf32>
        %add3A_937 = arith.constant 37 : i32
        %add3A_938 = arith.addi %mul3A_455, %add3A_937 : i32
        %get3A_939 = arith.index_cast %add3A_938 : i32 to index
        %get3A_940 = arith.constant 0 : index
        %get3A_941 = tpu.vector_load %arg10[%get3A_939, %get3A_940] {strides = array<i32>} : memref<768x16xf32, #tpu.memory_space<vmem>>, vector<16xf32>,
        %mul3A_942 = arith.mulf %get3A_941, %gather3A_936 : vector<16xf32>
        %broadcast_in_dim3A_943 = arith.constant 6 : i32
        %broadcast_in_dim3A_944 = vector.broadcast %broadcast_in_dim3A_943 : i32 to vector<16x1xi32>
        %gather3A_945 = vector.shape_cast %broadcast_in_dim3A_944 : vector<16x1xi32> to vector<16xi32>
        %gather3A_946 = tpu.dynamic_gather %bitcast3A_487[%gather3A_945] in [0] : vector<16xf32>, vector<16xi32> -> vector<16xf32>
        %add3A_947 = arith.constant 38 : i32
        %add3A_948 = arith.addi %mul3A_455, %add3A_947 : i32
        %get3A_949 = arith.index_cast %add3A_948 : i32 to index
        %get3A_950 = arith.constant 0 : index
        %get3A_951 = tpu.vector_load %arg10[%get3A_949, %get3A_950] {strides = array<i32>} : memref<768x16xf32, #tpu.memory_space<vmem>>, vector<16xf32>,
        %mul3A_952 = arith.mulf %get3A_951, %gather3A_946 : vector<16xf32>
        %broadcast_in_dim3A_953 = arith.constant 7 : i32
        %broadcast_in_dim3A_954 = vector.broadcast %broadcast_in_dim3A_953 : i32 to vector<16x1xi32>
        %gather3A_955 = vector.shape_cast %broadcast_in_dim3A_954 : vector<16x1xi32> to vector<16xi32>
        %gather3A_956 = tpu.dynamic_gather %bitcast3A_487[%gather3A_955] in [0] : vector<16xf32>, vector<16xi32> -> vector<16xf32>
        %add3A_957 = arith.constant 39 : i32
        %add3A_958 = arith.addi %mul3A_455, %add3A_957 : i32
        %get3A_959 = arith.index_cast %add3A_958 : i32 to index
        %get3A_960 = arith.constant 0 : index
        %get3A_961 = tpu.vector_load %arg10[%get3A_959, %get3A_960] {strides = array<i32>} : memref<768x16xf32, #tpu.memory_space<vmem>>, vector<16xf32>,
        %mul3A_962 = arith.mulf %get3A_961, %gather3A_956 : vector<16xf32>
        %broadcast_in_dim3A_963 = arith.constant 8 : i32
        %broadcast_in_dim3A_964 = vector.broadcast %broadcast_in_dim3A_963 : i32 to vector<16x1xi32>
        %gather3A_965 = vector.shape_cast %broadcast_in_dim3A_964 : vector<16x1xi32> to vector<16xi32>
        %gather3A_966 = tpu.dynamic_gather %bitcast3A_487[%gather3A_965] in [0] : vector<16xf32>, vector<16xi32> -> vector<16xf32>
        %add3A_967 = arith.constant 40 : i32
        %add3A_968 = arith.addi %mul3A_455, %add3A_967 : i32
        %get3A_969 = arith.index_cast %add3A_968 : i32 to index
        %get3A_970 = arith.constant 0 : index
        %get3A_971 = tpu.vector_load %arg10[%get3A_969, %get3A_970] {strides = array<i32>} : memref<768x16xf32, #tpu.memory_space<vmem>>, vector<16xf32>,
        %mul3A_972 = arith.mulf %get3A_971, %gather3A_966 : vector<16xf32>
        %broadcast_in_dim3A_973 = arith.constant 9 : i32
        %broadcast_in_dim3A_974 = vector.broadcast %broadcast_in_dim3A_973 : i32 to vector<16x1xi32>
        %gather3A_975 = vector.shape_cast %broadcast_in_dim3A_974 : vector<16x1xi32> to vector<16xi32>
        %gather3A_976 = tpu.dynamic_gather %bitcast3A_487[%gather3A_975] in [0] : vector<16xf32>, vector<16xi32> -> vector<16xf32>
        %add3A_977 = arith.constant 41 : i32
        %add3A_978 = arith.addi %mul3A_455, %add3A_977 : i32
        %get3A_979 = arith.index_cast %add3A_978 : i32 to index
        %get3A_980 = arith.constant 0 : index
        %get3A_981 = tpu.vector_load %arg10[%get3A_979, %get3A_980] {strides = array<i32>} : memref<768x16xf32, #tpu.memory_space<vmem>>, vector<16xf32>,
        %mul3A_982 = arith.mulf %get3A_981, %gather3A_976 : vector<16xf32>
        %broadcast_in_dim3A_983 = arith.constant 10 : i32
        %broadcast_in_dim3A_984 = vector.broadcast %broadcast_in_dim3A_983 : i32 to vector<16x1xi32>
        %gather3A_985 = vector.shape_cast %broadcast_in_dim3A_984 : vector<16x1xi32> to vector<16xi32>
        %gather3A_986 = tpu.dynamic_gather %bitcast3A_487[%gather3A_985] in [0] : vector<16xf32>, vector<16xi32> -> vector<16xf32>
        %add3A_987 = arith.constant 42 : i32
        %add3A_988 = arith.addi %mul3A_455, %add3A_987 : i32
        %get3A_989 = arith.index_cast %add3A_988 : i32 to index
        %get3A_990 = arith.constant 0 : index
        %get3A_991 = tpu.vector_load %arg10[%get3A_989, %get3A_990] {strides = array<i32>} : memref<768x16xf32, #tpu.memory_space<vmem>>, vector<16xf32>,
        %mul3A_992 = arith.mulf %get3A_991, %gather3A_986 : vector<16xf32>
        %broadcast_in_dim3A_993 = arith.constant 11 : i32
        %broadcast_in_dim3A_994 = vector.broadcast %broadcast_in_dim3A_993 : i32 to vector<16x1xi32>
        %gather3A_995 = vector.shape_cast %broadcast_in_dim3A_994 : vector<16x1xi32> to vector<16xi32>
        %gather3A_996 = tpu.dynamic_gather %bitcast3A_487[%gather3A_995] in [0] : vector<16xf32>, vector<16xi32> -> vector<16xf32>
        %add3A_997 = arith.constant 43 : i32
        %add3A_998 = arith.addi %mul3A_455, %add3A_997 : i32
        %get3A_999 = arith.index_cast %add3A_998 : i32 to index
        %get3A_1000 = arith.constant 0 : index
        %get3A_1001 = tpu.vector_load %arg10[%get3A_999, %get3A_1000] {strides = array<i32>} : memref<768x16xf32, #tpu.memory_space<vmem>>, vector<16xf32>,
        %mul3A_1002 = arith.mulf %get3A_1001, %gather3A_996 : vector<16xf32>
        %broadcast_in_dim3A_1003 = arith.constant 12 : i32
        %broadcast_in_dim3A_1004 = vector.broadcast %broadcast_in_dim3A_1003 : i32 to vector<16x1xi32>
        %gather3A_1005 = vector.shape_cast %broadcast_in_dim3A_1004 : vector<16x1xi32> to vector<16xi32>
        %gather3A_1006 = tpu.dynamic_gather %bitcast3A_487[%gather3A_1005] in [0] : vector<16xf32>, vector<16xi32> -> vector<16xf32>
        %add3A_1007 = arith.constant 44 : i32
        %add3A_1008 = arith.addi %mul3A_455, %add3A_1007 : i32
        %get3A_1009 = arith.index_cast %add3A_1008 : i32 to index
        %get3A_1010 = arith.constant 0 : index
        %get3A_1011 = tpu.vector_load %arg10[%get3A_1009, %get3A_1010] {strides = array<i32>} : memref<768x16xf32, #tpu.memory_space<vmem>>, vector<16xf32>,
        %mul3A_1012 = arith.mulf %get3A_1011, %gather3A_1006 : vector<16xf32>
        %broadcast_in_dim3A_1013 = arith.constant 13 : i32
        %broadcast_in_dim3A_1014 = vector.broadcast %broadcast_in_dim3A_1013 : i32 to vector<16x1xi32>
        %gather3A_1015 = vector.shape_cast %broadcast_in_dim3A_1014 : vector<16x1xi32> to vector<16xi32>
        %gather3A_1016 = tpu.dynamic_gather %bitcast3A_487[%gather3A_1015] in [0] : vector<16xf32>, vector<16xi32> -> vector<16xf32>
        %add3A_1017 = arith.constant 45 : i32
        %add3A_1018 = arith.addi %mul3A_455, %add3A_1017 : i32
        %get3A_1019 = arith.index_cast %add3A_1018 : i32 to index
        %get3A_1020 = arith.constant 0 : index
        %get3A_1021 = tpu.vector_load %arg10[%get3A_1019, %get3A_1020] {strides = array<i32>} : memref<768x16xf32, #tpu.memory_space<vmem>>, vector<16xf32>,
        %mul3A_1022 = arith.mulf %get3A_1021, %gather3A_1016 : vector<16xf32>
        %broadcast_in_dim3A_1023 = arith.constant 0.000000e+00 : f32
        %broadcast_in_dim3A_1024 = vector.broadcast %broadcast_in_dim3A_1023 : f32 to vector<16xf32>
        %add3A_1025 = arith.addf %mul3A_832, %mul3A_992 : vector<16xf32>
        %add3A_1026 = arith.addf %mul3A_842, %mul3A_1002 : vector<16xf32>
        %add3A_1027 = arith.addf %mul3A_852, %mul3A_1012 : vector<16xf32>
        %add3A_1028 = arith.addf %mul3A_862, %mul3A_1022 : vector<16xf32>
        %add3A_1029 = arith.addf %mul3A_872, %broadcast_in_dim3A_1024 : vector<16xf32>
        %add3A_1030 = arith.addf %mul3A_882, %broadcast_in_dim3A_1024 : vector<16xf32>
        %add3A_1031 = arith.addf %mul3A_892, %broadcast_in_dim3A_1024 : vector<16xf32>
        %add3A_1032 = arith.addf %mul3A_902, %broadcast_in_dim3A_1024 : vector<16xf32>
        %add3A_1033 = arith.addf %mul3A_912, %broadcast_in_dim3A_1024 : vector<16xf32>
        %add3A_1034 = arith.addf %mul3A_922, %broadcast_in_dim3A_1024 : vector<16xf32>
        %add3A_1035 = arith.addf %mul3A_932, %broadcast_in_dim3A_1024 : vector<16xf32>
        %add3A_1036 = arith.addf %mul3A_942, %broadcast_in_dim3A_1024 : vector<16xf32>
        %add3A_1037 = arith.addf %mul3A_952, %broadcast_in_dim3A_1024 : vector<16xf32>
        %add3A_1038 = arith.addf %mul3A_962, %broadcast_in_dim3A_1024 : vector<16xf32>
        %add3A_1039 = arith.addf %mul3A_972, %broadcast_in_dim3A_1024 : vector<16xf32>
        %add3A_1040 = arith.addf %mul3A_982, %broadcast_in_dim3A_1024 : vector<16xf32>
        %add3A_1041 = arith.addf %add3A_1025, %add3A_1033 : vector<16xf32>
        %add3A_1042 = arith.addf %add3A_1026, %add3A_1034 : vector<16xf32>
        %add3A_1043 = arith.addf %add3A_1027, %add3A_1035 : vector<16xf32>
        %add3A_1044 = arith.addf %add3A_1028, %add3A_1036 : vector<16xf32>
        %add3A_1045 = arith.addf %add3A_1029, %add3A_1037 : vector<16xf32>
        %add3A_1046 = arith.addf %add3A_1030, %add3A_1038 : vector<16xf32>
        %add3A_1047 = arith.addf %add3A_1031, %add3A_1039 : vector<16xf32>
        %add3A_1048 = arith.addf %add3A_1032, %add3A_1040 : vector<16xf32>
        %add3A_1049 = arith.addf %add3A_1041, %add3A_1045 : vector<16xf32>
        %add3A_1050 = arith.addf %add3A_1042, %add3A_1046 : vector<16xf32>
        %add3A_1051 = arith.addf %add3A_1043, %add3A_1047 : vector<16xf32>
        %add3A_1052 = arith.addf %add3A_1044, %add3A_1048 : vector<16xf32>
        %add3A_1053 = arith.addf %add3A_1049, %add3A_1051 : vector<16xf32>
        %add3A_1054 = arith.addf %add3A_1050, %add3A_1052 : vector<16xf32>
        %add3A_1055 = arith.addf %add3A_1053, %add3A_1054 : vector<16xf32>
        %swap3A_1056 = arith.index_cast %scan3A_452 : i32 to index
        %swap3A_1057 = arith.constant 416 : index
        %swap3A_1058 = tpu.vector_load %arg14[%swap3A_1056, %swap3A_1057] {strides = array<i32>} : memref<16x448xf32, #tpu.memory_space<vmem>>, vector<16xf32>,
        tpu.vector_store %arg14[%swap3A_1056, %swap3A_1057], %add3A_1055 {strides = array<i32>} : memref<16x448xf32, #tpu.memory_space<vmem>>, vector<16xf32>,
        %add3A_1059 = arith.constant 0 : i32
        %add3A_1060 = arith.addi %mul3A_455, %add3A_1059 : i32
        %shift_right_arithmetic3A_1061 = arith.constant 7 : i32
        %shift_right_arithmetic3A_1062 = arith.shrsi %add3A_1060, %shift_right_arithmetic3A_1061 : i32
        %and3A_1063 = arith.constant 127 : i32
        %and3A_1064 = arith.andi %add3A_1060, %and3A_1063 : i32
        %get3A_1065 = arith.constant 2 : i32
        %get3A_1066 = arith.index_cast %get3A_1065 : i32 to index
        %get3A_1067 = arith.index_cast %shift_right_arithmetic3A_1062 : i32 to index
        %get3A_1068 = arith.index_cast %and3A_1064 : i32 to index
        %get3A_1069 = tpu.vector_load %arg8[%get3A_1066, %get3A_1067, %get3A_1068] {strides = array<i32>} : memref<4x6x128xi32, #tpu.memory_space<vmem>>, vector<16xi32>,
        %add3A_1070 = vector.broadcast %add3A_1060 : i32 to vector<16xi32>
        %add3A_1071 = arith.addi %iota3A, %add3A_1070 : vector<16xi32>
        %gather3A_1072 = tpu.vector_load_idx %arg12[%add3A_1071, %get3A_1069] : memref<768x16xf32, #tpu.memory_space<vmem>>[vector<16xi32>, vector<16xi32>], vector<16xf32>,
        %mul3A_1073 = arith.mulf %gather3A_1072, %bitcast3A : vector<16xf32>
        %swap3A_1074 = arith.index_cast %scan3A_452 : i32 to index
        %swap3A_1075 = arith.constant 0 : index
        %swap3A_1076 = tpu.vector_load %arg16[%swap3A_1074, %swap3A_1075] {strides = array<i32>} : memref<16x48xf32, #tpu.memory_space<vmem>>, vector<16xf32>,
        tpu.vector_store %arg16[%swap3A_1074, %swap3A_1075], %mul3A_1073 {strides = array<i32>} : memref<16x48xf32, #tpu.memory_space<vmem>>, vector<16xf32>,
        %add3A_1077 = arith.constant 16 : i32
        %add3A_1078 = arith.addi %mul3A_455, %add3A_1077 : i32
        %shift_right_arithmetic3A_1079 = arith.constant 7 : i32
        %shift_right_arithmetic3A_1080 = arith.shrsi %add3A_1078, %shift_right_arithmetic3A_1079 : i32
        %and3A_1081 = arith.constant 127 : i32
        %and3A_1082 = arith.andi %add3A_1078, %and3A_1081 : i32
        %get3A_1083 = arith.constant 2 : i32
        %get3A_1084 = arith.index_cast %get3A_1083 : i32 to index
        %get3A_1085 = arith.index_cast %shift_right_arithmetic3A_1080 : i32 to index
        %get3A_1086 = arith.index_cast %and3A_1082 : i32 to index
        %get3A_1087 = tpu.vector_load %arg8[%get3A_1084, %get3A_1085, %get3A_1086] {strides = array<i32>} : memref<4x6x128xi32, #tpu.memory_space<vmem>>, vector<16xi32>,
        %add3A_1088 = vector.broadcast %add3A_1078 : i32 to vector<16xi32>
        %add3A_1089 = arith.addi %iota3A, %add3A_1088 : vector<16xi32>
        %gather3A_1090 = tpu.vector_load_idx %arg12[%add3A_1089, %get3A_1087] : memref<768x16xf32, #tpu.memory_space<vmem>>[vector<16xi32>, vector<16xi32>], vector<16xf32>,
        %mul3A_1091 = arith.mulf %gather3A_1090, %bitcast3A_475 : vector<16xf32>
        %swap3A_1092 = arith.index_cast %scan3A_452 : i32 to index
        %swap3A_1093 = arith.constant 16 : index
        %swap3A_1094 = tpu.vector_load %arg16[%swap3A_1092, %swap3A_1093] {strides = array<i32>} : memref<16x48xf32, #tpu.memory_space<vmem>>, vector<16xf32>,
        tpu.vector_store %arg16[%swap3A_1092, %swap3A_1093], %mul3A_1091 {strides = array<i32>} : memref<16x48xf32, #tpu.memory_space<vmem>>, vector<16xf32>,
        %add3A_1095 = arith.constant 32 : i32
        %add3A_1096 = arith.addi %mul3A_455, %add3A_1095 : i32
        %shift_right_arithmetic3A_1097 = arith.constant 7 : i32
        %shift_right_arithmetic3A_1098 = arith.shrsi %add3A_1096, %shift_right_arithmetic3A_1097 : i32
        %and3A_1099 = arith.constant 127 : i32
        %and3A_1100 = arith.andi %add3A_1096, %and3A_1099 : i32
        %get3A_1101 = arith.constant 2 : i32
        %get3A_1102 = arith.index_cast %get3A_1101 : i32 to index
        %get3A_1103 = arith.index_cast %shift_right_arithmetic3A_1098 : i32 to index
        %get3A_1104 = arith.index_cast %and3A_1100 : i32 to index
        %get3A_1105 = tpu.vector_load %arg8[%get3A_1102, %get3A_1103, %get3A_1104] {strides = array<i32>} : memref<4x6x128xi32, #tpu.memory_space<vmem>>, vector<16xi32>,
        %add3A_1106 = vector.broadcast %add3A_1096 : i32 to vector<16xi32>
        %add3A_1107 = arith.addi %iota3A, %add3A_1106 : vector<16xi32>
        %gather3A_1108 = tpu.vector_load_idx %arg12[%add3A_1107, %get3A_1105] : memref<768x16xf32, #tpu.memory_space<vmem>>[vector<16xi32>, vector<16xi32>], vector<16xf32>,
        %mul3A_1109 = arith.mulf %gather3A_1108, %bitcast3A_487 : vector<16xf32>
        %swap3A_1110 = arith.index_cast %scan3A_452 : i32 to index
        %swap3A_1111 = arith.constant 32 : index
        %swap3A_1112 = tpu.vector_load %arg16[%swap3A_1110, %swap3A_1111] {strides = array<i32>} : memref<16x48xf32, #tpu.memory_space<vmem>>, vector<16xf32>,
        tpu.vector_store %arg16[%swap3A_1110, %swap3A_1111], %mul3A_1109 {strides = array<i32>} : memref<16x48xf32, #tpu.memory_space<vmem>>, vector<16xf32>,
        %scan3A_1113 = arith.constant 0 : i32
        scf.yield %scan3A_1113 : i32
      }
      %scan3A_290 = arith.constant 16 : i32
      %mul3A_291 = arith.constant 16 : i32
      %mul3A_292 = arith.muli %add3A_283, %mul3A_291 : i32
      "tpu.region"() ({
        %run_scoped3A = tpu.sem_alloc : memref<!tpu.dma_semaphore, #tpu.memory_space<semaphore_mem>>
        %dma_start3A_452 = arith.constant 0 : i32
        %dma_start3A_453 = tpu.memref_slice %arg6[%mul3A_292, %dma_start3A_452] : memref<16384x448xf32, #tpu.memory_space<hbm>> -> memref<16x448xf32, #tpu.memory_space<hbm>>
        %dma_start3A_454 = arith.constant 0 : i32
        %dma_start3A_455 = tpu.memref_slice %arg6[%mul3A_292, %dma_start3A_454] : memref<16384x448xf32, #tpu.memory_space<hbm>> -> memref<16x448xf32, #tpu.memory_space<hbm>>
        tpu.enqueue_dma source(%arg14 : memref<16x448xf32, #tpu.memory_space<vmem>>) target(%dma_start3A_455 : memref<16x448xf32, #tpu.memory_space<hbm>>) target_semaphore(%run_scoped3A : memref<!tpu.dma_semaphore, #tpu.memory_space<semaphore_mem>>)
        %dma_wait3A_456 = arith.constant 0 : i32
        %dma_wait3A_457 = tpu.memref_slice %arg6[%mul3A_292, %dma_wait3A_456] : memref<16384x448xf32, #tpu.memory_space<hbm>> -> memref<16x448xf32, #tpu.memory_space<hbm>>
        %dma_wait3A_458 = arith.constant 0 : i32
        %dma_wait3A_459 = tpu.memref_slice %arg6[%mul3A_292, %dma_wait3A_458] : memref<16384x448xf32, #tpu.memory_space<hbm>> -> memref<16x448xf32, #tpu.memory_space<hbm>>
        tpu.wait_dma2 semaphore(%run_scoped3A : memref<!tpu.dma_semaphore, #tpu.memory_space<semaphore_mem>>) src(%arg14 : memref<16x448xf32, #tpu.memory_space<vmem>>) dst(%dma_wait3A_459 : memref<16x448xf32, #tpu.memory_space<hbm>>)
        tpu.yield
      }) : () -> ()
      %mul3A_293 = arith.constant 16 : i32
      %mul3A_294 = arith.muli %add3A_283, %mul3A_293 : i32
      "tpu.region"() ({
        %run_scoped3A = tpu.sem_alloc : memref<!tpu.dma_semaphore, #tpu.memory_space<semaphore_mem>>
        %dma_start3A_452 = arith.constant 0 : i32
        %dma_start3A_453 = tpu.memref_slice %arg7[%mul3A_294, %dma_start3A_452] : memref<16384x48xf32, #tpu.memory_space<hbm>> -> memref<16x48xf32, #tpu.memory_space<hbm>>
        %dma_start3A_454 = arith.constant 0 : i32
        %dma_start3A_455 = tpu.memref_slice %arg7[%mul3A_294, %dma_start3A_454] : memref<16384x48xf32, #tpu.memory_space<hbm>> -> memref<16x48xf32, #tpu.memory_space<hbm>>
        tpu.enqueue_dma source(%arg16 : memref<16x48xf32, #tpu.memory_space<vmem>>) target(%dma_start3A_455 : memref<16x48xf32, #tpu.memory_space<hbm>>) target_semaphore(%run_scoped3A : memref<!tpu.dma_semaphore, #tpu.memory_space<semaphore_mem>>)
        %dma_wait3A_456 = arith.constant 0 : i32
        %dma_wait3A_457 = tpu.memref_slice %arg7[%mul3A_294, %dma_wait3A_456] : memref<16384x48xf32, #tpu.memory_space<hbm>> -> memref<16x48xf32, #tpu.memory_space<hbm>>
        %dma_wait3A_458 = arith.constant 0 : i32
        %dma_wait3A_459 = tpu.memref_slice %arg7[%mul3A_294, %dma_wait3A_458] : memref<16384x48xf32, #tpu.memory_space<hbm>> -> memref<16x48xf32, #tpu.memory_space<hbm>>
        tpu.wait_dma2 semaphore(%run_scoped3A : memref<!tpu.dma_semaphore, #tpu.memory_space<semaphore_mem>>) src(%arg16 : memref<16x48xf32, #tpu.memory_space<vmem>>) dst(%dma_wait3A_459 : memref<16x48xf32, #tpu.memory_space<hbm>>)
        tpu.yield
      }) : () -> ()
      %mul3A_295 = arith.constant 2 : i32
      %mul3A_296 = arith.muli %scan3A_142, %mul3A_295 : i32
      %add3A_297 = arith.constant 1 : i32
      %add3A_298 = arith.addi %mul3A_296, %add3A_297 : i32
      %add3A_299 = arith.constant 1 : i32
      %add3A_300 = arith.addi %add3A_298, %add3A_299 : i32
      %lt3A_301 = arith.constant 32 : i32
      %lt3A_302 = arith.cmpi slt, %add3A_300, %lt3A_301 : i32
      %convert_element_type3A_303 = arith.extui %lt3A_302 : i1 to i32
      %cond3A_304 = arith.constant 0 : i32
      %cond3A_305 = arith.cmpi ne, %convert_element_type3A_303, %cond3A_304 : i32
      scf.if %cond3A_305 {
        %add3A_452 = arith.addi %mul3A_2, %add3A_298 : i32
        %add3A_453 = arith.constant 1 : i32
        %add3A_454 = arith.addi %add3A_452, %add3A_453 : i32
        "tpu.region"() ({
          %run_scoped3A = tpu.sem_alloc : memref<!tpu.dma_semaphore, #tpu.memory_space<semaphore_mem>>
          %dma_start3A_589 = arith.constant 0 : i32
          %dma_start3A_590 = arith.constant 0 : i32
          %dma_start3A_591 = arith.constant 0 : i32
          %dma_start3A_592 = tpu.memref_slice %arg2[%add3A_454, %dma_start3A_589, %dma_start3A_590, %dma_start3A_591] : memref<1024x4x6x128xi32, #tpu.memory_space<hbm>> -> memref<1x4x6x128xi32, #tpu.memory_space<hbm>>
          %dma_start3A_593 = tpu.memref_squeeze %dma_start3A_592 : memref<1x4x6x128xi32, #tpu.memory_space<hbm>> -> memref<4x6x128xi32, #tpu.memory_space<hbm>>
          %dma_start3A_594 = arith.constant 0 : i32
          %dma_start3A_595 = arith.constant 0 : i32
          %dma_start3A_596 = arith.constant 0 : i32
          %dma_start3A_597 = tpu.memref_slice %arg2[%add3A_454, %dma_start3A_594, %dma_start3A_595, %dma_start3A_596] : memref<1024x4x6x128xi32, #tpu.memory_space<hbm>> -> memref<1x4x6x128xi32, #tpu.memory_space<hbm>>
          %dma_start3A_598 = tpu.memref_squeeze %dma_start3A_597 : memref<1x4x6x128xi32, #tpu.memory_space<hbm>> -> memref<4x6x128xi32, #tpu.memory_space<hbm>>
          tpu.enqueue_dma source(%dma_start3A_598 : memref<4x6x128xi32, #tpu.memory_space<hbm>>) target(%arg8 : memref<4x6x128xi32, #tpu.memory_space<vmem>>) target_semaphore(%run_scoped3A : memref<!tpu.dma_semaphore, #tpu.memory_space<semaphore_mem>>)
          %dma_wait3A_599 = arith.constant 0 : i32
          %dma_wait3A_600 = arith.constant 0 : i32
          %dma_wait3A_601 = arith.constant 0 : i32
          %dma_wait3A_602 = tpu.memref_slice %arg2[%add3A_454, %dma_wait3A_599, %dma_wait3A_600, %dma_wait3A_601] : memref<1024x4x6x128xi32, #tpu.memory_space<hbm>> -> memref<1x4x6x128xi32, #tpu.memory_space<hbm>>
          %dma_wait3A_603 = tpu.memref_squeeze %dma_wait3A_602 : memref<1x4x6x128xi32, #tpu.memory_space<hbm>> -> memref<4x6x128xi32, #tpu.memory_space<hbm>>
          %dma_wait3A_604 = arith.constant 0 : i32
          %dma_wait3A_605 = arith.constant 0 : i32
          %dma_wait3A_606 = arith.constant 0 : i32
          %dma_wait3A_607 = tpu.memref_slice %arg2[%add3A_454, %dma_wait3A_604, %dma_wait3A_605, %dma_wait3A_606] : memref<1024x4x6x128xi32, #tpu.memory_space<hbm>> -> memref<1x4x6x128xi32, #tpu.memory_space<hbm>>
          %dma_wait3A_608 = tpu.memref_squeeze %dma_wait3A_607 : memref<1x4x6x128xi32, #tpu.memory_space<hbm>> -> memref<4x6x128xi32, #tpu.memory_space<hbm>>
          tpu.wait_dma2 semaphore(%run_scoped3A : memref<!tpu.dma_semaphore, #tpu.memory_space<semaphore_mem>>) src(%dma_wait3A_608 : memref<4x6x128xi32, #tpu.memory_space<hbm>>) dst(%arg8 : memref<4x6x128xi32, #tpu.memory_space<vmem>>)
          tpu.yield
        }) : () -> ()
        %mul3A_455 = arith.constant 16 : i32
        %mul3A_456 = arith.muli %add3A_454, %mul3A_455 : i32
        "tpu.region"() ({
          %run_scoped3A = tpu.sem_alloc : memref<!tpu.dma_semaphore, #tpu.memory_space<semaphore_mem>>
          %dma_start3A_589 = arith.constant 0 : i32
          %dma_start3A_590 = arith.constant 432 : i32
          %dma_start3A_591 = tpu.memref_slice %arg14[%dma_start3A_589, %dma_start3A_590] : memref<16x448xf32, #tpu.memory_space<vmem>> -> memref<16x16xf32, #tpu.memory_space<vmem>>
          %dma_start3A_592 = arith.constant 0 : i32
          %dma_start3A_593 = tpu.memref_slice %arg3[%mul3A_456, %dma_start3A_592] : memref<16384x16xf32, #tpu.memory_space<hbm>> -> memref<16x16xf32, #tpu.memory_space<hbm>>
          %dma_start3A_594 = arith.constant 0 : i32
          %dma_start3A_595 = arith.constant 432 : i32
          %dma_start3A_596 = tpu.memref_slice %arg14[%dma_start3A_594, %dma_start3A_595] : memref<16x448xf32, #tpu.memory_space<vmem>> -> memref<16x16xf32, #tpu.memory_space<vmem>>
          %dma_start3A_597 = arith.constant 0 : i32
          %dma_start3A_598 = tpu.memref_slice %arg3[%mul3A_456, %dma_start3A_597] : memref<16384x16xf32, #tpu.memory_space<hbm>> -> memref<16x16xf32, #tpu.memory_space<hbm>>
          tpu.enqueue_dma source(%dma_start3A_598 : memref<16x16xf32, #tpu.memory_space<hbm>>) target(%dma_start3A_596 : memref<16x16xf32, #tpu.memory_space<vmem>>) target_semaphore(%run_scoped3A : memref<!tpu.dma_semaphore, #tpu.memory_space<semaphore_mem>>)
          %dma_wait3A_599 = arith.constant 0 : i32
          %dma_wait3A_600 = arith.constant 432 : i32
          %dma_wait3A_601 = tpu.memref_slice %arg14[%dma_wait3A_599, %dma_wait3A_600] : memref<16x448xf32, #tpu.memory_space<vmem>> -> memref<16x16xf32, #tpu.memory_space<vmem>>
          %dma_wait3A_602 = arith.constant 0 : i32
          %dma_wait3A_603 = tpu.memref_slice %arg3[%mul3A_456, %dma_wait3A_602] : memref<16384x16xf32, #tpu.memory_space<hbm>> -> memref<16x16xf32, #tpu.memory_space<hbm>>
          %dma_wait3A_604 = arith.constant 0 : i32
          %dma_wait3A_605 = arith.constant 432 : i32
          %dma_wait3A_606 = tpu.memref_slice %arg14[%dma_wait3A_604, %dma_wait3A_605] : memref<16x448xf32, #tpu.memory_space<vmem>> -> memref<16x16xf32, #tpu.memory_space<vmem>>
          %dma_wait3A_607 = arith.constant 0 : i32
          %dma_wait3A_608 = tpu.memref_slice %arg3[%mul3A_456, %dma_wait3A_607] : memref<16384x16xf32, #tpu.memory_space<hbm>> -> memref<16x16xf32, #tpu.memory_space<hbm>>
          tpu.wait_dma2 semaphore(%run_scoped3A : memref<!tpu.dma_semaphore, #tpu.memory_space<semaphore_mem>>) src(%dma_wait3A_608 : memref<16x16xf32, #tpu.memory_space<hbm>>) dst(%dma_wait3A_606 : memref<16x16xf32, #tpu.memory_space<vmem>>)
          tpu.yield
        }) : () -> ()
        %dma_start3A_457 = arith.constant 0 : i32
        %dma_start3A_458 = arith.constant 0 : i32
        %dma_start3A_459 = arith.constant 0 : i32
        %dma_start3A_460 = arith.constant 0 : i32
        %dma_start3A_461 = tpu.memref_slice %arg10[%dma_start3A_459, %dma_start3A_460] : memref<768x16xf32, #tpu.memory_space<vmem>> -> memref<128x16xf32, #tpu.memory_space<vmem>>
        %dma_start3A_462 = arith.constant 0 : i32
        %dma_start3A_463 = tpu.memref_slice %arg8[%dma_start3A_457, %dma_start3A_458, %dma_start3A_462] : memref<4x6x128xi32, #tpu.memory_space<vmem>> -> memref<1x1x128xi32, #tpu.memory_space<vmem>>
        %dma_start3A_464 = tpu.memref_squeeze %dma_start3A_463 : memref<1x1x128xi32, #tpu.memory_space<vmem>> -> memref<128xi32, #tpu.memory_space<vmem>>
        %dma_start3A_465 = arith.constant 0 : i32
        %dma_start3A_466 = arith.constant 0 : i32
        %dma_start3A_467 = tpu.memref_slice %arg4[%dma_start3A_465, %dma_start3A_466] : memref<1000000x16xf32, #tpu.memory_space<hbm>> -> memref<1000000x16xf32, #tpu.memory_space<hbm>>
        tpu.enqueue_indirect_dma source(%dma_start3A_467 : memref<1000000x16xf32, #tpu.memory_space<hbm>>) target(%dma_start3A_461 : memref<128x16xf32, #tpu.memory_space<vmem>>) offsets(%dma_start3A_464 : memref<128xi32, #tpu.memory_space<vmem>>) semaphore(%arg18 : memref<!tpu.dma_semaphore, #tpu.memory_space<semaphore_mem>>)
        %dma_start3A_468 = arith.constant 1 : i32
        %dma_start3A_469 = arith.constant 0 : i32
        %dma_start3A_470 = arith.constant 0 : i32
        %dma_start3A_471 = arith.constant 0 : i32
        %dma_start3A_472 = tpu.memref_slice %arg12[%dma_start3A_470, %dma_start3A_471] : memref<768x16xf32, #tpu.memory_space<vmem>> -> memref<128x16xf32, #tpu.memory_space<vmem>>
        %dma_start3A_473 = arith.constant 0 : i32
        %dma_start3A_474 = tpu.memref_slice %arg8[%dma_start3A_468, %dma_start3A_469, %dma_start3A_473] : memref<4x6x128xi32, #tpu.memory_space<vmem>> -> memref<1x1x128xi32, #tpu.memory_space<vmem>>
        %dma_start3A_475 = tpu.memref_squeeze %dma_start3A_474 : memref<1x1x128xi32, #tpu.memory_space<vmem>> -> memref<128xi32, #tpu.memory_space<vmem>>
        %dma_start3A_476 = arith.constant 0 : i32
        %dma_start3A_477 = arith.constant 0 : i32
        %dma_start3A_478 = tpu.memref_slice %arg5[%dma_start3A_476, %dma_start3A_477] : memref<62500x16xf32, #tpu.memory_space<hbm>> -> memref<62500x16xf32, #tpu.memory_space<hbm>>
        tpu.enqueue_indirect_dma source(%dma_start3A_478 : memref<62500x16xf32, #tpu.memory_space<hbm>>) target(%dma_start3A_472 : memref<128x16xf32, #tpu.memory_space<vmem>>) offsets(%dma_start3A_475 : memref<128xi32, #tpu.memory_space<vmem>>) semaphore(%arg20 : memref<!tpu.dma_semaphore, #tpu.memory_space<semaphore_mem>>)
        %dma_start3A_479 = arith.constant 0 : i32
        %dma_start3A_480 = arith.constant 1 : i32
        %dma_start3A_481 = arith.constant 128 : i32
        %dma_start3A_482 = arith.constant 0 : i32
        %dma_start3A_483 = tpu.memref_slice %arg10[%dma_start3A_481, %dma_start3A_482] : memref<768x16xf32, #tpu.memory_space<vmem>> -> memref<128x16xf32, #tpu.memory_space<vmem>>
        %dma_start3A_484 = arith.constant 0 : i32
        %dma_start3A_485 = tpu.memref_slice %arg8[%dma_start3A_479, %dma_start3A_480, %dma_start3A_484] : memref<4x6x128xi32, #tpu.memory_space<vmem>> -> memref<1x1x128xi32, #tpu.memory_space<vmem>>
        %dma_start3A_486 = tpu.memref_squeeze %dma_start3A_485 : memref<1x1x128xi32, #tpu.memory_space<vmem>> -> memref<128xi32, #tpu.memory_space<vmem>>
        %dma_start3A_487 = arith.constant 0 : i32
        %dma_start3A_488 = arith.constant 0 : i32
        %dma_start3A_489 = tpu.memref_slice %arg4[%dma_start3A_487, %dma_start3A_488] : memref<1000000x16xf32, #tpu.memory_space<hbm>> -> memref<1000000x16xf32, #tpu.memory_space<hbm>>
        tpu.enqueue_indirect_dma source(%dma_start3A_489 : memref<1000000x16xf32, #tpu.memory_space<hbm>>) target(%dma_start3A_483 : memref<128x16xf32, #tpu.memory_space<vmem>>) offsets(%dma_start3A_486 : memref<128xi32, #tpu.memory_space<vmem>>) semaphore(%arg18 : memref<!tpu.dma_semaphore, #tpu.memory_space<semaphore_mem>>)
        %dma_start3A_490 = arith.constant 1 : i32
        %dma_start3A_491 = arith.constant 1 : i32
        %dma_start3A_492 = arith.constant 128 : i32
        %dma_start3A_493 = arith.constant 0 : i32
        %dma_start3A_494 = tpu.memref_slice %arg12[%dma_start3A_492, %dma_start3A_493] : memref<768x16xf32, #tpu.memory_space<vmem>> -> memref<128x16xf32, #tpu.memory_space<vmem>>
        %dma_start3A_495 = arith.constant 0 : i32
        %dma_start3A_496 = tpu.memref_slice %arg8[%dma_start3A_490, %dma_start3A_491, %dma_start3A_495] : memref<4x6x128xi32, #tpu.memory_space<vmem>> -> memref<1x1x128xi32, #tpu.memory_space<vmem>>
        %dma_start3A_497 = tpu.memref_squeeze %dma_start3A_496 : memref<1x1x128xi32, #tpu.memory_space<vmem>> -> memref<128xi32, #tpu.memory_space<vmem>>
        %dma_start3A_498 = arith.constant 0 : i32
        %dma_start3A_499 = arith.constant 0 : i32
        %dma_start3A_500 = tpu.memref_slice %arg5[%dma_start3A_498, %dma_start3A_499] : memref<62500x16xf32, #tpu.memory_space<hbm>> -> memref<62500x16xf32, #tpu.memory_space<hbm>>
        tpu.enqueue_indirect_dma source(%dma_start3A_500 : memref<62500x16xf32, #tpu.memory_space<hbm>>) target(%dma_start3A_494 : memref<128x16xf32, #tpu.memory_space<vmem>>) offsets(%dma_start3A_497 : memref<128xi32, #tpu.memory_space<vmem>>) semaphore(%arg20 : memref<!tpu.dma_semaphore, #tpu.memory_space<semaphore_mem>>)
        %dma_start3A_501 = arith.constant 0 : i32
        %dma_start3A_502 = arith.constant 2 : i32
        %dma_start3A_503 = arith.constant 256 : i32
        %dma_start3A_504 = arith.constant 0 : i32
        %dma_start3A_505 = tpu.memref_slice %arg10[%dma_start3A_503, %dma_start3A_504] : memref<768x16xf32, #tpu.memory_space<vmem>> -> memref<128x16xf32, #tpu.memory_space<vmem>>
        %dma_start3A_506 = arith.constant 0 : i32
        %dma_start3A_507 = tpu.memref_slice %arg8[%dma_start3A_501, %dma_start3A_502, %dma_start3A_506] : memref<4x6x128xi32, #tpu.memory_space<vmem>> -> memref<1x1x128xi32, #tpu.memory_space<vmem>>
        %dma_start3A_508 = tpu.memref_squeeze %dma_start3A_507 : memref<1x1x128xi32, #tpu.memory_space<vmem>> -> memref<128xi32, #tpu.memory_space<vmem>>
        %dma_start3A_509 = arith.constant 0 : i32
        %dma_start3A_510 = arith.constant 0 : i32
        %dma_start3A_511 = tpu.memref_slice %arg4[%dma_start3A_509, %dma_start3A_510] : memref<1000000x16xf32, #tpu.memory_space<hbm>> -> memref<1000000x16xf32, #tpu.memory_space<hbm>>
        tpu.enqueue_indirect_dma source(%dma_start3A_511 : memref<1000000x16xf32, #tpu.memory_space<hbm>>) target(%dma_start3A_505 : memref<128x16xf32, #tpu.memory_space<vmem>>) offsets(%dma_start3A_508 : memref<128xi32, #tpu.memory_space<vmem>>) semaphore(%arg18 : memref<!tpu.dma_semaphore, #tpu.memory_space<semaphore_mem>>)
        %dma_start3A_512 = arith.constant 1 : i32
        %dma_start3A_513 = arith.constant 2 : i32
        %dma_start3A_514 = arith.constant 256 : i32
        %dma_start3A_515 = arith.constant 0 : i32
        %dma_start3A_516 = tpu.memref_slice %arg12[%dma_start3A_514, %dma_start3A_515] : memref<768x16xf32, #tpu.memory_space<vmem>> -> memref<128x16xf32, #tpu.memory_space<vmem>>
        %dma_start3A_517 = arith.constant 0 : i32
        %dma_start3A_518 = tpu.memref_slice %arg8[%dma_start3A_512, %dma_start3A_513, %dma_start3A_517] : memref<4x6x128xi32, #tpu.memory_space<vmem>> -> memref<1x1x128xi32, #tpu.memory_space<vmem>>
        %dma_start3A_519 = tpu.memref_squeeze %dma_start3A_518 : memref<1x1x128xi32, #tpu.memory_space<vmem>> -> memref<128xi32, #tpu.memory_space<vmem>>
        %dma_start3A_520 = arith.constant 0 : i32
        %dma_start3A_521 = arith.constant 0 : i32
        %dma_start3A_522 = tpu.memref_slice %arg5[%dma_start3A_520, %dma_start3A_521] : memref<62500x16xf32, #tpu.memory_space<hbm>> -> memref<62500x16xf32, #tpu.memory_space<hbm>>
        tpu.enqueue_indirect_dma source(%dma_start3A_522 : memref<62500x16xf32, #tpu.memory_space<hbm>>) target(%dma_start3A_516 : memref<128x16xf32, #tpu.memory_space<vmem>>) offsets(%dma_start3A_519 : memref<128xi32, #tpu.memory_space<vmem>>) semaphore(%arg20 : memref<!tpu.dma_semaphore, #tpu.memory_space<semaphore_mem>>)
        %dma_start3A_523 = arith.constant 0 : i32
        %dma_start3A_524 = arith.constant 3 : i32
        %dma_start3A_525 = arith.constant 384 : i32
        %dma_start3A_526 = arith.constant 0 : i32
        %dma_start3A_527 = tpu.memref_slice %arg10[%dma_start3A_525, %dma_start3A_526] : memref<768x16xf32, #tpu.memory_space<vmem>> -> memref<128x16xf32, #tpu.memory_space<vmem>>
        %dma_start3A_528 = arith.constant 0 : i32
        %dma_start3A_529 = tpu.memref_slice %arg8[%dma_start3A_523, %dma_start3A_524, %dma_start3A_528] : memref<4x6x128xi32, #tpu.memory_space<vmem>> -> memref<1x1x128xi32, #tpu.memory_space<vmem>>
        %dma_start3A_530 = tpu.memref_squeeze %dma_start3A_529 : memref<1x1x128xi32, #tpu.memory_space<vmem>> -> memref<128xi32, #tpu.memory_space<vmem>>
        %dma_start3A_531 = arith.constant 0 : i32
        %dma_start3A_532 = arith.constant 0 : i32
        %dma_start3A_533 = tpu.memref_slice %arg4[%dma_start3A_531, %dma_start3A_532] : memref<1000000x16xf32, #tpu.memory_space<hbm>> -> memref<1000000x16xf32, #tpu.memory_space<hbm>>
        tpu.enqueue_indirect_dma source(%dma_start3A_533 : memref<1000000x16xf32, #tpu.memory_space<hbm>>) target(%dma_start3A_527 : memref<128x16xf32, #tpu.memory_space<vmem>>) offsets(%dma_start3A_530 : memref<128xi32, #tpu.memory_space<vmem>>) semaphore(%arg18 : memref<!tpu.dma_semaphore, #tpu.memory_space<semaphore_mem>>)
        %dma_start3A_534 = arith.constant 1 : i32
        %dma_start3A_535 = arith.constant 3 : i32
        %dma_start3A_536 = arith.constant 384 : i32
        %dma_start3A_537 = arith.constant 0 : i32
        %dma_start3A_538 = tpu.memref_slice %arg12[%dma_start3A_536, %dma_start3A_537] : memref<768x16xf32, #tpu.memory_space<vmem>> -> memref<128x16xf32, #tpu.memory_space<vmem>>
        %dma_start3A_539 = arith.constant 0 : i32
        %dma_start3A_540 = tpu.memref_slice %arg8[%dma_start3A_534, %dma_start3A_535, %dma_start3A_539] : memref<4x6x128xi32, #tpu.memory_space<vmem>> -> memref<1x1x128xi32, #tpu.memory_space<vmem>>
        %dma_start3A_541 = tpu.memref_squeeze %dma_start3A_540 : memref<1x1x128xi32, #tpu.memory_space<vmem>> -> memref<128xi32, #tpu.memory_space<vmem>>
        %dma_start3A_542 = arith.constant 0 : i32
        %dma_start3A_543 = arith.constant 0 : i32
        %dma_start3A_544 = tpu.memref_slice %arg5[%dma_start3A_542, %dma_start3A_543] : memref<62500x16xf32, #tpu.memory_space<hbm>> -> memref<62500x16xf32, #tpu.memory_space<hbm>>
        tpu.enqueue_indirect_dma source(%dma_start3A_544 : memref<62500x16xf32, #tpu.memory_space<hbm>>) target(%dma_start3A_538 : memref<128x16xf32, #tpu.memory_space<vmem>>) offsets(%dma_start3A_541 : memref<128xi32, #tpu.memory_space<vmem>>) semaphore(%arg20 : memref<!tpu.dma_semaphore, #tpu.memory_space<semaphore_mem>>)
        %dma_start3A_545 = arith.constant 0 : i32
        %dma_start3A_546 = arith.constant 4 : i32
        %dma_start3A_547 = arith.constant 512 : i32
        %dma_start3A_548 = arith.constant 0 : i32
        %dma_start3A_549 = tpu.memref_slice %arg10[%dma_start3A_547, %dma_start3A_548] : memref<768x16xf32, #tpu.memory_space<vmem>> -> memref<128x16xf32, #tpu.memory_space<vmem>>
        %dma_start3A_550 = arith.constant 0 : i32
        %dma_start3A_551 = tpu.memref_slice %arg8[%dma_start3A_545, %dma_start3A_546, %dma_start3A_550] : memref<4x6x128xi32, #tpu.memory_space<vmem>> -> memref<1x1x128xi32, #tpu.memory_space<vmem>>
        %dma_start3A_552 = tpu.memref_squeeze %dma_start3A_551 : memref<1x1x128xi32, #tpu.memory_space<vmem>> -> memref<128xi32, #tpu.memory_space<vmem>>
        %dma_start3A_553 = arith.constant 0 : i32
        %dma_start3A_554 = arith.constant 0 : i32
        %dma_start3A_555 = tpu.memref_slice %arg4[%dma_start3A_553, %dma_start3A_554] : memref<1000000x16xf32, #tpu.memory_space<hbm>> -> memref<1000000x16xf32, #tpu.memory_space<hbm>>
        tpu.enqueue_indirect_dma source(%dma_start3A_555 : memref<1000000x16xf32, #tpu.memory_space<hbm>>) target(%dma_start3A_549 : memref<128x16xf32, #tpu.memory_space<vmem>>) offsets(%dma_start3A_552 : memref<128xi32, #tpu.memory_space<vmem>>) semaphore(%arg18 : memref<!tpu.dma_semaphore, #tpu.memory_space<semaphore_mem>>)
        %dma_start3A_556 = arith.constant 1 : i32
        %dma_start3A_557 = arith.constant 4 : i32
        %dma_start3A_558 = arith.constant 512 : i32
        %dma_start3A_559 = arith.constant 0 : i32
        %dma_start3A_560 = tpu.memref_slice %arg12[%dma_start3A_558, %dma_start3A_559] : memref<768x16xf32, #tpu.memory_space<vmem>> -> memref<128x16xf32, #tpu.memory_space<vmem>>
        %dma_start3A_561 = arith.constant 0 : i32
        %dma_start3A_562 = tpu.memref_slice %arg8[%dma_start3A_556, %dma_start3A_557, %dma_start3A_561] : memref<4x6x128xi32, #tpu.memory_space<vmem>> -> memref<1x1x128xi32, #tpu.memory_space<vmem>>
        %dma_start3A_563 = tpu.memref_squeeze %dma_start3A_562 : memref<1x1x128xi32, #tpu.memory_space<vmem>> -> memref<128xi32, #tpu.memory_space<vmem>>
        %dma_start3A_564 = arith.constant 0 : i32
        %dma_start3A_565 = arith.constant 0 : i32
        %dma_start3A_566 = tpu.memref_slice %arg5[%dma_start3A_564, %dma_start3A_565] : memref<62500x16xf32, #tpu.memory_space<hbm>> -> memref<62500x16xf32, #tpu.memory_space<hbm>>
        tpu.enqueue_indirect_dma source(%dma_start3A_566 : memref<62500x16xf32, #tpu.memory_space<hbm>>) target(%dma_start3A_560 : memref<128x16xf32, #tpu.memory_space<vmem>>) offsets(%dma_start3A_563 : memref<128xi32, #tpu.memory_space<vmem>>) semaphore(%arg20 : memref<!tpu.dma_semaphore, #tpu.memory_space<semaphore_mem>>)
        %dma_start3A_567 = arith.constant 0 : i32
        %dma_start3A_568 = arith.constant 5 : i32
        %dma_start3A_569 = arith.constant 640 : i32
        %dma_start3A_570 = arith.constant 0 : i32
        %dma_start3A_571 = tpu.memref_slice %arg10[%dma_start3A_569, %dma_start3A_570] : memref<768x16xf32, #tpu.memory_space<vmem>> -> memref<128x16xf32, #tpu.memory_space<vmem>>
        %dma_start3A_572 = arith.constant 0 : i32
        %dma_start3A_573 = tpu.memref_slice %arg8[%dma_start3A_567, %dma_start3A_568, %dma_start3A_572] : memref<4x6x128xi32, #tpu.memory_space<vmem>> -> memref<1x1x128xi32, #tpu.memory_space<vmem>>
        %dma_start3A_574 = tpu.memref_squeeze %dma_start3A_573 : memref<1x1x128xi32, #tpu.memory_space<vmem>> -> memref<128xi32, #tpu.memory_space<vmem>>
        %dma_start3A_575 = arith.constant 0 : i32
        %dma_start3A_576 = arith.constant 0 : i32
        %dma_start3A_577 = tpu.memref_slice %arg4[%dma_start3A_575, %dma_start3A_576] : memref<1000000x16xf32, #tpu.memory_space<hbm>> -> memref<1000000x16xf32, #tpu.memory_space<hbm>>
        tpu.enqueue_indirect_dma source(%dma_start3A_577 : memref<1000000x16xf32, #tpu.memory_space<hbm>>) target(%dma_start3A_571 : memref<128x16xf32, #tpu.memory_space<vmem>>) offsets(%dma_start3A_574 : memref<128xi32, #tpu.memory_space<vmem>>) semaphore(%arg18 : memref<!tpu.dma_semaphore, #tpu.memory_space<semaphore_mem>>)
        %dma_start3A_578 = arith.constant 1 : i32
        %dma_start3A_579 = arith.constant 5 : i32
        %dma_start3A_580 = arith.constant 640 : i32
        %dma_start3A_581 = arith.constant 0 : i32
        %dma_start3A_582 = tpu.memref_slice %arg12[%dma_start3A_580, %dma_start3A_581] : memref<768x16xf32, #tpu.memory_space<vmem>> -> memref<128x16xf32, #tpu.memory_space<vmem>>
        %dma_start3A_583 = arith.constant 0 : i32
        %dma_start3A_584 = tpu.memref_slice %arg8[%dma_start3A_578, %dma_start3A_579, %dma_start3A_583] : memref<4x6x128xi32, #tpu.memory_space<vmem>> -> memref<1x1x128xi32, #tpu.memory_space<vmem>>
        %dma_start3A_585 = tpu.memref_squeeze %dma_start3A_584 : memref<1x1x128xi32, #tpu.memory_space<vmem>> -> memref<128xi32, #tpu.memory_space<vmem>>
        %dma_start3A_586 = arith.constant 0 : i32
        %dma_start3A_587 = arith.constant 0 : i32
        %dma_start3A_588 = tpu.memref_slice %arg5[%dma_start3A_586, %dma_start3A_587] : memref<62500x16xf32, #tpu.memory_space<hbm>> -> memref<62500x16xf32, #tpu.memory_space<hbm>>
        tpu.enqueue_indirect_dma source(%dma_start3A_588 : memref<62500x16xf32, #tpu.memory_space<hbm>>) target(%dma_start3A_582 : memref<128x16xf32, #tpu.memory_space<vmem>>) offsets(%dma_start3A_585 : memref<128xi32, #tpu.memory_space<vmem>>) semaphore(%arg20 : memref<!tpu.dma_semaphore, #tpu.memory_space<semaphore_mem>>)
      } else {
      }
      %dma_wait3A_306 = arith.constant 0 : i32
      %dma_wait3A_307 = arith.constant 0 : i32
      %dma_wait3A_308 = arith.constant 0 : i32
      %dma_wait3A_309 = arith.constant 0 : i32
      %dma_wait3A_310 = tpu.memref_slice %arg11[%dma_wait3A_308, %dma_wait3A_309] : memref<768x16xf32, #tpu.memory_space<vmem>> -> memref<128x16xf32, #tpu.memory_space<vmem>>
      %dma_wait3A_311 = arith.constant 0 : i32
      %dma_wait3A_312 = tpu.memref_slice %arg9[%dma_wait3A_306, %dma_wait3A_307, %dma_wait3A_311] : memref<4x6x128xi32, #tpu.memory_space<vmem>> -> memref<1x1x128xi32, #tpu.memory_space<vmem>>
      %dma_wait3A_313 = tpu.memref_squeeze %dma_wait3A_312 : memref<1x1x128xi32, #tpu.memory_space<vmem>> -> memref<128xi32, #tpu.memory_space<vmem>>
      %dma_wait3A_314 = arith.constant 0 : i32
      %dma_wait3A_315 = arith.constant 0 : i32
      %dma_wait3A_316 = tpu.memref_slice %arg4[%dma_wait3A_314, %dma_wait3A_315] : memref<1000000x16xf32, #tpu.memory_space<hbm>> -> memref<1000000x16xf32, #tpu.memory_space<hbm>>
      tpu.wait_indirect_dma semaphore(%arg19 : memref<!tpu.dma_semaphore, #tpu.memory_space<semaphore_mem>>) src(%dma_wait3A_316 : memref<1000000x16xf32, #tpu.memory_space<hbm>>) dst(%dma_wait3A_310 : memref<128x16xf32, #tpu.memory_space<vmem>>)
      %dma_wait3A_317 = arith.constant 1 : i32
      %dma_wait3A_318 = arith.constant 0 : i32
      %dma_wait3A_319 = arith.constant 0 : i32
      %dma_wait3A_320 = arith.constant 0 : i32
      %dma_wait3A_321 = tpu.memref_slice %arg13[%dma_wait3A_319, %dma_wait3A_320] : memref<768x16xf32, #tpu.memory_space<vmem>> -> memref<128x16xf32, #tpu.memory_space<vmem>>
      %dma_wait3A_322 = arith.constant 0 : i32
      %dma_wait3A_323 = tpu.memref_slice %arg9[%dma_wait3A_317, %dma_wait3A_318, %dma_wait3A_322] : memref<4x6x128xi32, #tpu.memory_space<vmem>> -> memref<1x1x128xi32, #tpu.memory_space<vmem>>
      %dma_wait3A_324 = tpu.memref_squeeze %dma_wait3A_323 : memref<1x1x128xi32, #tpu.memory_space<vmem>> -> memref<128xi32, #tpu.memory_space<vmem>>
      %dma_wait3A_325 = arith.constant 0 : i32
      %dma_wait3A_326 = arith.constant 0 : i32
      %dma_wait3A_327 = tpu.memref_slice %arg5[%dma_wait3A_325, %dma_wait3A_326] : memref<62500x16xf32, #tpu.memory_space<hbm>> -> memref<62500x16xf32, #tpu.memory_space<hbm>>
      tpu.wait_indirect_dma semaphore(%arg21 : memref<!tpu.dma_semaphore, #tpu.memory_space<semaphore_mem>>) src(%dma_wait3A_327 : memref<62500x16xf32, #tpu.memory_space<hbm>>) dst(%dma_wait3A_321 : memref<128x16xf32, #tpu.memory_space<vmem>>)
      %dma_wait3A_328 = arith.constant 0 : i32
      %dma_wait3A_329 = arith.constant 1 : i32
      %dma_wait3A_330 = arith.constant 128 : i32
      %dma_wait3A_331 = arith.constant 0 : i32
      %dma_wait3A_332 = tpu.memref_slice %arg11[%dma_wait3A_330, %dma_wait3A_331] : memref<768x16xf32, #tpu.memory_space<vmem>> -> memref<128x16xf32, #tpu.memory_space<vmem>>
      %dma_wait3A_333 = arith.constant 0 : i32
      %dma_wait3A_334 = tpu.memref_slice %arg9[%dma_wait3A_328, %dma_wait3A_329, %dma_wait3A_333] : memref<4x6x128xi32, #tpu.memory_space<vmem>> -> memref<1x1x128xi32, #tpu.memory_space<vmem>>
      %dma_wait3A_335 = tpu.memref_squeeze %dma_wait3A_334 : memref<1x1x128xi32, #tpu.memory_space<vmem>> -> memref<128xi32, #tpu.memory_space<vmem>>
      %dma_wait3A_336 = arith.constant 0 : i32
      %dma_wait3A_337 = arith.constant 0 : i32
      %dma_wait3A_338 = tpu.memref_slice %arg4[%dma_wait3A_336, %dma_wait3A_337] : memref<1000000x16xf32, #tpu.memory_space<hbm>> -> memref<1000000x16xf32, #tpu.memory_space<hbm>>
      tpu.wait_indirect_dma semaphore(%arg19 : memref<!tpu.dma_semaphore, #tpu.memory_space<semaphore_mem>>) src(%dma_wait3A_338 : memref<1000000x16xf32, #tpu.memory_space<hbm>>) dst(%dma_wait3A_332 : memref<128x16xf32, #tpu.memory_space<vmem>>)
      %dma_wait3A_339 = arith.constant 1 : i32
      %dma_wait3A_340 = arith.constant 1 : i32
      %dma_wait3A_341 = arith.constant 128 : i32
      %dma_wait3A_342 = arith.constant 0 : i32
      %dma_wait3A_343 = tpu.memref_slice %arg13[%dma_wait3A_341, %dma_wait3A_342] : memref<768x16xf32, #tpu.memory_space<vmem>> -> memref<128x16xf32, #tpu.memory_space<vmem>>
      %dma_wait3A_344 = arith.constant 0 : i32
      %dma_wait3A_345 = tpu.memref_slice %arg9[%dma_wait3A_339, %dma_wait3A_340, %dma_wait3A_344] : memref<4x6x128xi32, #tpu.memory_space<vmem>> -> memref<1x1x128xi32, #tpu.memory_space<vmem>>
      %dma_wait3A_346 = tpu.memref_squeeze %dma_wait3A_345 : memref<1x1x128xi32, #tpu.memory_space<vmem>> -> memref<128xi32, #tpu.memory_space<vmem>>
      %dma_wait3A_347 = arith.constant 0 : i32
      %dma_wait3A_348 = arith.constant 0 : i32
      %dma_wait3A_349 = tpu.memref_slice %arg5[%dma_wait3A_347, %dma_wait3A_348] : memref<62500x16xf32, #tpu.memory_space<hbm>> -> memref<62500x16xf32, #tpu.memory_space<hbm>>
      tpu.wait_indirect_dma semaphore(%arg21 : memref<!tpu.dma_semaphore, #tpu.memory_space<semaphore_mem>>) src(%dma_wait3A_349 : memref<62500x16xf32, #tpu.memory_space<hbm>>) dst(%dma_wait3A_343 : memref<128x16xf32, #tpu.memory_space<vmem>>)
      %dma_wait3A_350 = arith.constant 0 : i32
      %dma_wait3A_351 = arith.constant 2 : i32
      %dma_wait3A_352 = arith.constant 256 : i32
      %dma_wait3A_353 = arith.constant 0 : i32
      %dma_wait3A_354 = tpu.memref_slice %arg11[%dma_wait3A_352, %dma_wait3A_353] : memref<768x16xf32, #tpu.memory_space<vmem>> -> memref<128x16xf32, #tpu.memory_space<vmem>>
      %dma_wait3A_355 = arith.constant 0 : i32
      %dma_wait3A_356 = tpu.memref_slice %arg9[%dma_wait3A_350, %dma_wait3A_351, %dma_wait3A_355] : memref<4x6x128xi32, #tpu.memory_space<vmem>> -> memref<1x1x128xi32, #tpu.memory_space<vmem>>
      %dma_wait3A_357 = tpu.memref_squeeze %dma_wait3A_356 : memref<1x1x128xi32, #tpu.memory_space<vmem>> -> memref<128xi32, #tpu.memory_space<vmem>>
      %dma_wait3A_358 = arith.constant 0 : i32
      %dma_wait3A_359 = arith.constant 0 : i32
      %dma_wait3A_360 = tpu.memref_slice %arg4[%dma_wait3A_358, %dma_wait3A_359] : memref<1000000x16xf32, #tpu.memory_space<hbm>> -> memref<1000000x16xf32, #tpu.memory_space<hbm>>
      tpu.wait_indirect_dma semaphore(%arg19 : memref<!tpu.dma_semaphore, #tpu.memory_space<semaphore_mem>>) src(%dma_wait3A_360 : memref<1000000x16xf32, #tpu.memory_space<hbm>>) dst(%dma_wait3A_354 : memref<128x16xf32, #tpu.memory_space<vmem>>)
      %dma_wait3A_361 = arith.constant 1 : i32
      %dma_wait3A_362 = arith.constant 2 : i32
      %dma_wait3A_363 = arith.constant 256 : i32
      %dma_wait3A_364 = arith.constant 0 : i32
      %dma_wait3A_365 = tpu.memref_slice %arg13[%dma_wait3A_363, %dma_wait3A_364] : memref<768x16xf32, #tpu.memory_space<vmem>> -> memref<128x16xf32, #tpu.memory_space<vmem>>
      %dma_wait3A_366 = arith.constant 0 : i32
      %dma_wait3A_367 = tpu.memref_slice %arg9[%dma_wait3A_361, %dma_wait3A_362, %dma_wait3A_366] : memref<4x6x128xi32, #tpu.memory_space<vmem>> -> memref<1x1x128xi32, #tpu.memory_space<vmem>>
      %dma_wait3A_368 = tpu.memref_squeeze %dma_wait3A_367 : memref<1x1x128xi32, #tpu.memory_space<vmem>> -> memref<128xi32, #tpu.memory_space<vmem>>
      %dma_wait3A_369 = arith.constant 0 : i32
      %dma_wait3A_370 = arith.constant 0 : i32
      %dma_wait3A_371 = tpu.memref_slice %arg5[%dma_wait3A_369, %dma_wait3A_370] : memref<62500x16xf32, #tpu.memory_space<hbm>> -> memref<62500x16xf32, #tpu.memory_space<hbm>>
      tpu.wait_indirect_dma semaphore(%arg21 : memref<!tpu.dma_semaphore, #tpu.memory_space<semaphore_mem>>) src(%dma_wait3A_371 : memref<62500x16xf32, #tpu.memory_space<hbm>>) dst(%dma_wait3A_365 : memref<128x16xf32, #tpu.memory_space<vmem>>)
      %dma_wait3A_372 = arith.constant 0 : i32
      %dma_wait3A_373 = arith.constant 3 : i32
      %dma_wait3A_374 = arith.constant 384 : i32
      %dma_wait3A_375 = arith.constant 0 : i32
      %dma_wait3A_376 = tpu.memref_slice %arg11[%dma_wait3A_374, %dma_wait3A_375] : memref<768x16xf32, #tpu.memory_space<vmem>> -> memref<128x16xf32, #tpu.memory_space<vmem>>
      %dma_wait3A_377 = arith.constant 0 : i32
      %dma_wait3A_378 = tpu.memref_slice %arg9[%dma_wait3A_372, %dma_wait3A_373, %dma_wait3A_377] : memref<4x6x128xi32, #tpu.memory_space<vmem>> -> memref<1x1x128xi32, #tpu.memory_space<vmem>>
      %dma_wait3A_379 = tpu.memref_squeeze %dma_wait3A_378 : memref<1x1x128xi32, #tpu.memory_space<vmem>> -> memref<128xi32, #tpu.memory_space<vmem>>
      %dma_wait3A_380 = arith.constant 0 : i32
      %dma_wait3A_381 = arith.constant 0 : i32
      %dma_wait3A_382 = tpu.memref_slice %arg4[%dma_wait3A_380, %dma_wait3A_381] : memref<1000000x16xf32, #tpu.memory_space<hbm>> -> memref<1000000x16xf32, #tpu.memory_space<hbm>>
      tpu.wait_indirect_dma semaphore(%arg19 : memref<!tpu.dma_semaphore, #tpu.memory_space<semaphore_mem>>) src(%dma_wait3A_382 : memref<1000000x16xf32, #tpu.memory_space<hbm>>) dst(%dma_wait3A_376 : memref<128x16xf32, #tpu.memory_space<vmem>>)
      %dma_wait3A_383 = arith.constant 1 : i32
      %dma_wait3A_384 = arith.constant 3 : i32
      %dma_wait3A_385 = arith.constant 384 : i32
      %dma_wait3A_386 = arith.constant 0 : i32
      %dma_wait3A_387 = tpu.memref_slice %arg13[%dma_wait3A_385, %dma_wait3A_386] : memref<768x16xf32, #tpu.memory_space<vmem>> -> memref<128x16xf32, #tpu.memory_space<vmem>>
      %dma_wait3A_388 = arith.constant 0 : i32
      %dma_wait3A_389 = tpu.memref_slice %arg9[%dma_wait3A_383, %dma_wait3A_384, %dma_wait3A_388] : memref<4x6x128xi32, #tpu.memory_space<vmem>> -> memref<1x1x128xi32, #tpu.memory_space<vmem>>
      %dma_wait3A_390 = tpu.memref_squeeze %dma_wait3A_389 : memref<1x1x128xi32, #tpu.memory_space<vmem>> -> memref<128xi32, #tpu.memory_space<vmem>>
      %dma_wait3A_391 = arith.constant 0 : i32
      %dma_wait3A_392 = arith.constant 0 : i32
      %dma_wait3A_393 = tpu.memref_slice %arg5[%dma_wait3A_391, %dma_wait3A_392] : memref<62500x16xf32, #tpu.memory_space<hbm>> -> memref<62500x16xf32, #tpu.memory_space<hbm>>
      tpu.wait_indirect_dma semaphore(%arg21 : memref<!tpu.dma_semaphore, #tpu.memory_space<semaphore_mem>>) src(%dma_wait3A_393 : memref<62500x16xf32, #tpu.memory_space<hbm>>) dst(%dma_wait3A_387 : memref<128x16xf32, #tpu.memory_space<vmem>>)
      %dma_wait3A_394 = arith.constant 0 : i32
      %dma_wait3A_395 = arith.constant 4 : i32
      %dma_wait3A_396 = arith.constant 512 : i32
      %dma_wait3A_397 = arith.constant 0 : i32
      %dma_wait3A_398 = tpu.memref_slice %arg11[%dma_wait3A_396, %dma_wait3A_397] : memref<768x16xf32, #tpu.memory_space<vmem>> -> memref<128x16xf32, #tpu.memory_space<vmem>>
      %dma_wait3A_399 = arith.constant 0 : i32
      %dma_wait3A_400 = tpu.memref_slice %arg9[%dma_wait3A_394, %dma_wait3A_395, %dma_wait3A_399] : memref<4x6x128xi32, #tpu.memory_space<vmem>> -> memref<1x1x128xi32, #tpu.memory_space<vmem>>
      %dma_wait3A_401 = tpu.memref_squeeze %dma_wait3A_400 : memref<1x1x128xi32, #tpu.memory_space<vmem>> -> memref<128xi32, #tpu.memory_space<vmem>>
      %dma_wait3A_402 = arith.constant 0 : i32
      %dma_wait3A_403 = arith.constant 0 : i32
      %dma_wait3A_404 = tpu.memref_slice %arg4[%dma_wait3A_402, %dma_wait3A_403] : memref<1000000x16xf32, #tpu.memory_space<hbm>> -> memref<1000000x16xf32, #tpu.memory_space<hbm>>
      tpu.wait_indirect_dma semaphore(%arg19 : memref<!tpu.dma_semaphore, #tpu.memory_space<semaphore_mem>>) src(%dma_wait3A_404 : memref<1000000x16xf32, #tpu.memory_space<hbm>>) dst(%dma_wait3A_398 : memref<128x16xf32, #tpu.memory_space<vmem>>)
      %dma_wait3A_405 = arith.constant 1 : i32
      %dma_wait3A_406 = arith.constant 4 : i32
      %dma_wait3A_407 = arith.constant 512 : i32
      %dma_wait3A_408 = arith.constant 0 : i32
      %dma_wait3A_409 = tpu.memref_slice %arg13[%dma_wait3A_407, %dma_wait3A_408] : memref<768x16xf32, #tpu.memory_space<vmem>> -> memref<128x16xf32, #tpu.memory_space<vmem>>
      %dma_wait3A_410 = arith.constant 0 : i32
      %dma_wait3A_411 = tpu.memref_slice %arg9[%dma_wait3A_405, %dma_wait3A_406, %dma_wait3A_410] : memref<4x6x128xi32, #tpu.memory_space<vmem>> -> memref<1x1x128xi32, #tpu.memory_space<vmem>>
      %dma_wait3A_412 = tpu.memref_squeeze %dma_wait3A_411 : memref<1x1x128xi32, #tpu.memory_space<vmem>> -> memref<128xi32, #tpu.memory_space<vmem>>
      %dma_wait3A_413 = arith.constant 0 : i32
      %dma_wait3A_414 = arith.constant 0 : i32
      %dma_wait3A_415 = tpu.memref_slice %arg5[%dma_wait3A_413, %dma_wait3A_414] : memref<62500x16xf32, #tpu.memory_space<hbm>> -> memref<62500x16xf32, #tpu.memory_space<hbm>>
      tpu.wait_indirect_dma semaphore(%arg21 : memref<!tpu.dma_semaphore, #tpu.memory_space<semaphore_mem>>) src(%dma_wait3A_415 : memref<62500x16xf32, #tpu.memory_space<hbm>>) dst(%dma_wait3A_409 : memref<128x16xf32, #tpu.memory_space<vmem>>)
      %dma_wait3A_416 = arith.constant 0 : i32
      %dma_wait3A_417 = arith.constant 5 : i32
      %dma_wait3A_418 = arith.constant 640 : i32
      %dma_wait3A_419 = arith.constant 0 : i32
      %dma_wait3A_420 = tpu.memref_slice %arg11[%dma_wait3A_418, %dma_wait3A_419] : memref<768x16xf32, #tpu.memory_space<vmem>> -> memref<128x16xf32, #tpu.memory_space<vmem>>
      %dma_wait3A_421 = arith.constant 0 : i32
      %dma_wait3A_422 = tpu.memref_slice %arg9[%dma_wait3A_416, %dma_wait3A_417, %dma_wait3A_421] : memref<4x6x128xi32, #tpu.memory_space<vmem>> -> memref<1x1x128xi32, #tpu.memory_space<vmem>>
      %dma_wait3A_423 = tpu.memref_squeeze %dma_wait3A_422 : memref<1x1x128xi32, #tpu.memory_space<vmem>> -> memref<128xi32, #tpu.memory_space<vmem>>
      %dma_wait3A_424 = arith.constant 0 : i32
      %dma_wait3A_425 = arith.constant 0 : i32
      %dma_wait3A_426 = tpu.memref_slice %arg4[%dma_wait3A_424, %dma_wait3A_425] : memref<1000000x16xf32, #tpu.memory_space<hbm>> -> memref<1000000x16xf32, #tpu.memory_space<hbm>>
      tpu.wait_indirect_dma semaphore(%arg19 : memref<!tpu.dma_semaphore, #tpu.memory_space<semaphore_mem>>) src(%dma_wait3A_426 : memref<1000000x16xf32, #tpu.memory_space<hbm>>) dst(%dma_wait3A_420 : memref<128x16xf32, #tpu.memory_space<vmem>>)
      %dma_wait3A_427 = arith.constant 1 : i32
      %dma_wait3A_428 = arith.constant 5 : i32
      %dma_wait3A_429 = arith.constant 640 : i32
      %dma_wait3A_430 = arith.constant 0 : i32
      %dma_wait3A_431 = tpu.memref_slice %arg13[%dma_wait3A_429, %dma_wait3A_430] : memref<768x16xf32, #tpu.memory_space<vmem>> -> memref<128x16xf32, #tpu.memory_space<vmem>>
      %dma_wait3A_432 = arith.constant 0 : i32
      %dma_wait3A_433 = tpu.memref_slice %arg9[%dma_wait3A_427, %dma_wait3A_428, %dma_wait3A_432] : memref<4x6x128xi32, #tpu.memory_space<vmem>> -> memref<1x1x128xi32, #tpu.memory_space<vmem>>
      %dma_wait3A_434 = tpu.memref_squeeze %dma_wait3A_433 : memref<1x1x128xi32, #tpu.memory_space<vmem>> -> memref<128xi32, #tpu.memory_space<vmem>>
      %dma_wait3A_435 = arith.constant 0 : i32
      %dma_wait3A_436 = arith.constant 0 : i32
      %dma_wait3A_437 = tpu.memref_slice %arg5[%dma_wait3A_435, %dma_wait3A_436] : memref<62500x16xf32, #tpu.memory_space<hbm>> -> memref<62500x16xf32, #tpu.memory_space<hbm>>
      tpu.wait_indirect_dma semaphore(%arg21 : memref<!tpu.dma_semaphore, #tpu.memory_space<semaphore_mem>>) src(%dma_wait3A_437 : memref<62500x16xf32, #tpu.memory_space<hbm>>) dst(%dma_wait3A_431 : memref<128x16xf32, #tpu.memory_space<vmem>>)
      %add3A_438 = arith.addi %mul3A_2, %add3A_298 : i32
      %iota3A_439 = tpu.iota {dimensions = array<i32: 0>} : vector<16xi32>
      %scan3A_440 = arith.constant 0 : i32
      %scan3A_441 = arith.constant 0 : i32
      %scan3A_442 = arith.constant 16 : i32
      %scan3A_443 = arith.addi %scan3A_441, %scan3A_442 : i32
      %scan3A_444 = arith.constant 1 : i32
      %scan3A_445 = scf.for %scan3A_452 = %scan3A_441 to %scan3A_443 step %scan3A_444 iter_args(%scan3A_453 = %scan3A_440) -> (i32)  : i32 {
        %mul3A_454 = arith.constant 48 : i32
        %mul3A_455 = arith.muli %scan3A_452, %mul3A_454 : i32
        %add3A_456 = arith.constant 0 : i32
        %add3A_457 = arith.addi %mul3A_455, %add3A_456 : i32
        %shift_right_arithmetic3A = arith.constant 7 : i32
        %shift_right_arithmetic3A_458 = arith.shrsi %add3A_457, %shift_right_arithmetic3A : i32
        %and3A = arith.constant 127 : i32
        %and3A_459 = arith.andi %add3A_457, %and3A : i32
        %get3A = arith.constant 3 : i32
        %get3A_460 = arith.index_cast %get3A : i32 to index
        %get3A_461 = arith.index_cast %shift_right_arithmetic3A_458 : i32 to index
        %get3A_462 = arith.index_cast %and3A_459 : i32 to index
        %get3A_463 = tpu.vector_load %arg9[%get3A_460, %get3A_461, %get3A_462] {strides = array<i32>} : memref<4x6x128xi32, #tpu.memory_space<vmem>>, vector<16xi32>,
        %bitcast3A = vector.bitcast %get3A_463 : vector<16xi32> to vector<16xf32>
        %add3A_464 = arith.constant 16 : i32
        %add3A_465 = arith.addi %mul3A_455, %add3A_464 : i32
        %shift_right_arithmetic3A_466 = arith.constant 7 : i32
        %shift_right_arithmetic3A_467 = arith.shrsi %add3A_465, %shift_right_arithmetic3A_466 : i32
        %and3A_468 = arith.constant 127 : i32
        %and3A_469 = arith.andi %add3A_465, %and3A_468 : i32
        %get3A_470 = arith.constant 3 : i32
        %get3A_471 = arith.index_cast %get3A_470 : i32 to index
        %get3A_472 = arith.index_cast %shift_right_arithmetic3A_467 : i32 to index
        %get3A_473 = arith.index_cast %and3A_469 : i32 to index
        %get3A_474 = tpu.vector_load %arg9[%get3A_471, %get3A_472, %get3A_473] {strides = array<i32>} : memref<4x6x128xi32, #tpu.memory_space<vmem>>, vector<16xi32>,
        %bitcast3A_475 = vector.bitcast %get3A_474 : vector<16xi32> to vector<16xf32>
        %add3A_476 = arith.constant 32 : i32
        %add3A_477 = arith.addi %mul3A_455, %add3A_476 : i32
        %shift_right_arithmetic3A_478 = arith.constant 7 : i32
        %shift_right_arithmetic3A_479 = arith.shrsi %add3A_477, %shift_right_arithmetic3A_478 : i32
        %and3A_480 = arith.constant 127 : i32
        %and3A_481 = arith.andi %add3A_477, %and3A_480 : i32
        %get3A_482 = arith.constant 3 : i32
        %get3A_483 = arith.index_cast %get3A_482 : i32 to index
        %get3A_484 = arith.index_cast %shift_right_arithmetic3A_479 : i32 to index
        %get3A_485 = arith.index_cast %and3A_481 : i32 to index
        %get3A_486 = tpu.vector_load %arg9[%get3A_483, %get3A_484, %get3A_485] {strides = array<i32>} : memref<4x6x128xi32, #tpu.memory_space<vmem>>, vector<16xi32>,
        %bitcast3A_487 = vector.bitcast %get3A_486 : vector<16xi32> to vector<16xf32>
        %broadcast_in_dim3A = arith.constant 0 : i32
        %broadcast_in_dim3A_488 = vector.broadcast %broadcast_in_dim3A : i32 to vector<16x1xi32>
        %gather3A = vector.shape_cast %broadcast_in_dim3A_488 : vector<16x1xi32> to vector<16xi32>
        %gather3A_489 = tpu.dynamic_gather %bitcast3A[%gather3A] in [0] : vector<16xf32>, vector<16xi32> -> vector<16xf32>
        %add3A_490 = arith.constant 0 : i32
        %add3A_491 = arith.addi %mul3A_455, %add3A_490 : i32
        %get3A_492 = arith.index_cast %add3A_491 : i32 to index
        %get3A_493 = arith.constant 0 : index
        %get3A_494 = tpu.vector_load %arg11[%get3A_492, %get3A_493] {strides = array<i32>} : memref<768x16xf32, #tpu.memory_space<vmem>>, vector<16xf32>,
        %mul3A_495 = arith.mulf %get3A_494, %gather3A_489 : vector<16xf32>
        %swap3A = arith.index_cast %scan3A_452 : i32 to index
        %swap3A_496 = arith.constant 0 : index
        %swap3A_497 = tpu.vector_load %arg15[%swap3A, %swap3A_496] {strides = array<i32>} : memref<16x448xf32, #tpu.memory_space<vmem>>, vector<16xf32>,
        tpu.vector_store %arg15[%swap3A, %swap3A_496], %mul3A_495 {strides = array<i32>} : memref<16x448xf32, #tpu.memory_space<vmem>>, vector<16xf32>,
        %broadcast_in_dim3A_498 = arith.constant 1 : i32
        %broadcast_in_dim3A_499 = vector.broadcast %broadcast_in_dim3A_498 : i32 to vector<16x1xi32>
        %gather3A_500 = vector.shape_cast %broadcast_in_dim3A_499 : vector<16x1xi32> to vector<16xi32>
        %gather3A_501 = tpu.dynamic_gather %bitcast3A[%gather3A_500] in [0] : vector<16xf32>, vector<16xi32> -> vector<16xf32>
        %add3A_502 = arith.constant 1 : i32
        %add3A_503 = arith.addi %mul3A_455, %add3A_502 : i32
        %get3A_504 = arith.index_cast %add3A_503 : i32 to index
        %get3A_505 = arith.constant 0 : index
        %get3A_506 = tpu.vector_load %arg11[%get3A_504, %get3A_505] {strides = array<i32>} : memref<768x16xf32, #tpu.memory_space<vmem>>, vector<16xf32>,
        %mul3A_507 = arith.mulf %get3A_506, %gather3A_501 : vector<16xf32>
        %swap3A_508 = arith.index_cast %scan3A_452 : i32 to index
        %swap3A_509 = arith.constant 16 : index
        %swap3A_510 = tpu.vector_load %arg15[%swap3A_508, %swap3A_509] {strides = array<i32>} : memref<16x448xf32, #tpu.memory_space<vmem>>, vector<16xf32>,
        tpu.vector_store %arg15[%swap3A_508, %swap3A_509], %mul3A_507 {strides = array<i32>} : memref<16x448xf32, #tpu.memory_space<vmem>>, vector<16xf32>,
        %broadcast_in_dim3A_511 = arith.constant 2 : i32
        %broadcast_in_dim3A_512 = vector.broadcast %broadcast_in_dim3A_511 : i32 to vector<16x1xi32>
        %gather3A_513 = vector.shape_cast %broadcast_in_dim3A_512 : vector<16x1xi32> to vector<16xi32>
        %gather3A_514 = tpu.dynamic_gather %bitcast3A[%gather3A_513] in [0] : vector<16xf32>, vector<16xi32> -> vector<16xf32>
        %add3A_515 = arith.constant 2 : i32
        %add3A_516 = arith.addi %mul3A_455, %add3A_515 : i32
        %get3A_517 = arith.index_cast %add3A_516 : i32 to index
        %get3A_518 = arith.constant 0 : index
        %get3A_519 = tpu.vector_load %arg11[%get3A_517, %get3A_518] {strides = array<i32>} : memref<768x16xf32, #tpu.memory_space<vmem>>, vector<16xf32>,
        %mul3A_520 = arith.mulf %get3A_519, %gather3A_514 : vector<16xf32>
        %swap3A_521 = arith.index_cast %scan3A_452 : i32 to index
        %swap3A_522 = arith.constant 32 : index
        %swap3A_523 = tpu.vector_load %arg15[%swap3A_521, %swap3A_522] {strides = array<i32>} : memref<16x448xf32, #tpu.memory_space<vmem>>, vector<16xf32>,
        tpu.vector_store %arg15[%swap3A_521, %swap3A_522], %mul3A_520 {strides = array<i32>} : memref<16x448xf32, #tpu.memory_space<vmem>>, vector<16xf32>,
        %broadcast_in_dim3A_524 = arith.constant 3 : i32
        %broadcast_in_dim3A_525 = vector.broadcast %broadcast_in_dim3A_524 : i32 to vector<16x1xi32>
        %gather3A_526 = vector.shape_cast %broadcast_in_dim3A_525 : vector<16x1xi32> to vector<16xi32>
        %gather3A_527 = tpu.dynamic_gather %bitcast3A[%gather3A_526] in [0] : vector<16xf32>, vector<16xi32> -> vector<16xf32>
        %add3A_528 = arith.constant 3 : i32
        %add3A_529 = arith.addi %mul3A_455, %add3A_528 : i32
        %get3A_530 = arith.index_cast %add3A_529 : i32 to index
        %get3A_531 = arith.constant 0 : index
        %get3A_532 = tpu.vector_load %arg11[%get3A_530, %get3A_531] {strides = array<i32>} : memref<768x16xf32, #tpu.memory_space<vmem>>, vector<16xf32>,
        %mul3A_533 = arith.mulf %get3A_532, %gather3A_527 : vector<16xf32>
        %swap3A_534 = arith.index_cast %scan3A_452 : i32 to index
        %swap3A_535 = arith.constant 48 : index
        %swap3A_536 = tpu.vector_load %arg15[%swap3A_534, %swap3A_535] {strides = array<i32>} : memref<16x448xf32, #tpu.memory_space<vmem>>, vector<16xf32>,
        tpu.vector_store %arg15[%swap3A_534, %swap3A_535], %mul3A_533 {strides = array<i32>} : memref<16x448xf32, #tpu.memory_space<vmem>>, vector<16xf32>,
        %broadcast_in_dim3A_537 = arith.constant 4 : i32
        %broadcast_in_dim3A_538 = vector.broadcast %broadcast_in_dim3A_537 : i32 to vector<16x1xi32>
        %gather3A_539 = vector.shape_cast %broadcast_in_dim3A_538 : vector<16x1xi32> to vector<16xi32>
        %gather3A_540 = tpu.dynamic_gather %bitcast3A[%gather3A_539] in [0] : vector<16xf32>, vector<16xi32> -> vector<16xf32>
        %add3A_541 = arith.constant 4 : i32
        %add3A_542 = arith.addi %mul3A_455, %add3A_541 : i32
        %get3A_543 = arith.index_cast %add3A_542 : i32 to index
        %get3A_544 = arith.constant 0 : index
        %get3A_545 = tpu.vector_load %arg11[%get3A_543, %get3A_544] {strides = array<i32>} : memref<768x16xf32, #tpu.memory_space<vmem>>, vector<16xf32>,
        %mul3A_546 = arith.mulf %get3A_545, %gather3A_540 : vector<16xf32>
        %swap3A_547 = arith.index_cast %scan3A_452 : i32 to index
        %swap3A_548 = arith.constant 64 : index
        %swap3A_549 = tpu.vector_load %arg15[%swap3A_547, %swap3A_548] {strides = array<i32>} : memref<16x448xf32, #tpu.memory_space<vmem>>, vector<16xf32>,
        tpu.vector_store %arg15[%swap3A_547, %swap3A_548], %mul3A_546 {strides = array<i32>} : memref<16x448xf32, #tpu.memory_space<vmem>>, vector<16xf32>,
        %broadcast_in_dim3A_550 = arith.constant 5 : i32
        %broadcast_in_dim3A_551 = vector.broadcast %broadcast_in_dim3A_550 : i32 to vector<16x1xi32>
        %gather3A_552 = vector.shape_cast %broadcast_in_dim3A_551 : vector<16x1xi32> to vector<16xi32>
        %gather3A_553 = tpu.dynamic_gather %bitcast3A[%gather3A_552] in [0] : vector<16xf32>, vector<16xi32> -> vector<16xf32>
        %add3A_554 = arith.constant 5 : i32
        %add3A_555 = arith.addi %mul3A_455, %add3A_554 : i32
        %get3A_556 = arith.index_cast %add3A_555 : i32 to index
        %get3A_557 = arith.constant 0 : index
        %get3A_558 = tpu.vector_load %arg11[%get3A_556, %get3A_557] {strides = array<i32>} : memref<768x16xf32, #tpu.memory_space<vmem>>, vector<16xf32>,
        %mul3A_559 = arith.mulf %get3A_558, %gather3A_553 : vector<16xf32>
        %swap3A_560 = arith.index_cast %scan3A_452 : i32 to index
        %swap3A_561 = arith.constant 80 : index
        %swap3A_562 = tpu.vector_load %arg15[%swap3A_560, %swap3A_561] {strides = array<i32>} : memref<16x448xf32, #tpu.memory_space<vmem>>, vector<16xf32>,
        tpu.vector_store %arg15[%swap3A_560, %swap3A_561], %mul3A_559 {strides = array<i32>} : memref<16x448xf32, #tpu.memory_space<vmem>>, vector<16xf32>,
        %broadcast_in_dim3A_563 = arith.constant 6 : i32
        %broadcast_in_dim3A_564 = vector.broadcast %broadcast_in_dim3A_563 : i32 to vector<16x1xi32>
        %gather3A_565 = vector.shape_cast %broadcast_in_dim3A_564 : vector<16x1xi32> to vector<16xi32>
        %gather3A_566 = tpu.dynamic_gather %bitcast3A[%gather3A_565] in [0] : vector<16xf32>, vector<16xi32> -> vector<16xf32>
        %add3A_567 = arith.constant 6 : i32
        %add3A_568 = arith.addi %mul3A_455, %add3A_567 : i32
        %get3A_569 = arith.index_cast %add3A_568 : i32 to index
        %get3A_570 = arith.constant 0 : index
        %get3A_571 = tpu.vector_load %arg11[%get3A_569, %get3A_570] {strides = array<i32>} : memref<768x16xf32, #tpu.memory_space<vmem>>, vector<16xf32>,
        %mul3A_572 = arith.mulf %get3A_571, %gather3A_566 : vector<16xf32>
        %swap3A_573 = arith.index_cast %scan3A_452 : i32 to index
        %swap3A_574 = arith.constant 96 : index
        %swap3A_575 = tpu.vector_load %arg15[%swap3A_573, %swap3A_574] {strides = array<i32>} : memref<16x448xf32, #tpu.memory_space<vmem>>, vector<16xf32>,
        tpu.vector_store %arg15[%swap3A_573, %swap3A_574], %mul3A_572 {strides = array<i32>} : memref<16x448xf32, #tpu.memory_space<vmem>>, vector<16xf32>,
        %broadcast_in_dim3A_576 = arith.constant 7 : i32
        %broadcast_in_dim3A_577 = vector.broadcast %broadcast_in_dim3A_576 : i32 to vector<16x1xi32>
        %gather3A_578 = vector.shape_cast %broadcast_in_dim3A_577 : vector<16x1xi32> to vector<16xi32>
        %gather3A_579 = tpu.dynamic_gather %bitcast3A[%gather3A_578] in [0] : vector<16xf32>, vector<16xi32> -> vector<16xf32>
        %add3A_580 = arith.constant 7 : i32
        %add3A_581 = arith.addi %mul3A_455, %add3A_580 : i32
        %get3A_582 = arith.index_cast %add3A_581 : i32 to index
        %get3A_583 = arith.constant 0 : index
        %get3A_584 = tpu.vector_load %arg11[%get3A_582, %get3A_583] {strides = array<i32>} : memref<768x16xf32, #tpu.memory_space<vmem>>, vector<16xf32>,
        %mul3A_585 = arith.mulf %get3A_584, %gather3A_579 : vector<16xf32>
        %swap3A_586 = arith.index_cast %scan3A_452 : i32 to index
        %swap3A_587 = arith.constant 112 : index
        %swap3A_588 = tpu.vector_load %arg15[%swap3A_586, %swap3A_587] {strides = array<i32>} : memref<16x448xf32, #tpu.memory_space<vmem>>, vector<16xf32>,
        tpu.vector_store %arg15[%swap3A_586, %swap3A_587], %mul3A_585 {strides = array<i32>} : memref<16x448xf32, #tpu.memory_space<vmem>>, vector<16xf32>,
        %broadcast_in_dim3A_589 = arith.constant 8 : i32
        %broadcast_in_dim3A_590 = vector.broadcast %broadcast_in_dim3A_589 : i32 to vector<16x1xi32>
        %gather3A_591 = vector.shape_cast %broadcast_in_dim3A_590 : vector<16x1xi32> to vector<16xi32>
        %gather3A_592 = tpu.dynamic_gather %bitcast3A[%gather3A_591] in [0] : vector<16xf32>, vector<16xi32> -> vector<16xf32>
        %add3A_593 = arith.constant 8 : i32
        %add3A_594 = arith.addi %mul3A_455, %add3A_593 : i32
        %get3A_595 = arith.index_cast %add3A_594 : i32 to index
        %get3A_596 = arith.constant 0 : index
        %get3A_597 = tpu.vector_load %arg11[%get3A_595, %get3A_596] {strides = array<i32>} : memref<768x16xf32, #tpu.memory_space<vmem>>, vector<16xf32>,
        %mul3A_598 = arith.mulf %get3A_597, %gather3A_592 : vector<16xf32>
        %swap3A_599 = arith.index_cast %scan3A_452 : i32 to index
        %swap3A_600 = arith.constant 128 : index
        %swap3A_601 = tpu.vector_load %arg15[%swap3A_599, %swap3A_600] {strides = array<i32>} : memref<16x448xf32, #tpu.memory_space<vmem>>, vector<16xf32>,
        tpu.vector_store %arg15[%swap3A_599, %swap3A_600], %mul3A_598 {strides = array<i32>} : memref<16x448xf32, #tpu.memory_space<vmem>>, vector<16xf32>,
        %broadcast_in_dim3A_602 = arith.constant 9 : i32
        %broadcast_in_dim3A_603 = vector.broadcast %broadcast_in_dim3A_602 : i32 to vector<16x1xi32>
        %gather3A_604 = vector.shape_cast %broadcast_in_dim3A_603 : vector<16x1xi32> to vector<16xi32>
        %gather3A_605 = tpu.dynamic_gather %bitcast3A[%gather3A_604] in [0] : vector<16xf32>, vector<16xi32> -> vector<16xf32>
        %add3A_606 = arith.constant 9 : i32
        %add3A_607 = arith.addi %mul3A_455, %add3A_606 : i32
        %get3A_608 = arith.index_cast %add3A_607 : i32 to index
        %get3A_609 = arith.constant 0 : index
        %get3A_610 = tpu.vector_load %arg11[%get3A_608, %get3A_609] {strides = array<i32>} : memref<768x16xf32, #tpu.memory_space<vmem>>, vector<16xf32>,
        %mul3A_611 = arith.mulf %get3A_610, %gather3A_605 : vector<16xf32>
        %swap3A_612 = arith.index_cast %scan3A_452 : i32 to index
        %swap3A_613 = arith.constant 144 : index
        %swap3A_614 = tpu.vector_load %arg15[%swap3A_612, %swap3A_613] {strides = array<i32>} : memref<16x448xf32, #tpu.memory_space<vmem>>, vector<16xf32>,
        tpu.vector_store %arg15[%swap3A_612, %swap3A_613], %mul3A_611 {strides = array<i32>} : memref<16x448xf32, #tpu.memory_space<vmem>>, vector<16xf32>,
        %broadcast_in_dim3A_615 = arith.constant 10 : i32
        %broadcast_in_dim3A_616 = vector.broadcast %broadcast_in_dim3A_615 : i32 to vector<16x1xi32>
        %gather3A_617 = vector.shape_cast %broadcast_in_dim3A_616 : vector<16x1xi32> to vector<16xi32>
        %gather3A_618 = tpu.dynamic_gather %bitcast3A[%gather3A_617] in [0] : vector<16xf32>, vector<16xi32> -> vector<16xf32>
        %add3A_619 = arith.constant 10 : i32
        %add3A_620 = arith.addi %mul3A_455, %add3A_619 : i32
        %get3A_621 = arith.index_cast %add3A_620 : i32 to index
        %get3A_622 = arith.constant 0 : index
        %get3A_623 = tpu.vector_load %arg11[%get3A_621, %get3A_622] {strides = array<i32>} : memref<768x16xf32, #tpu.memory_space<vmem>>, vector<16xf32>,
        %mul3A_624 = arith.mulf %get3A_623, %gather3A_618 : vector<16xf32>
        %swap3A_625 = arith.index_cast %scan3A_452 : i32 to index
        %swap3A_626 = arith.constant 160 : index
        %swap3A_627 = tpu.vector_load %arg15[%swap3A_625, %swap3A_626] {strides = array<i32>} : memref<16x448xf32, #tpu.memory_space<vmem>>, vector<16xf32>,
        tpu.vector_store %arg15[%swap3A_625, %swap3A_626], %mul3A_624 {strides = array<i32>} : memref<16x448xf32, #tpu.memory_space<vmem>>, vector<16xf32>,
        %broadcast_in_dim3A_628 = arith.constant 11 : i32
        %broadcast_in_dim3A_629 = vector.broadcast %broadcast_in_dim3A_628 : i32 to vector<16x1xi32>
        %gather3A_630 = vector.shape_cast %broadcast_in_dim3A_629 : vector<16x1xi32> to vector<16xi32>
        %gather3A_631 = tpu.dynamic_gather %bitcast3A[%gather3A_630] in [0] : vector<16xf32>, vector<16xi32> -> vector<16xf32>
        %add3A_632 = arith.constant 11 : i32
        %add3A_633 = arith.addi %mul3A_455, %add3A_632 : i32
        %get3A_634 = arith.index_cast %add3A_633 : i32 to index
        %get3A_635 = arith.constant 0 : index
        %get3A_636 = tpu.vector_load %arg11[%get3A_634, %get3A_635] {strides = array<i32>} : memref<768x16xf32, #tpu.memory_space<vmem>>, vector<16xf32>,
        %mul3A_637 = arith.mulf %get3A_636, %gather3A_631 : vector<16xf32>
        %swap3A_638 = arith.index_cast %scan3A_452 : i32 to index
        %swap3A_639 = arith.constant 176 : index
        %swap3A_640 = tpu.vector_load %arg15[%swap3A_638, %swap3A_639] {strides = array<i32>} : memref<16x448xf32, #tpu.memory_space<vmem>>, vector<16xf32>,
        tpu.vector_store %arg15[%swap3A_638, %swap3A_639], %mul3A_637 {strides = array<i32>} : memref<16x448xf32, #tpu.memory_space<vmem>>, vector<16xf32>,
        %broadcast_in_dim3A_641 = arith.constant 12 : i32
        %broadcast_in_dim3A_642 = vector.broadcast %broadcast_in_dim3A_641 : i32 to vector<16x1xi32>
        %gather3A_643 = vector.shape_cast %broadcast_in_dim3A_642 : vector<16x1xi32> to vector<16xi32>
        %gather3A_644 = tpu.dynamic_gather %bitcast3A[%gather3A_643] in [0] : vector<16xf32>, vector<16xi32> -> vector<16xf32>
        %add3A_645 = arith.constant 12 : i32
        %add3A_646 = arith.addi %mul3A_455, %add3A_645 : i32
        %get3A_647 = arith.index_cast %add3A_646 : i32 to index
        %get3A_648 = arith.constant 0 : index
        %get3A_649 = tpu.vector_load %arg11[%get3A_647, %get3A_648] {strides = array<i32>} : memref<768x16xf32, #tpu.memory_space<vmem>>, vector<16xf32>,
        %mul3A_650 = arith.mulf %get3A_649, %gather3A_644 : vector<16xf32>
        %swap3A_651 = arith.index_cast %scan3A_452 : i32 to index
        %swap3A_652 = arith.constant 192 : index
        %swap3A_653 = tpu.vector_load %arg15[%swap3A_651, %swap3A_652] {strides = array<i32>} : memref<16x448xf32, #tpu.memory_space<vmem>>, vector<16xf32>,
        tpu.vector_store %arg15[%swap3A_651, %swap3A_652], %mul3A_650 {strides = array<i32>} : memref<16x448xf32, #tpu.memory_space<vmem>>, vector<16xf32>,
        %broadcast_in_dim3A_654 = arith.constant 13 : i32
        %broadcast_in_dim3A_655 = vector.broadcast %broadcast_in_dim3A_654 : i32 to vector<16x1xi32>
        %gather3A_656 = vector.shape_cast %broadcast_in_dim3A_655 : vector<16x1xi32> to vector<16xi32>
        %gather3A_657 = tpu.dynamic_gather %bitcast3A[%gather3A_656] in [0] : vector<16xf32>, vector<16xi32> -> vector<16xf32>
        %add3A_658 = arith.constant 13 : i32
        %add3A_659 = arith.addi %mul3A_455, %add3A_658 : i32
        %get3A_660 = arith.index_cast %add3A_659 : i32 to index
        %get3A_661 = arith.constant 0 : index
        %get3A_662 = tpu.vector_load %arg11[%get3A_660, %get3A_661] {strides = array<i32>} : memref<768x16xf32, #tpu.memory_space<vmem>>, vector<16xf32>,
        %mul3A_663 = arith.mulf %get3A_662, %gather3A_657 : vector<16xf32>
        %swap3A_664 = arith.index_cast %scan3A_452 : i32 to index
        %swap3A_665 = arith.constant 208 : index
        %swap3A_666 = tpu.vector_load %arg15[%swap3A_664, %swap3A_665] {strides = array<i32>} : memref<16x448xf32, #tpu.memory_space<vmem>>, vector<16xf32>,
        tpu.vector_store %arg15[%swap3A_664, %swap3A_665], %mul3A_663 {strides = array<i32>} : memref<16x448xf32, #tpu.memory_space<vmem>>, vector<16xf32>,
        %broadcast_in_dim3A_667 = arith.constant 14 : i32
        %broadcast_in_dim3A_668 = vector.broadcast %broadcast_in_dim3A_667 : i32 to vector<16x1xi32>
        %gather3A_669 = vector.shape_cast %broadcast_in_dim3A_668 : vector<16x1xi32> to vector<16xi32>
        %gather3A_670 = tpu.dynamic_gather %bitcast3A[%gather3A_669] in [0] : vector<16xf32>, vector<16xi32> -> vector<16xf32>
        %add3A_671 = arith.constant 14 : i32
        %add3A_672 = arith.addi %mul3A_455, %add3A_671 : i32
        %get3A_673 = arith.index_cast %add3A_672 : i32 to index
        %get3A_674 = arith.constant 0 : index
        %get3A_675 = tpu.vector_load %arg11[%get3A_673, %get3A_674] {strides = array<i32>} : memref<768x16xf32, #tpu.memory_space<vmem>>, vector<16xf32>,
        %mul3A_676 = arith.mulf %get3A_675, %gather3A_670 : vector<16xf32>
        %swap3A_677 = arith.index_cast %scan3A_452 : i32 to index
        %swap3A_678 = arith.constant 224 : index
        %swap3A_679 = tpu.vector_load %arg15[%swap3A_677, %swap3A_678] {strides = array<i32>} : memref<16x448xf32, #tpu.memory_space<vmem>>, vector<16xf32>,
        tpu.vector_store %arg15[%swap3A_677, %swap3A_678], %mul3A_676 {strides = array<i32>} : memref<16x448xf32, #tpu.memory_space<vmem>>, vector<16xf32>,
        %broadcast_in_dim3A_680 = arith.constant 15 : i32
        %broadcast_in_dim3A_681 = vector.broadcast %broadcast_in_dim3A_680 : i32 to vector<16x1xi32>
        %gather3A_682 = vector.shape_cast %broadcast_in_dim3A_681 : vector<16x1xi32> to vector<16xi32>
        %gather3A_683 = tpu.dynamic_gather %bitcast3A[%gather3A_682] in [0] : vector<16xf32>, vector<16xi32> -> vector<16xf32>
        %add3A_684 = arith.constant 15 : i32
        %add3A_685 = arith.addi %mul3A_455, %add3A_684 : i32
        %get3A_686 = arith.index_cast %add3A_685 : i32 to index
        %get3A_687 = arith.constant 0 : index
        %get3A_688 = tpu.vector_load %arg11[%get3A_686, %get3A_687] {strides = array<i32>} : memref<768x16xf32, #tpu.memory_space<vmem>>, vector<16xf32>,
        %mul3A_689 = arith.mulf %get3A_688, %gather3A_683 : vector<16xf32>
        %swap3A_690 = arith.index_cast %scan3A_452 : i32 to index
        %swap3A_691 = arith.constant 240 : index
        %swap3A_692 = tpu.vector_load %arg15[%swap3A_690, %swap3A_691] {strides = array<i32>} : memref<16x448xf32, #tpu.memory_space<vmem>>, vector<16xf32>,
        tpu.vector_store %arg15[%swap3A_690, %swap3A_691], %mul3A_689 {strides = array<i32>} : memref<16x448xf32, #tpu.memory_space<vmem>>, vector<16xf32>,
        %broadcast_in_dim3A_693 = arith.constant 0 : i32
        %broadcast_in_dim3A_694 = vector.broadcast %broadcast_in_dim3A_693 : i32 to vector<16x1xi32>
        %gather3A_695 = vector.shape_cast %broadcast_in_dim3A_694 : vector<16x1xi32> to vector<16xi32>
        %gather3A_696 = tpu.dynamic_gather %bitcast3A_475[%gather3A_695] in [0] : vector<16xf32>, vector<16xi32> -> vector<16xf32>
        %add3A_697 = arith.constant 16 : i32
        %add3A_698 = arith.addi %mul3A_455, %add3A_697 : i32
        %get3A_699 = arith.index_cast %add3A_698 : i32 to index
        %get3A_700 = arith.constant 0 : index
        %get3A_701 = tpu.vector_load %arg11[%get3A_699, %get3A_700] {strides = array<i32>} : memref<768x16xf32, #tpu.memory_space<vmem>>, vector<16xf32>,
        %mul3A_702 = arith.mulf %get3A_701, %gather3A_696 : vector<16xf32>
        %swap3A_703 = arith.index_cast %scan3A_452 : i32 to index
        %swap3A_704 = arith.constant 256 : index
        %swap3A_705 = tpu.vector_load %arg15[%swap3A_703, %swap3A_704] {strides = array<i32>} : memref<16x448xf32, #tpu.memory_space<vmem>>, vector<16xf32>,
        tpu.vector_store %arg15[%swap3A_703, %swap3A_704], %mul3A_702 {strides = array<i32>} : memref<16x448xf32, #tpu.memory_space<vmem>>, vector<16xf32>,
        %broadcast_in_dim3A_706 = arith.constant 1 : i32
        %broadcast_in_dim3A_707 = vector.broadcast %broadcast_in_dim3A_706 : i32 to vector<16x1xi32>
        %gather3A_708 = vector.shape_cast %broadcast_in_dim3A_707 : vector<16x1xi32> to vector<16xi32>
        %gather3A_709 = tpu.dynamic_gather %bitcast3A_475[%gather3A_708] in [0] : vector<16xf32>, vector<16xi32> -> vector<16xf32>
        %add3A_710 = arith.constant 17 : i32
        %add3A_711 = arith.addi %mul3A_455, %add3A_710 : i32
        %get3A_712 = arith.index_cast %add3A_711 : i32 to index
        %get3A_713 = arith.constant 0 : index
        %get3A_714 = tpu.vector_load %arg11[%get3A_712, %get3A_713] {strides = array<i32>} : memref<768x16xf32, #tpu.memory_space<vmem>>, vector<16xf32>,
        %mul3A_715 = arith.mulf %get3A_714, %gather3A_709 : vector<16xf32>
        %swap3A_716 = arith.index_cast %scan3A_452 : i32 to index
        %swap3A_717 = arith.constant 272 : index
        %swap3A_718 = tpu.vector_load %arg15[%swap3A_716, %swap3A_717] {strides = array<i32>} : memref<16x448xf32, #tpu.memory_space<vmem>>, vector<16xf32>,
        tpu.vector_store %arg15[%swap3A_716, %swap3A_717], %mul3A_715 {strides = array<i32>} : memref<16x448xf32, #tpu.memory_space<vmem>>, vector<16xf32>,
        %broadcast_in_dim3A_719 = arith.constant 2 : i32
        %broadcast_in_dim3A_720 = vector.broadcast %broadcast_in_dim3A_719 : i32 to vector<16x1xi32>
        %gather3A_721 = vector.shape_cast %broadcast_in_dim3A_720 : vector<16x1xi32> to vector<16xi32>
        %gather3A_722 = tpu.dynamic_gather %bitcast3A_475[%gather3A_721] in [0] : vector<16xf32>, vector<16xi32> -> vector<16xf32>
        %add3A_723 = arith.constant 18 : i32
        %add3A_724 = arith.addi %mul3A_455, %add3A_723 : i32
        %get3A_725 = arith.index_cast %add3A_724 : i32 to index
        %get3A_726 = arith.constant 0 : index
        %get3A_727 = tpu.vector_load %arg11[%get3A_725, %get3A_726] {strides = array<i32>} : memref<768x16xf32, #tpu.memory_space<vmem>>, vector<16xf32>,
        %mul3A_728 = arith.mulf %get3A_727, %gather3A_722 : vector<16xf32>
        %swap3A_729 = arith.index_cast %scan3A_452 : i32 to index
        %swap3A_730 = arith.constant 288 : index
        %swap3A_731 = tpu.vector_load %arg15[%swap3A_729, %swap3A_730] {strides = array<i32>} : memref<16x448xf32, #tpu.memory_space<vmem>>, vector<16xf32>,
        tpu.vector_store %arg15[%swap3A_729, %swap3A_730], %mul3A_728 {strides = array<i32>} : memref<16x448xf32, #tpu.memory_space<vmem>>, vector<16xf32>,
        %broadcast_in_dim3A_732 = arith.constant 3 : i32
        %broadcast_in_dim3A_733 = vector.broadcast %broadcast_in_dim3A_732 : i32 to vector<16x1xi32>
        %gather3A_734 = vector.shape_cast %broadcast_in_dim3A_733 : vector<16x1xi32> to vector<16xi32>
        %gather3A_735 = tpu.dynamic_gather %bitcast3A_475[%gather3A_734] in [0] : vector<16xf32>, vector<16xi32> -> vector<16xf32>
        %add3A_736 = arith.constant 19 : i32
        %add3A_737 = arith.addi %mul3A_455, %add3A_736 : i32
        %get3A_738 = arith.index_cast %add3A_737 : i32 to index
        %get3A_739 = arith.constant 0 : index
        %get3A_740 = tpu.vector_load %arg11[%get3A_738, %get3A_739] {strides = array<i32>} : memref<768x16xf32, #tpu.memory_space<vmem>>, vector<16xf32>,
        %mul3A_741 = arith.mulf %get3A_740, %gather3A_735 : vector<16xf32>
        %swap3A_742 = arith.index_cast %scan3A_452 : i32 to index
        %swap3A_743 = arith.constant 304 : index
        %swap3A_744 = tpu.vector_load %arg15[%swap3A_742, %swap3A_743] {strides = array<i32>} : memref<16x448xf32, #tpu.memory_space<vmem>>, vector<16xf32>,
        tpu.vector_store %arg15[%swap3A_742, %swap3A_743], %mul3A_741 {strides = array<i32>} : memref<16x448xf32, #tpu.memory_space<vmem>>, vector<16xf32>,
        %broadcast_in_dim3A_745 = arith.constant 4 : i32
        %broadcast_in_dim3A_746 = vector.broadcast %broadcast_in_dim3A_745 : i32 to vector<16x1xi32>
        %gather3A_747 = vector.shape_cast %broadcast_in_dim3A_746 : vector<16x1xi32> to vector<16xi32>
        %gather3A_748 = tpu.dynamic_gather %bitcast3A_475[%gather3A_747] in [0] : vector<16xf32>, vector<16xi32> -> vector<16xf32>
        %add3A_749 = arith.constant 20 : i32
        %add3A_750 = arith.addi %mul3A_455, %add3A_749 : i32
        %get3A_751 = arith.index_cast %add3A_750 : i32 to index
        %get3A_752 = arith.constant 0 : index
        %get3A_753 = tpu.vector_load %arg11[%get3A_751, %get3A_752] {strides = array<i32>} : memref<768x16xf32, #tpu.memory_space<vmem>>, vector<16xf32>,
        %mul3A_754 = arith.mulf %get3A_753, %gather3A_748 : vector<16xf32>
        %swap3A_755 = arith.index_cast %scan3A_452 : i32 to index
        %swap3A_756 = arith.constant 320 : index
        %swap3A_757 = tpu.vector_load %arg15[%swap3A_755, %swap3A_756] {strides = array<i32>} : memref<16x448xf32, #tpu.memory_space<vmem>>, vector<16xf32>,
        tpu.vector_store %arg15[%swap3A_755, %swap3A_756], %mul3A_754 {strides = array<i32>} : memref<16x448xf32, #tpu.memory_space<vmem>>, vector<16xf32>,
        %broadcast_in_dim3A_758 = arith.constant 5 : i32
        %broadcast_in_dim3A_759 = vector.broadcast %broadcast_in_dim3A_758 : i32 to vector<16x1xi32>
        %gather3A_760 = vector.shape_cast %broadcast_in_dim3A_759 : vector<16x1xi32> to vector<16xi32>
        %gather3A_761 = tpu.dynamic_gather %bitcast3A_475[%gather3A_760] in [0] : vector<16xf32>, vector<16xi32> -> vector<16xf32>
        %add3A_762 = arith.constant 21 : i32
        %add3A_763 = arith.addi %mul3A_455, %add3A_762 : i32
        %get3A_764 = arith.index_cast %add3A_763 : i32 to index
        %get3A_765 = arith.constant 0 : index
        %get3A_766 = tpu.vector_load %arg11[%get3A_764, %get3A_765] {strides = array<i32>} : memref<768x16xf32, #tpu.memory_space<vmem>>, vector<16xf32>,
        %mul3A_767 = arith.mulf %get3A_766, %gather3A_761 : vector<16xf32>
        %swap3A_768 = arith.index_cast %scan3A_452 : i32 to index
        %swap3A_769 = arith.constant 336 : index
        %swap3A_770 = tpu.vector_load %arg15[%swap3A_768, %swap3A_769] {strides = array<i32>} : memref<16x448xf32, #tpu.memory_space<vmem>>, vector<16xf32>,
        tpu.vector_store %arg15[%swap3A_768, %swap3A_769], %mul3A_767 {strides = array<i32>} : memref<16x448xf32, #tpu.memory_space<vmem>>, vector<16xf32>,
        %broadcast_in_dim3A_771 = arith.constant 6 : i32
        %broadcast_in_dim3A_772 = vector.broadcast %broadcast_in_dim3A_771 : i32 to vector<16x1xi32>
        %gather3A_773 = vector.shape_cast %broadcast_in_dim3A_772 : vector<16x1xi32> to vector<16xi32>
        %gather3A_774 = tpu.dynamic_gather %bitcast3A_475[%gather3A_773] in [0] : vector<16xf32>, vector<16xi32> -> vector<16xf32>
        %add3A_775 = arith.constant 22 : i32
        %add3A_776 = arith.addi %mul3A_455, %add3A_775 : i32
        %get3A_777 = arith.index_cast %add3A_776 : i32 to index
        %get3A_778 = arith.constant 0 : index
        %get3A_779 = tpu.vector_load %arg11[%get3A_777, %get3A_778] {strides = array<i32>} : memref<768x16xf32, #tpu.memory_space<vmem>>, vector<16xf32>,
        %mul3A_780 = arith.mulf %get3A_779, %gather3A_774 : vector<16xf32>
        %swap3A_781 = arith.index_cast %scan3A_452 : i32 to index
        %swap3A_782 = arith.constant 352 : index
        %swap3A_783 = tpu.vector_load %arg15[%swap3A_781, %swap3A_782] {strides = array<i32>} : memref<16x448xf32, #tpu.memory_space<vmem>>, vector<16xf32>,
        tpu.vector_store %arg15[%swap3A_781, %swap3A_782], %mul3A_780 {strides = array<i32>} : memref<16x448xf32, #tpu.memory_space<vmem>>, vector<16xf32>,
        %broadcast_in_dim3A_784 = arith.constant 7 : i32
        %broadcast_in_dim3A_785 = vector.broadcast %broadcast_in_dim3A_784 : i32 to vector<16x1xi32>
        %gather3A_786 = vector.shape_cast %broadcast_in_dim3A_785 : vector<16x1xi32> to vector<16xi32>
        %gather3A_787 = tpu.dynamic_gather %bitcast3A_475[%gather3A_786] in [0] : vector<16xf32>, vector<16xi32> -> vector<16xf32>
        %add3A_788 = arith.constant 23 : i32
        %add3A_789 = arith.addi %mul3A_455, %add3A_788 : i32
        %get3A_790 = arith.index_cast %add3A_789 : i32 to index
        %get3A_791 = arith.constant 0 : index
        %get3A_792 = tpu.vector_load %arg11[%get3A_790, %get3A_791] {strides = array<i32>} : memref<768x16xf32, #tpu.memory_space<vmem>>, vector<16xf32>,
        %mul3A_793 = arith.mulf %get3A_792, %gather3A_787 : vector<16xf32>
        %swap3A_794 = arith.index_cast %scan3A_452 : i32 to index
        %swap3A_795 = arith.constant 368 : index
        %swap3A_796 = tpu.vector_load %arg15[%swap3A_794, %swap3A_795] {strides = array<i32>} : memref<16x448xf32, #tpu.memory_space<vmem>>, vector<16xf32>,
        tpu.vector_store %arg15[%swap3A_794, %swap3A_795], %mul3A_793 {strides = array<i32>} : memref<16x448xf32, #tpu.memory_space<vmem>>, vector<16xf32>,
        %broadcast_in_dim3A_797 = arith.constant 8 : i32
        %broadcast_in_dim3A_798 = vector.broadcast %broadcast_in_dim3A_797 : i32 to vector<16x1xi32>
        %gather3A_799 = vector.shape_cast %broadcast_in_dim3A_798 : vector<16x1xi32> to vector<16xi32>
        %gather3A_800 = tpu.dynamic_gather %bitcast3A_475[%gather3A_799] in [0] : vector<16xf32>, vector<16xi32> -> vector<16xf32>
        %add3A_801 = arith.constant 24 : i32
        %add3A_802 = arith.addi %mul3A_455, %add3A_801 : i32
        %get3A_803 = arith.index_cast %add3A_802 : i32 to index
        %get3A_804 = arith.constant 0 : index
        %get3A_805 = tpu.vector_load %arg11[%get3A_803, %get3A_804] {strides = array<i32>} : memref<768x16xf32, #tpu.memory_space<vmem>>, vector<16xf32>,
        %mul3A_806 = arith.mulf %get3A_805, %gather3A_800 : vector<16xf32>
        %swap3A_807 = arith.index_cast %scan3A_452 : i32 to index
        %swap3A_808 = arith.constant 384 : index
        %swap3A_809 = tpu.vector_load %arg15[%swap3A_807, %swap3A_808] {strides = array<i32>} : memref<16x448xf32, #tpu.memory_space<vmem>>, vector<16xf32>,
        tpu.vector_store %arg15[%swap3A_807, %swap3A_808], %mul3A_806 {strides = array<i32>} : memref<16x448xf32, #tpu.memory_space<vmem>>, vector<16xf32>,
        %broadcast_in_dim3A_810 = arith.constant 9 : i32
        %broadcast_in_dim3A_811 = vector.broadcast %broadcast_in_dim3A_810 : i32 to vector<16x1xi32>
        %gather3A_812 = vector.shape_cast %broadcast_in_dim3A_811 : vector<16x1xi32> to vector<16xi32>
        %gather3A_813 = tpu.dynamic_gather %bitcast3A_475[%gather3A_812] in [0] : vector<16xf32>, vector<16xi32> -> vector<16xf32>
        %add3A_814 = arith.constant 25 : i32
        %add3A_815 = arith.addi %mul3A_455, %add3A_814 : i32
        %get3A_816 = arith.index_cast %add3A_815 : i32 to index
        %get3A_817 = arith.constant 0 : index
        %get3A_818 = tpu.vector_load %arg11[%get3A_816, %get3A_817] {strides = array<i32>} : memref<768x16xf32, #tpu.memory_space<vmem>>, vector<16xf32>,
        %mul3A_819 = arith.mulf %get3A_818, %gather3A_813 : vector<16xf32>
        %swap3A_820 = arith.index_cast %scan3A_452 : i32 to index
        %swap3A_821 = arith.constant 400 : index
        %swap3A_822 = tpu.vector_load %arg15[%swap3A_820, %swap3A_821] {strides = array<i32>} : memref<16x448xf32, #tpu.memory_space<vmem>>, vector<16xf32>,
        tpu.vector_store %arg15[%swap3A_820, %swap3A_821], %mul3A_819 {strides = array<i32>} : memref<16x448xf32, #tpu.memory_space<vmem>>, vector<16xf32>,
        %broadcast_in_dim3A_823 = arith.constant 10 : i32
        %broadcast_in_dim3A_824 = vector.broadcast %broadcast_in_dim3A_823 : i32 to vector<16x1xi32>
        %gather3A_825 = vector.shape_cast %broadcast_in_dim3A_824 : vector<16x1xi32> to vector<16xi32>
        %gather3A_826 = tpu.dynamic_gather %bitcast3A_475[%gather3A_825] in [0] : vector<16xf32>, vector<16xi32> -> vector<16xf32>
        %add3A_827 = arith.constant 26 : i32
        %add3A_828 = arith.addi %mul3A_455, %add3A_827 : i32
        %get3A_829 = arith.index_cast %add3A_828 : i32 to index
        %get3A_830 = arith.constant 0 : index
        %get3A_831 = tpu.vector_load %arg11[%get3A_829, %get3A_830] {strides = array<i32>} : memref<768x16xf32, #tpu.memory_space<vmem>>, vector<16xf32>,
        %mul3A_832 = arith.mulf %get3A_831, %gather3A_826 : vector<16xf32>
        %broadcast_in_dim3A_833 = arith.constant 11 : i32
        %broadcast_in_dim3A_834 = vector.broadcast %broadcast_in_dim3A_833 : i32 to vector<16x1xi32>
        %gather3A_835 = vector.shape_cast %broadcast_in_dim3A_834 : vector<16x1xi32> to vector<16xi32>
        %gather3A_836 = tpu.dynamic_gather %bitcast3A_475[%gather3A_835] in [0] : vector<16xf32>, vector<16xi32> -> vector<16xf32>
        %add3A_837 = arith.constant 27 : i32
        %add3A_838 = arith.addi %mul3A_455, %add3A_837 : i32
        %get3A_839 = arith.index_cast %add3A_838 : i32 to index
        %get3A_840 = arith.constant 0 : index
        %get3A_841 = tpu.vector_load %arg11[%get3A_839, %get3A_840] {strides = array<i32>} : memref<768x16xf32, #tpu.memory_space<vmem>>, vector<16xf32>,
        %mul3A_842 = arith.mulf %get3A_841, %gather3A_836 : vector<16xf32>
        %broadcast_in_dim3A_843 = arith.constant 12 : i32
        %broadcast_in_dim3A_844 = vector.broadcast %broadcast_in_dim3A_843 : i32 to vector<16x1xi32>
        %gather3A_845 = vector.shape_cast %broadcast_in_dim3A_844 : vector<16x1xi32> to vector<16xi32>
        %gather3A_846 = tpu.dynamic_gather %bitcast3A_475[%gather3A_845] in [0] : vector<16xf32>, vector<16xi32> -> vector<16xf32>
        %add3A_847 = arith.constant 28 : i32
        %add3A_848 = arith.addi %mul3A_455, %add3A_847 : i32
        %get3A_849 = arith.index_cast %add3A_848 : i32 to index
        %get3A_850 = arith.constant 0 : index
        %get3A_851 = tpu.vector_load %arg11[%get3A_849, %get3A_850] {strides = array<i32>} : memref<768x16xf32, #tpu.memory_space<vmem>>, vector<16xf32>,
        %mul3A_852 = arith.mulf %get3A_851, %gather3A_846 : vector<16xf32>
        %broadcast_in_dim3A_853 = arith.constant 13 : i32
        %broadcast_in_dim3A_854 = vector.broadcast %broadcast_in_dim3A_853 : i32 to vector<16x1xi32>
        %gather3A_855 = vector.shape_cast %broadcast_in_dim3A_854 : vector<16x1xi32> to vector<16xi32>
        %gather3A_856 = tpu.dynamic_gather %bitcast3A_475[%gather3A_855] in [0] : vector<16xf32>, vector<16xi32> -> vector<16xf32>
        %add3A_857 = arith.constant 29 : i32
        %add3A_858 = arith.addi %mul3A_455, %add3A_857 : i32
        %get3A_859 = arith.index_cast %add3A_858 : i32 to index
        %get3A_860 = arith.constant 0 : index
        %get3A_861 = tpu.vector_load %arg11[%get3A_859, %get3A_860] {strides = array<i32>} : memref<768x16xf32, #tpu.memory_space<vmem>>, vector<16xf32>,
        %mul3A_862 = arith.mulf %get3A_861, %gather3A_856 : vector<16xf32>
        %broadcast_in_dim3A_863 = arith.constant 14 : i32
        %broadcast_in_dim3A_864 = vector.broadcast %broadcast_in_dim3A_863 : i32 to vector<16x1xi32>
        %gather3A_865 = vector.shape_cast %broadcast_in_dim3A_864 : vector<16x1xi32> to vector<16xi32>
        %gather3A_866 = tpu.dynamic_gather %bitcast3A_475[%gather3A_865] in [0] : vector<16xf32>, vector<16xi32> -> vector<16xf32>
        %add3A_867 = arith.constant 30 : i32
        %add3A_868 = arith.addi %mul3A_455, %add3A_867 : i32
        %get3A_869 = arith.index_cast %add3A_868 : i32 to index
        %get3A_870 = arith.constant 0 : index
        %get3A_871 = tpu.vector_load %arg11[%get3A_869, %get3A_870] {strides = array<i32>} : memref<768x16xf32, #tpu.memory_space<vmem>>, vector<16xf32>,
        %mul3A_872 = arith.mulf %get3A_871, %gather3A_866 : vector<16xf32>
        %broadcast_in_dim3A_873 = arith.constant 15 : i32
        %broadcast_in_dim3A_874 = vector.broadcast %broadcast_in_dim3A_873 : i32 to vector<16x1xi32>
        %gather3A_875 = vector.shape_cast %broadcast_in_dim3A_874 : vector<16x1xi32> to vector<16xi32>
        %gather3A_876 = tpu.dynamic_gather %bitcast3A_475[%gather3A_875] in [0] : vector<16xf32>, vector<16xi32> -> vector<16xf32>
        %add3A_877 = arith.constant 31 : i32
        %add3A_878 = arith.addi %mul3A_455, %add3A_877 : i32
        %get3A_879 = arith.index_cast %add3A_878 : i32 to index
        %get3A_880 = arith.constant 0 : index
        %get3A_881 = tpu.vector_load %arg11[%get3A_879, %get3A_880] {strides = array<i32>} : memref<768x16xf32, #tpu.memory_space<vmem>>, vector<16xf32>,
        %mul3A_882 = arith.mulf %get3A_881, %gather3A_876 : vector<16xf32>
        %broadcast_in_dim3A_883 = arith.constant 0 : i32
        %broadcast_in_dim3A_884 = vector.broadcast %broadcast_in_dim3A_883 : i32 to vector<16x1xi32>
        %gather3A_885 = vector.shape_cast %broadcast_in_dim3A_884 : vector<16x1xi32> to vector<16xi32>
        %gather3A_886 = tpu.dynamic_gather %bitcast3A_487[%gather3A_885] in [0] : vector<16xf32>, vector<16xi32> -> vector<16xf32>
        %add3A_887 = arith.constant 32 : i32
        %add3A_888 = arith.addi %mul3A_455, %add3A_887 : i32
        %get3A_889 = arith.index_cast %add3A_888 : i32 to index
        %get3A_890 = arith.constant 0 : index
        %get3A_891 = tpu.vector_load %arg11[%get3A_889, %get3A_890] {strides = array<i32>} : memref<768x16xf32, #tpu.memory_space<vmem>>, vector<16xf32>,
        %mul3A_892 = arith.mulf %get3A_891, %gather3A_886 : vector<16xf32>
        %broadcast_in_dim3A_893 = arith.constant 1 : i32
        %broadcast_in_dim3A_894 = vector.broadcast %broadcast_in_dim3A_893 : i32 to vector<16x1xi32>
        %gather3A_895 = vector.shape_cast %broadcast_in_dim3A_894 : vector<16x1xi32> to vector<16xi32>
        %gather3A_896 = tpu.dynamic_gather %bitcast3A_487[%gather3A_895] in [0] : vector<16xf32>, vector<16xi32> -> vector<16xf32>
        %add3A_897 = arith.constant 33 : i32
        %add3A_898 = arith.addi %mul3A_455, %add3A_897 : i32
        %get3A_899 = arith.index_cast %add3A_898 : i32 to index
        %get3A_900 = arith.constant 0 : index
        %get3A_901 = tpu.vector_load %arg11[%get3A_899, %get3A_900] {strides = array<i32>} : memref<768x16xf32, #tpu.memory_space<vmem>>, vector<16xf32>,
        %mul3A_902 = arith.mulf %get3A_901, %gather3A_896 : vector<16xf32>
        %broadcast_in_dim3A_903 = arith.constant 2 : i32
        %broadcast_in_dim3A_904 = vector.broadcast %broadcast_in_dim3A_903 : i32 to vector<16x1xi32>
        %gather3A_905 = vector.shape_cast %broadcast_in_dim3A_904 : vector<16x1xi32> to vector<16xi32>
        %gather3A_906 = tpu.dynamic_gather %bitcast3A_487[%gather3A_905] in [0] : vector<16xf32>, vector<16xi32> -> vector<16xf32>
        %add3A_907 = arith.constant 34 : i32
        %add3A_908 = arith.addi %mul3A_455, %add3A_907 : i32
        %get3A_909 = arith.index_cast %add3A_908 : i32 to index
        %get3A_910 = arith.constant 0 : index
        %get3A_911 = tpu.vector_load %arg11[%get3A_909, %get3A_910] {strides = array<i32>} : memref<768x16xf32, #tpu.memory_space<vmem>>, vector<16xf32>,
        %mul3A_912 = arith.mulf %get3A_911, %gather3A_906 : vector<16xf32>
        %broadcast_in_dim3A_913 = arith.constant 3 : i32
        %broadcast_in_dim3A_914 = vector.broadcast %broadcast_in_dim3A_913 : i32 to vector<16x1xi32>
        %gather3A_915 = vector.shape_cast %broadcast_in_dim3A_914 : vector<16x1xi32> to vector<16xi32>
        %gather3A_916 = tpu.dynamic_gather %bitcast3A_487[%gather3A_915] in [0] : vector<16xf32>, vector<16xi32> -> vector<16xf32>
        %add3A_917 = arith.constant 35 : i32
        %add3A_918 = arith.addi %mul3A_455, %add3A_917 : i32
        %get3A_919 = arith.index_cast %add3A_918 : i32 to index
        %get3A_920 = arith.constant 0 : index
        %get3A_921 = tpu.vector_load %arg11[%get3A_919, %get3A_920] {strides = array<i32>} : memref<768x16xf32, #tpu.memory_space<vmem>>, vector<16xf32>,
        %mul3A_922 = arith.mulf %get3A_921, %gather3A_916 : vector<16xf32>
        %broadcast_in_dim3A_923 = arith.constant 4 : i32
        %broadcast_in_dim3A_924 = vector.broadcast %broadcast_in_dim3A_923 : i32 to vector<16x1xi32>
        %gather3A_925 = vector.shape_cast %broadcast_in_dim3A_924 : vector<16x1xi32> to vector<16xi32>
        %gather3A_926 = tpu.dynamic_gather %bitcast3A_487[%gather3A_925] in [0] : vector<16xf32>, vector<16xi32> -> vector<16xf32>
        %add3A_927 = arith.constant 36 : i32
        %add3A_928 = arith.addi %mul3A_455, %add3A_927 : i32
        %get3A_929 = arith.index_cast %add3A_928 : i32 to index
        %get3A_930 = arith.constant 0 : index
        %get3A_931 = tpu.vector_load %arg11[%get3A_929, %get3A_930] {strides = array<i32>} : memref<768x16xf32, #tpu.memory_space<vmem>>, vector<16xf32>,
        %mul3A_932 = arith.mulf %get3A_931, %gather3A_926 : vector<16xf32>
        %broadcast_in_dim3A_933 = arith.constant 5 : i32
        %broadcast_in_dim3A_934 = vector.broadcast %broadcast_in_dim3A_933 : i32 to vector<16x1xi32>
        %gather3A_935 = vector.shape_cast %broadcast_in_dim3A_934 : vector<16x1xi32> to vector<16xi32>
        %gather3A_936 = tpu.dynamic_gather %bitcast3A_487[%gather3A_935] in [0] : vector<16xf32>, vector<16xi32> -> vector<16xf32>
        %add3A_937 = arith.constant 37 : i32
        %add3A_938 = arith.addi %mul3A_455, %add3A_937 : i32
        %get3A_939 = arith.index_cast %add3A_938 : i32 to index
        %get3A_940 = arith.constant 0 : index
        %get3A_941 = tpu.vector_load %arg11[%get3A_939, %get3A_940] {strides = array<i32>} : memref<768x16xf32, #tpu.memory_space<vmem>>, vector<16xf32>,
        %mul3A_942 = arith.mulf %get3A_941, %gather3A_936 : vector<16xf32>
        %broadcast_in_dim3A_943 = arith.constant 6 : i32
        %broadcast_in_dim3A_944 = vector.broadcast %broadcast_in_dim3A_943 : i32 to vector<16x1xi32>
        %gather3A_945 = vector.shape_cast %broadcast_in_dim3A_944 : vector<16x1xi32> to vector<16xi32>
        %gather3A_946 = tpu.dynamic_gather %bitcast3A_487[%gather3A_945] in [0] : vector<16xf32>, vector<16xi32> -> vector<16xf32>
        %add3A_947 = arith.constant 38 : i32
        %add3A_948 = arith.addi %mul3A_455, %add3A_947 : i32
        %get3A_949 = arith.index_cast %add3A_948 : i32 to index
        %get3A_950 = arith.constant 0 : index
        %get3A_951 = tpu.vector_load %arg11[%get3A_949, %get3A_950] {strides = array<i32>} : memref<768x16xf32, #tpu.memory_space<vmem>>, vector<16xf32>,
        %mul3A_952 = arith.mulf %get3A_951, %gather3A_946 : vector<16xf32>
        %broadcast_in_dim3A_953 = arith.constant 7 : i32
        %broadcast_in_dim3A_954 = vector.broadcast %broadcast_in_dim3A_953 : i32 to vector<16x1xi32>
        %gather3A_955 = vector.shape_cast %broadcast_in_dim3A_954 : vector<16x1xi32> to vector<16xi32>
        %gather3A_956 = tpu.dynamic_gather %bitcast3A_487[%gather3A_955] in [0] : vector<16xf32>, vector<16xi32> -> vector<16xf32>
        %add3A_957 = arith.constant 39 : i32
        %add3A_958 = arith.addi %mul3A_455, %add3A_957 : i32
        %get3A_959 = arith.index_cast %add3A_958 : i32 to index
        %get3A_960 = arith.constant 0 : index
        %get3A_961 = tpu.vector_load %arg11[%get3A_959, %get3A_960] {strides = array<i32>} : memref<768x16xf32, #tpu.memory_space<vmem>>, vector<16xf32>,
        %mul3A_962 = arith.mulf %get3A_961, %gather3A_956 : vector<16xf32>
        %broadcast_in_dim3A_963 = arith.constant 8 : i32
        %broadcast_in_dim3A_964 = vector.broadcast %broadcast_in_dim3A_963 : i32 to vector<16x1xi32>
        %gather3A_965 = vector.shape_cast %broadcast_in_dim3A_964 : vector<16x1xi32> to vector<16xi32>
        %gather3A_966 = tpu.dynamic_gather %bitcast3A_487[%gather3A_965] in [0] : vector<16xf32>, vector<16xi32> -> vector<16xf32>
        %add3A_967 = arith.constant 40 : i32
        %add3A_968 = arith.addi %mul3A_455, %add3A_967 : i32
        %get3A_969 = arith.index_cast %add3A_968 : i32 to index
        %get3A_970 = arith.constant 0 : index
        %get3A_971 = tpu.vector_load %arg11[%get3A_969, %get3A_970] {strides = array<i32>} : memref<768x16xf32, #tpu.memory_space<vmem>>, vector<16xf32>,
        %mul3A_972 = arith.mulf %get3A_971, %gather3A_966 : vector<16xf32>
        %broadcast_in_dim3A_973 = arith.constant 9 : i32
        %broadcast_in_dim3A_974 = vector.broadcast %broadcast_in_dim3A_973 : i32 to vector<16x1xi32>
        %gather3A_975 = vector.shape_cast %broadcast_in_dim3A_974 : vector<16x1xi32> to vector<16xi32>
        %gather3A_976 = tpu.dynamic_gather %bitcast3A_487[%gather3A_975] in [0] : vector<16xf32>, vector<16xi32> -> vector<16xf32>
        %add3A_977 = arith.constant 41 : i32
        %add3A_978 = arith.addi %mul3A_455, %add3A_977 : i32
        %get3A_979 = arith.index_cast %add3A_978 : i32 to index
        %get3A_980 = arith.constant 0 : index
        %get3A_981 = tpu.vector_load %arg11[%get3A_979, %get3A_980] {strides = array<i32>} : memref<768x16xf32, #tpu.memory_space<vmem>>, vector<16xf32>,
        %mul3A_982 = arith.mulf %get3A_981, %gather3A_976 : vector<16xf32>
        %broadcast_in_dim3A_983 = arith.constant 10 : i32
        %broadcast_in_dim3A_984 = vector.broadcast %broadcast_in_dim3A_983 : i32 to vector<16x1xi32>
        %gather3A_985 = vector.shape_cast %broadcast_in_dim3A_984 : vector<16x1xi32> to vector<16xi32>
        %gather3A_986 = tpu.dynamic_gather %bitcast3A_487[%gather3A_985] in [0] : vector<16xf32>, vector<16xi32> -> vector<16xf32>
        %add3A_987 = arith.constant 42 : i32
        %add3A_988 = arith.addi %mul3A_455, %add3A_987 : i32
        %get3A_989 = arith.index_cast %add3A_988 : i32 to index
        %get3A_990 = arith.constant 0 : index
        %get3A_991 = tpu.vector_load %arg11[%get3A_989, %get3A_990] {strides = array<i32>} : memref<768x16xf32, #tpu.memory_space<vmem>>, vector<16xf32>,
        %mul3A_992 = arith.mulf %get3A_991, %gather3A_986 : vector<16xf32>
        %broadcast_in_dim3A_993 = arith.constant 11 : i32
        %broadcast_in_dim3A_994 = vector.broadcast %broadcast_in_dim3A_993 : i32 to vector<16x1xi32>
        %gather3A_995 = vector.shape_cast %broadcast_in_dim3A_994 : vector<16x1xi32> to vector<16xi32>
        %gather3A_996 = tpu.dynamic_gather %bitcast3A_487[%gather3A_995] in [0] : vector<16xf32>, vector<16xi32> -> vector<16xf32>
        %add3A_997 = arith.constant 43 : i32
        %add3A_998 = arith.addi %mul3A_455, %add3A_997 : i32
        %get3A_999 = arith.index_cast %add3A_998 : i32 to index
        %get3A_1000 = arith.constant 0 : index
        %get3A_1001 = tpu.vector_load %arg11[%get3A_999, %get3A_1000] {strides = array<i32>} : memref<768x16xf32, #tpu.memory_space<vmem>>, vector<16xf32>,
        %mul3A_1002 = arith.mulf %get3A_1001, %gather3A_996 : vector<16xf32>
        %broadcast_in_dim3A_1003 = arith.constant 12 : i32
        %broadcast_in_dim3A_1004 = vector.broadcast %broadcast_in_dim3A_1003 : i32 to vector<16x1xi32>
        %gather3A_1005 = vector.shape_cast %broadcast_in_dim3A_1004 : vector<16x1xi32> to vector<16xi32>
        %gather3A_1006 = tpu.dynamic_gather %bitcast3A_487[%gather3A_1005] in [0] : vector<16xf32>, vector<16xi32> -> vector<16xf32>
        %add3A_1007 = arith.constant 44 : i32
        %add3A_1008 = arith.addi %mul3A_455, %add3A_1007 : i32
        %get3A_1009 = arith.index_cast %add3A_1008 : i32 to index
        %get3A_1010 = arith.constant 0 : index
        %get3A_1011 = tpu.vector_load %arg11[%get3A_1009, %get3A_1010] {strides = array<i32>} : memref<768x16xf32, #tpu.memory_space<vmem>>, vector<16xf32>,
        %mul3A_1012 = arith.mulf %get3A_1011, %gather3A_1006 : vector<16xf32>
        %broadcast_in_dim3A_1013 = arith.constant 13 : i32
        %broadcast_in_dim3A_1014 = vector.broadcast %broadcast_in_dim3A_1013 : i32 to vector<16x1xi32>
        %gather3A_1015 = vector.shape_cast %broadcast_in_dim3A_1014 : vector<16x1xi32> to vector<16xi32>
        %gather3A_1016 = tpu.dynamic_gather %bitcast3A_487[%gather3A_1015] in [0] : vector<16xf32>, vector<16xi32> -> vector<16xf32>
        %add3A_1017 = arith.constant 45 : i32
        %add3A_1018 = arith.addi %mul3A_455, %add3A_1017 : i32
        %get3A_1019 = arith.index_cast %add3A_1018 : i32 to index
        %get3A_1020 = arith.constant 0 : index
        %get3A_1021 = tpu.vector_load %arg11[%get3A_1019, %get3A_1020] {strides = array<i32>} : memref<768x16xf32, #tpu.memory_space<vmem>>, vector<16xf32>,
        %mul3A_1022 = arith.mulf %get3A_1021, %gather3A_1016 : vector<16xf32>
        %broadcast_in_dim3A_1023 = arith.constant 0.000000e+00 : f32
        %broadcast_in_dim3A_1024 = vector.broadcast %broadcast_in_dim3A_1023 : f32 to vector<16xf32>
        %add3A_1025 = arith.addf %mul3A_832, %mul3A_992 : vector<16xf32>
        %add3A_1026 = arith.addf %mul3A_842, %mul3A_1002 : vector<16xf32>
        %add3A_1027 = arith.addf %mul3A_852, %mul3A_1012 : vector<16xf32>
        %add3A_1028 = arith.addf %mul3A_862, %mul3A_1022 : vector<16xf32>
        %add3A_1029 = arith.addf %mul3A_872, %broadcast_in_dim3A_1024 : vector<16xf32>
        %add3A_1030 = arith.addf %mul3A_882, %broadcast_in_dim3A_1024 : vector<16xf32>
        %add3A_1031 = arith.addf %mul3A_892, %broadcast_in_dim3A_1024 : vector<16xf32>
        %add3A_1032 = arith.addf %mul3A_902, %broadcast_in_dim3A_1024 : vector<16xf32>
        %add3A_1033 = arith.addf %mul3A_912, %broadcast_in_dim3A_1024 : vector<16xf32>
        %add3A_1034 = arith.addf %mul3A_922, %broadcast_in_dim3A_1024 : vector<16xf32>
        %add3A_1035 = arith.addf %mul3A_932, %broadcast_in_dim3A_1024 : vector<16xf32>
        %add3A_1036 = arith.addf %mul3A_942, %broadcast_in_dim3A_1024 : vector<16xf32>
        %add3A_1037 = arith.addf %mul3A_952, %broadcast_in_dim3A_1024 : vector<16xf32>
        %add3A_1038 = arith.addf %mul3A_962, %broadcast_in_dim3A_1024 : vector<16xf32>
        %add3A_1039 = arith.addf %mul3A_972, %broadcast_in_dim3A_1024 : vector<16xf32>
        %add3A_1040 = arith.addf %mul3A_982, %broadcast_in_dim3A_1024 : vector<16xf32>
        %add3A_1041 = arith.addf %add3A_1025, %add3A_1033 : vector<16xf32>
        %add3A_1042 = arith.addf %add3A_1026, %add3A_1034 : vector<16xf32>
        %add3A_1043 = arith.addf %add3A_1027, %add3A_1035 : vector<16xf32>
        %add3A_1044 = arith.addf %add3A_1028, %add3A_1036 : vector<16xf32>
        %add3A_1045 = arith.addf %add3A_1029, %add3A_1037 : vector<16xf32>
        %add3A_1046 = arith.addf %add3A_1030, %add3A_1038 : vector<16xf32>
        %add3A_1047 = arith.addf %add3A_1031, %add3A_1039 : vector<16xf32>
        %add3A_1048 = arith.addf %add3A_1032, %add3A_1040 : vector<16xf32>
        %add3A_1049 = arith.addf %add3A_1041, %add3A_1045 : vector<16xf32>
        %add3A_1050 = arith.addf %add3A_1042, %add3A_1046 : vector<16xf32>
        %add3A_1051 = arith.addf %add3A_1043, %add3A_1047 : vector<16xf32>
        %add3A_1052 = arith.addf %add3A_1044, %add3A_1048 : vector<16xf32>
        %add3A_1053 = arith.addf %add3A_1049, %add3A_1051 : vector<16xf32>
        %add3A_1054 = arith.addf %add3A_1050, %add3A_1052 : vector<16xf32>
        %add3A_1055 = arith.addf %add3A_1053, %add3A_1054 : vector<16xf32>
        %swap3A_1056 = arith.index_cast %scan3A_452 : i32 to index
        %swap3A_1057 = arith.constant 416 : index
        %swap3A_1058 = tpu.vector_load %arg15[%swap3A_1056, %swap3A_1057] {strides = array<i32>} : memref<16x448xf32, #tpu.memory_space<vmem>>, vector<16xf32>,
        tpu.vector_store %arg15[%swap3A_1056, %swap3A_1057], %add3A_1055 {strides = array<i32>} : memref<16x448xf32, #tpu.memory_space<vmem>>, vector<16xf32>,
        %add3A_1059 = arith.constant 0 : i32
        %add3A_1060 = arith.addi %mul3A_455, %add3A_1059 : i32
        %shift_right_arithmetic3A_1061 = arith.constant 7 : i32
        %shift_right_arithmetic3A_1062 = arith.shrsi %add3A_1060, %shift_right_arithmetic3A_1061 : i32
        %and3A_1063 = arith.constant 127 : i32
        %and3A_1064 = arith.andi %add3A_1060, %and3A_1063 : i32
        %get3A_1065 = arith.constant 2 : i32
        %get3A_1066 = arith.index_cast %get3A_1065 : i32 to index
        %get3A_1067 = arith.index_cast %shift_right_arithmetic3A_1062 : i32 to index
        %get3A_1068 = arith.index_cast %and3A_1064 : i32 to index
        %get3A_1069 = tpu.vector_load %arg9[%get3A_1066, %get3A_1067, %get3A_1068] {strides = array<i32>} : memref<4x6x128xi32, #tpu.memory_space<vmem>>, vector<16xi32>,
        %add3A_1070 = vector.broadcast %add3A_1060 : i32 to vector<16xi32>
        %add3A_1071 = arith.addi %iota3A_439, %add3A_1070 : vector<16xi32>
        %gather3A_1072 = tpu.vector_load_idx %arg13[%add3A_1071, %get3A_1069] : memref<768x16xf32, #tpu.memory_space<vmem>>[vector<16xi32>, vector<16xi32>], vector<16xf32>,
        %mul3A_1073 = arith.mulf %gather3A_1072, %bitcast3A : vector<16xf32>
        %swap3A_1074 = arith.index_cast %scan3A_452 : i32 to index
        %swap3A_1075 = arith.constant 0 : index
        %swap3A_1076 = tpu.vector_load %arg17[%swap3A_1074, %swap3A_1075] {strides = array<i32>} : memref<16x48xf32, #tpu.memory_space<vmem>>, vector<16xf32>,
        tpu.vector_store %arg17[%swap3A_1074, %swap3A_1075], %mul3A_1073 {strides = array<i32>} : memref<16x48xf32, #tpu.memory_space<vmem>>, vector<16xf32>,
        %add3A_1077 = arith.constant 16 : i32
        %add3A_1078 = arith.addi %mul3A_455, %add3A_1077 : i32
        %shift_right_arithmetic3A_1079 = arith.constant 7 : i32
        %shift_right_arithmetic3A_1080 = arith.shrsi %add3A_1078, %shift_right_arithmetic3A_1079 : i32
        %and3A_1081 = arith.constant 127 : i32
        %and3A_1082 = arith.andi %add3A_1078, %and3A_1081 : i32
        %get3A_1083 = arith.constant 2 : i32
        %get3A_1084 = arith.index_cast %get3A_1083 : i32 to index
        %get3A_1085 = arith.index_cast %shift_right_arithmetic3A_1080 : i32 to index
        %get3A_1086 = arith.index_cast %and3A_1082 : i32 to index
        %get3A_1087 = tpu.vector_load %arg9[%get3A_1084, %get3A_1085, %get3A_1086] {strides = array<i32>} : memref<4x6x128xi32, #tpu.memory_space<vmem>>, vector<16xi32>,
        %add3A_1088 = vector.broadcast %add3A_1078 : i32 to vector<16xi32>
        %add3A_1089 = arith.addi %iota3A_439, %add3A_1088 : vector<16xi32>
        %gather3A_1090 = tpu.vector_load_idx %arg13[%add3A_1089, %get3A_1087] : memref<768x16xf32, #tpu.memory_space<vmem>>[vector<16xi32>, vector<16xi32>], vector<16xf32>,
        %mul3A_1091 = arith.mulf %gather3A_1090, %bitcast3A_475 : vector<16xf32>
        %swap3A_1092 = arith.index_cast %scan3A_452 : i32 to index
        %swap3A_1093 = arith.constant 16 : index
        %swap3A_1094 = tpu.vector_load %arg17[%swap3A_1092, %swap3A_1093] {strides = array<i32>} : memref<16x48xf32, #tpu.memory_space<vmem>>, vector<16xf32>,
        tpu.vector_store %arg17[%swap3A_1092, %swap3A_1093], %mul3A_1091 {strides = array<i32>} : memref<16x48xf32, #tpu.memory_space<vmem>>, vector<16xf32>,
        %add3A_1095 = arith.constant 32 : i32
        %add3A_1096 = arith.addi %mul3A_455, %add3A_1095 : i32
        %shift_right_arithmetic3A_1097 = arith.constant 7 : i32
        %shift_right_arithmetic3A_1098 = arith.shrsi %add3A_1096, %shift_right_arithmetic3A_1097 : i32
        %and3A_1099 = arith.constant 127 : i32
        %and3A_1100 = arith.andi %add3A_1096, %and3A_1099 : i32
        %get3A_1101 = arith.constant 2 : i32
        %get3A_1102 = arith.index_cast %get3A_1101 : i32 to index
        %get3A_1103 = arith.index_cast %shift_right_arithmetic3A_1098 : i32 to index
        %get3A_1104 = arith.index_cast %and3A_1100 : i32 to index
        %get3A_1105 = tpu.vector_load %arg9[%get3A_1102, %get3A_1103, %get3A_1104] {strides = array<i32>} : memref<4x6x128xi32, #tpu.memory_space<vmem>>, vector<16xi32>,
        %add3A_1106 = vector.broadcast %add3A_1096 : i32 to vector<16xi32>
        %add3A_1107 = arith.addi %iota3A_439, %add3A_1106 : vector<16xi32>
        %gather3A_1108 = tpu.vector_load_idx %arg13[%add3A_1107, %get3A_1105] : memref<768x16xf32, #tpu.memory_space<vmem>>[vector<16xi32>, vector<16xi32>], vector<16xf32>,
        %mul3A_1109 = arith.mulf %gather3A_1108, %bitcast3A_487 : vector<16xf32>
        %swap3A_1110 = arith.index_cast %scan3A_452 : i32 to index
        %swap3A_1111 = arith.constant 32 : index
        %swap3A_1112 = tpu.vector_load %arg17[%swap3A_1110, %swap3A_1111] {strides = array<i32>} : memref<16x48xf32, #tpu.memory_space<vmem>>, vector<16xf32>,
        tpu.vector_store %arg17[%swap3A_1110, %swap3A_1111], %mul3A_1109 {strides = array<i32>} : memref<16x48xf32, #tpu.memory_space<vmem>>, vector<16xf32>,
        %scan3A_1113 = arith.constant 0 : i32
        scf.yield %scan3A_1113 : i32
      }
      %scan3A_446 = arith.constant 16 : i32
      %mul3A_447 = arith.constant 16 : i32
      %mul3A_448 = arith.muli %add3A_438, %mul3A_447 : i32
      "tpu.region"() ({
        %run_scoped3A = tpu.sem_alloc : memref<!tpu.dma_semaphore, #tpu.memory_space<semaphore_mem>>
        %dma_start3A_452 = arith.constant 0 : i32
        %dma_start3A_453 = tpu.memref_slice %arg6[%mul3A_448, %dma_start3A_452] : memref<16384x448xf32, #tpu.memory_space<hbm>> -> memref<16x448xf32, #tpu.memory_space<hbm>>
        %dma_start3A_454 = arith.constant 0 : i32
        %dma_start3A_455 = tpu.memref_slice %arg6[%mul3A_448, %dma_start3A_454] : memref<16384x448xf32, #tpu.memory_space<hbm>> -> memref<16x448xf32, #tpu.memory_space<hbm>>
        tpu.enqueue_dma source(%arg15 : memref<16x448xf32, #tpu.memory_space<vmem>>) target(%dma_start3A_455 : memref<16x448xf32, #tpu.memory_space<hbm>>) target_semaphore(%run_scoped3A : memref<!tpu.dma_semaphore, #tpu.memory_space<semaphore_mem>>)
        %dma_wait3A_456 = arith.constant 0 : i32
        %dma_wait3A_457 = tpu.memref_slice %arg6[%mul3A_448, %dma_wait3A_456] : memref<16384x448xf32, #tpu.memory_space<hbm>> -> memref<16x448xf32, #tpu.memory_space<hbm>>
        %dma_wait3A_458 = arith.constant 0 : i32
        %dma_wait3A_459 = tpu.memref_slice %arg6[%mul3A_448, %dma_wait3A_458] : memref<16384x448xf32, #tpu.memory_space<hbm>> -> memref<16x448xf32, #tpu.memory_space<hbm>>
        tpu.wait_dma2 semaphore(%run_scoped3A : memref<!tpu.dma_semaphore, #tpu.memory_space<semaphore_mem>>) src(%arg15 : memref<16x448xf32, #tpu.memory_space<vmem>>) dst(%dma_wait3A_459 : memref<16x448xf32, #tpu.memory_space<hbm>>)
        tpu.yield
      }) : () -> ()
      %mul3A_449 = arith.constant 16 : i32
      %mul3A_450 = arith.muli %add3A_438, %mul3A_449 : i32
      "tpu.region"() ({
        %run_scoped3A = tpu.sem_alloc : memref<!tpu.dma_semaphore, #tpu.memory_space<semaphore_mem>>
        %dma_start3A_452 = arith.constant 0 : i32
        %dma_start3A_453 = tpu.memref_slice %arg7[%mul3A_450, %dma_start3A_452] : memref<16384x48xf32, #tpu.memory_space<hbm>> -> memref<16x48xf32, #tpu.memory_space<hbm>>
        %dma_start3A_454 = arith.constant 0 : i32
        %dma_start3A_455 = tpu.memref_slice %arg7[%mul3A_450, %dma_start3A_454] : memref<16384x48xf32, #tpu.memory_space<hbm>> -> memref<16x48xf32, #tpu.memory_space<hbm>>
        tpu.enqueue_dma source(%arg17 : memref<16x48xf32, #tpu.memory_space<vmem>>) target(%dma_start3A_455 : memref<16x48xf32, #tpu.memory_space<hbm>>) target_semaphore(%run_scoped3A : memref<!tpu.dma_semaphore, #tpu.memory_space<semaphore_mem>>)
        %dma_wait3A_456 = arith.constant 0 : i32
        %dma_wait3A_457 = tpu.memref_slice %arg7[%mul3A_450, %dma_wait3A_456] : memref<16384x48xf32, #tpu.memory_space<hbm>> -> memref<16x48xf32, #tpu.memory_space<hbm>>
        %dma_wait3A_458 = arith.constant 0 : i32
        %dma_wait3A_459 = tpu.memref_slice %arg7[%mul3A_450, %dma_wait3A_458] : memref<16384x48xf32, #tpu.memory_space<hbm>> -> memref<16x48xf32, #tpu.memory_space<hbm>>
        tpu.wait_dma2 semaphore(%run_scoped3A : memref<!tpu.dma_semaphore, #tpu.memory_space<semaphore_mem>>) src(%arg17 : memref<16x48xf32, #tpu.memory_space<vmem>>) dst(%dma_wait3A_459 : memref<16x48xf32, #tpu.memory_space<hbm>>)
        tpu.yield
      }) : () -> ()
      %scan3A_451 = arith.constant 0 : i32
      scf.yield %scan3A_451 : i32
    }
    %scan3A_141 = arith.constant 16 : i32
    return
  }
}

module attributes {stable_mosaic.version = 14 : i64} {
  func.func @_mlp_body(%arg0: i32, %arg1: memref<1024x448xf32, #tpu.memory_space<vmem>>, %arg2: memref<1024x48xf32, #tpu.memory_space<vmem>>, %arg3: memref<256x448xf32, #tpu.memory_space<vmem>>, %arg4: memref<1x256xf32, #tpu.memory_space<vmem>>, %arg5: memref<128x256xf32, #tpu.memory_space<vmem>>, %arg6: memref<1x128xf32, #tpu.memory_space<vmem>>, %arg7: memref<128x1xf32, #tpu.memory_space<vmem>>, %arg8: memref<1x1xf32, #tpu.memory_space<smem>>, %arg9: memref<1024x1xf32, #tpu.memory_space<vmem>>) attributes {dimension_semantics = [#tpu.dimension_semantics<arbitrary>], iteration_bounds = array<i64: 16>, scalar_prefetch = 0 : i64, scratch_operands = 0 : i64, tpu.core_type = #tpu.core_type<tc>, window_params = [{transform_indices = @transform_0, window_bounds = array<i64: 1024, 448>}, {transform_indices = @transform_1, window_bounds = array<i64: 1024, 48>}, {pipeline_mode = #tpu.pipeline_mode<synchronous>, transform_indices = @transform_2, window_bounds = array<i64: 256, 448>}, {pipeline_mode = #tpu.pipeline_mode<synchronous>, transform_indices = @transform_3, window_bounds = array<i64: 1, 256>}, {pipeline_mode = #tpu.pipeline_mode<synchronous>, transform_indices = @transform_4, window_bounds = array<i64: 128, 256>}, {pipeline_mode = #tpu.pipeline_mode<synchronous>, transform_indices = @transform_5, window_bounds = array<i64: 1, 128>}, {pipeline_mode = #tpu.pipeline_mode<synchronous>, transform_indices = @transform_6, window_bounds = array<i64: 128, 1>}, {transform_indices = @transform_7, window_bounds = array<i64: 1, 1>}, {transform_indices = @transform_8, window_bounds = array<i64: 1024, 1>}]} {
    %get3A = arith.constant 0 : index
    %get3A_0 = arith.constant 0 : index
    %get3A_1 = vector.load %arg1[%get3A, %get3A_0] : memref<1024x448xf32, #tpu.memory_space<vmem>>, vector<1024x448xf32>
    %get3A_2 = arith.constant 0 : index
    %get3A_3 = arith.constant 0 : index
    %get3A_4 = vector.load %arg3[%get3A_2, %get3A_3] : memref<256x448xf32, #tpu.memory_space<vmem>>, vector<256x448xf32>
    %dot_general3A = arith.constant dense<0.000000e+00> : vector<1024x256xf32>
    %dot_general3A_5 = tpu.matmul %get3A_1, %get3A_4, %dot_general3A {dimension_numbers = #tpu.dot_dimension_numbers<[1], [1], [0], [0], [0, 0, 1, 0], [], []>, precision = #tpu.contract_precision<fp32>, transpose_lhs_hint = false} : vector<1024x448xf32>, vector<256x448xf32>, vector<1024x256xf32> -> vector<1024x256xf32>
    %get3A_6 = arith.constant 0 : index
    %get3A_7 = arith.constant 0 : index
    %get3A_8 = vector.load %arg4[%get3A_6, %get3A_7] : memref<1x256xf32, #tpu.memory_space<vmem>>, vector<1x256xf32>
    %add3A = vector.broadcast %get3A_8 : vector<1x256xf32> to vector<1024x256xf32>
    %add3A_9 = arith.addf %dot_general3A_5, %add3A : vector<1024x256xf32>
    %ge3A = arith.constant 0.000000e+00 : f32
    %ge3A_10 = vector.broadcast %ge3A : f32 to vector<1024x256xf32>
    %ge3A_11 = arith.cmpf oge, %add3A_9, %ge3A_10 : vector<1024x256xf32>
    %mul3A = arith.constant 0.00999999977 : f32
    %mul3A_12 = vector.broadcast %mul3A : f32 to vector<1024x256xf32>
    %mul3A_13 = arith.mulf %mul3A_12, %add3A_9 : vector<1024x256xf32>
    %select_n3A = arith.select %ge3A_11, %add3A_9, %mul3A_13 : vector<1024x256xi1>, vector<1024x256xf32>
    %get3A_14 = arith.constant 0 : index
    %get3A_15 = arith.constant 0 : index
    %get3A_16 = vector.load %arg5[%get3A_14, %get3A_15] : memref<128x256xf32, #tpu.memory_space<vmem>>, vector<128x256xf32>
    %dot_general3A_17 = arith.constant dense<0.000000e+00> : vector<1024x128xf32>
    %dot_general3A_18 = tpu.matmul %select_n3A, %get3A_16, %dot_general3A_17 {dimension_numbers = #tpu.dot_dimension_numbers<[1], [1], [0], [0], [0, 0, 1, 0], [], []>, precision = #tpu.contract_precision<fp32>, transpose_lhs_hint = false} : vector<1024x256xf32>, vector<128x256xf32>, vector<1024x128xf32> -> vector<1024x128xf32>
    %get3A_19 = arith.constant 0 : index
    %get3A_20 = arith.constant 0 : index
    %get3A_21 = vector.load %arg6[%get3A_19, %get3A_20] : memref<1x128xf32, #tpu.memory_space<vmem>>, vector<1x128xf32>
    %add3A_22 = vector.broadcast %get3A_21 : vector<1x128xf32> to vector<1024x128xf32>
    %add3A_23 = arith.addf %dot_general3A_18, %add3A_22 : vector<1024x128xf32>
    %ge3A_24 = arith.constant 0.000000e+00 : f32
    %ge3A_25 = vector.broadcast %ge3A_24 : f32 to vector<1024x128xf32>
    %ge3A_26 = arith.cmpf oge, %add3A_23, %ge3A_25 : vector<1024x128xf32>
    %mul3A_27 = arith.constant 0.00999999977 : f32
    %mul3A_28 = vector.broadcast %mul3A_27 : f32 to vector<1024x128xf32>
    %mul3A_29 = arith.mulf %mul3A_28, %add3A_23 : vector<1024x128xf32>
    %select_n3A_30 = arith.select %ge3A_26, %add3A_23, %mul3A_29 : vector<1024x128xi1>, vector<1024x128xf32>
    %get3A_31 = arith.constant 0 : index
    %get3A_32 = arith.constant 0 : index
    %get3A_33 = vector.load %arg7[%get3A_31, %get3A_32] : memref<128x1xf32, #tpu.memory_space<vmem>>, vector<128x1xf32>
    %dot_general3A_34 = arith.constant dense<0.000000e+00> : vector<1024x1xf32>
    %dot_general3A_35 = tpu.matmul %select_n3A_30, %get3A_33, %dot_general3A_34 {dimension_numbers = #tpu.dot_dimension_numbers<[1], [0], [0], [1], [0, 0, 1, 1], [], []>, precision = #tpu.contract_precision<fp32>, transpose_lhs_hint = false} : vector<1024x128xf32>, vector<128x1xf32>, vector<1024x1xf32> -> vector<1024x1xf32>
    %get3A_36 = arith.constant 0 : index
    %get3A_37 = arith.constant 0 : index
    %get3A_38 = vector.load %arg2[%get3A_36, %get3A_37] : memref<1024x48xf32, #tpu.memory_space<vmem>>, vector<1024x48xf32>
    %reduce_sum3A = arith.constant dense<0.000000e+00> : vector<1024xf32>
    %reduce_sum3A_39 = vector.multi_reduction <add>, %get3A_38, %reduce_sum3A [1] : vector<1024x48xf32> to vector<1024xf32>
    %broadcast_in_dim3A = vector.shape_cast %reduce_sum3A_39 : vector<1024xf32> to vector<1024x1xf32>
    %mul3A_40 = arith.constant 1.600000e+01 : f32
    %mul3A_41 = vector.broadcast %mul3A_40 : f32 to vector<1024x1xf32>
    %mul3A_42 = arith.mulf %mul3A_41, %broadcast_in_dim3A : vector<1024x1xf32>
    %get3A_43 = arith.constant 0 : index
    %get3A_44 = arith.constant 0 : index
    %get3A_45 = memref.load %arg8[%get3A_43, %get3A_44] : memref<1x1xf32, #tpu.memory_space<smem>>
    %add3A_46 = vector.broadcast %get3A_45 : f32 to vector<1024x1xf32>
    %add3A_47 = arith.addf %dot_general3A_35, %add3A_46 : vector<1024x1xf32>
    %add3A_48 = arith.addf %add3A_47, %mul3A_42 : vector<1024x1xf32>
    %logistic3A = arith.negf %add3A_48 : vector<1024x1xf32>
    %logistic3A_49 = math.exp %logistic3A : vector<1024x1xf32>
    %logistic3A_50 = arith.constant 1.000000e+00 : f32
    %logistic3A_51 = vector.broadcast %logistic3A_50 : f32 to vector<1024x1xf32>
    %logistic3A_52 = arith.addf %logistic3A_51, %logistic3A_49 : vector<1024x1xf32>
    %logistic3A_53 = arith.divf %logistic3A_51, %logistic3A_52 : vector<1024x1xf32>
    %swap3A = arith.constant 0 : index
    %swap3A_54 = arith.constant 0 : index
    %swap3A_55 = vector.load %arg9[%swap3A, %swap3A_54] : memref<1024x1xf32, #tpu.memory_space<vmem>>, vector<1024x1xf32>
    tpu.vector_store %arg9[%swap3A, %swap3A_54], %logistic3A_53 {strides = array<i32>} : memref<1024x1xf32, #tpu.memory_space<vmem>>, vector<1024x1xf32>,
    return
  }
  func.func @transform_0(%arg0: i32) -> (i32, i32) {
    %c0_i32 = arith.constant 0 : i32
    %c0_i32_0 = arith.constant 0 : i32
    return %arg0, %c0_i32 : i32, i32
  }
  func.func @transform_1(%arg0: i32) -> (i32, i32) {
    %c0_i32 = arith.constant 0 : i32
    %c0_i32_0 = arith.constant 0 : i32
    return %arg0, %c0_i32 : i32, i32
  }
  func.func @transform_2(%arg0: i32) -> (i32, i32) {
    %c0_i32 = arith.constant 0 : i32
    %c0_i32_0 = arith.constant 0 : i32
    %c0_i32_1 = arith.constant 0 : i32
    return %c0_i32, %c0_i32_0 : i32, i32
  }
  func.func @transform_3(%arg0: i32) -> (i32, i32) {
    %c0_i32 = arith.constant 0 : i32
    %c0_i32_0 = arith.constant 0 : i32
    %c0_i32_1 = arith.constant 0 : i32
    return %c0_i32, %c0_i32_0 : i32, i32
  }
  func.func @transform_4(%arg0: i32) -> (i32, i32) {
    %c0_i32 = arith.constant 0 : i32
    %c0_i32_0 = arith.constant 0 : i32
    %c0_i32_1 = arith.constant 0 : i32
    return %c0_i32, %c0_i32_0 : i32, i32
  }
  func.func @transform_5(%arg0: i32) -> (i32, i32) {
    %c0_i32 = arith.constant 0 : i32
    %c0_i32_0 = arith.constant 0 : i32
    %c0_i32_1 = arith.constant 0 : i32
    return %c0_i32, %c0_i32_0 : i32, i32
  }
  func.func @transform_6(%arg0: i32) -> (i32, i32) {
    %c0_i32 = arith.constant 0 : i32
    %c0_i32_0 = arith.constant 0 : i32
    %c0_i32_1 = arith.constant 0 : i32
    return %c0_i32, %c0_i32_0 : i32, i32
  }
  func.func @transform_7(%arg0: i32) -> (i32, i32) {
    %c0_i32 = arith.constant 0 : i32
    %c0_i32_0 = arith.constant 0 : i32
    %c0_i32_1 = arith.constant 0 : i32
    return %c0_i32, %c0_i32_0 : i32, i32
  }
  func.func @transform_8(%arg0: i32) -> (i32, i32) {
    %c0_i32 = arith.constant 0 : i32
    %c0_i32_0 = arith.constant 0 : i32
    return %arg0, %c0_i32 : i32, i32
  }
}

</mosaic_0001>

<sc_bundles>
// kernel: kernel.4.cloned.1.call-start
scs
__scs_entry_jumppad:
0x0: {  	(pc) =	sbr.rel $0x88, $3  }
0x1: {  	(tag) =	ssettag $0x0;
	lr =	simm.s32 $0x1  }
0x2: {  	[smem:$0x3F95] =	sst lr;
	_ =	strace $0xD0000000  }
0x3: {  	_ = 	snop  }
0x4: {  	_ = 	snop  }
0x5: {  	_ = 	snop  }
0x6: {  	_ = 	snop  }
0x7: {  	_ = 	snop  }
__scs_overlays_trampoline_lowered:
0x8: {  	[smem:$0x3FA4] =	sst s0  }
0x9: {  	[smem:$0x3FA5] =	sst s1  }
0xa: {  	[smem:$0x3FA6] =	sst s2  }
0xb: {  	[smem:$0x3FA7] =	sst s3  }
0xc: {  	[smem:$0x3FA8] =	sst s4  }
0xd: {  	[smem:$0x3FA9] =	sst s5  }
0xe: {  	[smem:$0x3FAA] =	sst s6  }
0xf: {  	[smem:$0x3FAB] =	sst s7  }
0x10: {  	[smem:$0x3FAC] =	sst s8  }
0x11: {  	[smem:$0x3FAD] =	sst s9;
	s0 =	simm.s32 @!p0 $0x0  }
0x12: {  	s1 =	sld [smem:$0x3F93];
	s0 =	simm.s32 @p0 $0x1  }
0x13: {  	[smem:$0x3FAE] =	sst s0;
	s0 =	simm.s32 @!p1 $0x0  }
0x14: {  	s2 =	sld [smem:$0x3F92];
	s0 =	simm.s32 @p1 $0x1  }
0x15: {  	[smem:$0x3FAF] =	sst s0;
	s0 =	simm.s32 @!p2 $0x0  }
0x16: {  	s3 =	sld [smem:$0x3FDB];
	s0 =	simm.s32 @p2 $0x1  }
0x17: {  	s4 =	simm.s32 $0x1BF5;
	[smem:$0x3FB1] =	sst s0  }
0x18: {  	s0 =	sld [smem:$0x3F94];
	_ =	swait.ge [sflag:s4], $0x0  }
0x19: {  	s7 =	sld [smem:$0x3F95]  }
0x1a: {  	s8 =	sadd.s32 $0xFFFFE003, lr  }
0x1b: {  	s9 =	sadd.s32 $0xFFFFFEF7, lr;
	s5 =	simm.s32 $0xFFFFFFFF;
	p2 =	slt.u32 s8, $0xFFFFF086  }
0x1c: {  	p1 =	slt.u32 s9, $0xF7A;
	s5 =	simm.s32 @!p2 $0x0  }
0x1d: {  	s5 =	simm.s32 @p1 $0x1;
	p0 =	seq.s32 s7, s2  }
0x1e: {  	s7 =	smul.u32 @!p0 $0xF7A, s2;
	p2 =	seq.s32 @!p0 s5, $0x0  }
0x1f: {  	s9 =	smul.u32 $0xF7A, s1;
	s8 =	simm.s32 @!p0 $0x1BF5;
	p2 =	por !p2, p0  }
0x20: {  	[sflag:s8] =	ssyncset.s32 @!p0 $0xFFFFF086;
	s6 =	sadd.s32 @!p0 s3, s7;
	s7 =	simm.s32 @!p0 $0x108  }
0x21: {  	s3 =	sadd.s32 s3, s9;
	s6 =	sadd.s32 @!p0 $0x88, s6;
	s7 =	simm.s32 @p2 $0x1082  }
0x22: {  	[simem:s7], [sflag:s8] =	dma.local @!p0 [hbm:s6], $0xF7A  }
0x23: {  	s9 =	sor.u32 $0xD0000000, s2;
	s6 =	simm.s32 $0x108;
	_ =	swait.ge @!p0 [sflag:s8], $0x0  }
0x24: {  	s3 =	sadd.s32 $0x88, s3;
	s6 =	simm.s32 @!p1 $0x1082;
	[sflag:s4] =	ssyncset.s32 $0xFFFFF086  }
0x25: {  	[simem:s6], [sflag:s4] =	dma.local [hbm:s3], $0xF7A  }
0x26: {  	[smem:$0x3F95] =	sst s1;
	(tag) =	ssettag s2;
	_ =	strace s9  }
0x27: {  	s1 =	sld [smem:$0x3FA5]  }
0x28: {  	s2 =	sld [smem:$0x3FA6]  }
0x29: {  	s4 =	sld [smem:$0x3FA8]  }
0x2a: {  	p0 =	seq.s32 s5, $0x0;
	s5 =	sld [smem:$0x3FA9]  }
0x2b: {  	s6 =	sld [smem:$0x3FAA]  }
0x2c: {  	s7 =	sld [smem:$0x3FAB]  }
0x2d: {  	s3 =	simm.s32 $0x108;
	s8 =	sld [smem:$0x3FAC]  }
0x2e: {  	s3 =	simm.s32 @!p0 $0x1082;
	s9 =	sld [smem:$0x3FAD]  }
0x2f: {  	lr =	sadd.s32 s0, s3;
	s0 =	sld [smem:$0x3FA4]  }
0x30: {  	s3 =	sld [smem:$0x3FA7]  }
0x31: {  	[smem:$0x3FB0] =	sst s10  }
0x32: {  	s10 =	sld [smem:$0x3FAE];
	_ =	sdelay $0x3  }
0x33: {  	p0 =	seq.s32 s10, $0x1;
	s10 =	sld [smem:$0x3FB0];
	_ =	sdelay $0x3  }
0x34: {  	[smem:$0x3FB0] =	sst s10  }
0x35: {  	s10 =	sld [smem:$0x3FAF];
	_ =	sdelay $0x3  }
0x36: {  	p1 =	seq.s32 s10, $0x1;
	s10 =	sld [smem:$0x3FB0];
	_ =	sdelay $0x3  }
0x37: {  	[smem:$0x3FB0] =	sst s10  }
0x38: {  	s10 =	sld [smem:$0x3FB1]  }
0x39: {  	_ = 	snop;
	(pc) =	sbr.ind lr, $3  }
0x3a: {  	_ = 	snop  }
0x3b: {  	_ = 	snop  }
0x3c: {  	p2 =	seq.s32 s10, $0x1;
	s10 =	sld [smem:$0x3FB0]  }
0x3d: {  	_ =	shalt  }
0x3e: {  	_ =	shalt  }
0x3f: {  	_ =	shalt  }
0x40: {  	_ =	shalt  }
0x41: {  	_ =	shalt  }
0x42: {  	_ =	shalt  }
0x43: {  	_ =	shalt  }
0x44: {  	_ =	shalt  }
0x45: {  	_ =	shalt  }
0x46: {  	_ =	shalt  }
0x47: {  	_ =	shalt  }
0x48: {  	_ =	shalt  }
0x49: {  	_ =	shalt  }
0x4a: {  	_ =	shalt  }
0x4b: {  	_ =	shalt  }
0x4c: {  	_ =	shalt  }
0x4d: {  	_ =	shalt  }
0x4e: {  	_ =	shalt  }
0x4f: {  	_ =	shalt  }
0x50: {  	_ =	shalt  }
0x51: {  	_ =	shalt  }
0x52: {  	_ =	shalt  }
0x53: {  	_ =	shalt  }
0x54: {  	_ =	shalt  }
0x55: {  	_ =	shalt  }
0x56: {  	_ =	shalt  }
0x57: {  	_ =	shalt  }
0x58: {  	_ =	shalt  }
0x59: {  	_ =	shalt  }
0x5a: {  	_ =	shalt  }
0x5b: {  	_ =	shalt  }
0x5c: {  	_ =	shalt  }
0x5d: {  	_ =	shalt  }
0x5e: {  	_ =	shalt  }
0x5f: {  	_ =	shalt  }
0x60: {  	_ =	shalt  }
0x61: {  	_ =	shalt  }
0x62: {  	_ =	shalt  }
0x63: {  	_ =	shalt  }
0x64: {  	_ =	shalt  }
0x65: {  	_ =	shalt  }
0x66: {  	_ =	shalt  }
0x67: {  	_ =	shalt  }
0x68: {  	_ =	shalt  }
0x69: {  	_ =	shalt  }
0x6a: {  	_ =	shalt  }
0x6b: {  	_ =	shalt  }
0x6c: {  	_ =	shalt  }
0x6d: {  	_ =	shalt  }
0x6e: {  	_ =	shalt  }
0x6f: {  	_ =	shalt  }
0x70: {  	_ =	shalt  }
0x71: {  	_ =	shalt  }
0x72: {  	_ =	shalt  }
0x73: {  	_ =	shalt  }
0x74: {  	_ =	shalt  }
0x75: {  	_ =	shalt  }
0x76: {  	_ =	shalt  }
0x77: {  	_ =	shalt  }
0x78: {  	_ =	shalt  }
0x79: {  	_ =	shalt  }
0x7a: {  	_ =	shalt  }
0x7b: {  	_ =	shalt  }
0x7c: {  	_ =	shalt  }
0x7d: {  	_ =	shalt  }
0x7e: {  	_ =	shalt  }
0x7f: {  	_ =	shalt  }
0x80: {  	_ =	shalt  }
0x81: {  	_ =	shalt  }
0x82: {  	_ =	shalt  }
0x83: {  	_ =	shalt  }
0x84: {  	_ =	shalt  }
0x85: {  	_ =	shalt  }
0x86: {  	_ =	shalt  }
0x87: {  	_ =	shalt  }
.Lfunc_end0:
.L_simem_size_0:
called_computation_lowered:
.L_overlay_start_0:
0x88: {  	s2 =	sld [smem:$0x3FD9]  }
0x89: {  	s3 =	sld [smem:$0x3FFE];
	_ =	sdelay $0x1  }
0x8a: {  	s1 =	srdreg.scid  }
0x8b: {  	s0 =	sand.u32 $0x1, s1  }
0x8c: {  	s16 =	sshll.u32 s0, $0xA;
	s2 =	sadd.s32 s3, s2  }
0x8d: {  	s2 =	sadd.s32 s2, s16  }
0x8e: {  	[smem:$0x3FBC] =	sst s2  }
0x8f: {  	_ = 	snop  }
0x90: {  	(tm) =	ssettm $0x1  }
0x91: {  	s17 =	sld [smem:$0x3FFB];
	_ =	sdelay $0x3  }
0x92: {  	_ =	strace s17  }
0x93: {  	s2 =	sld [smem:$0x3FFC];
	_ =	sdelay $0x3  }
0x94: {  	_ =	strace s2  }
0x95: {  	s2 =	sld [smem:$0x3FFD];
	_ =	sdelay $0x3  }
0x96: {  	_ =	strace s2  }
0x97: {  	_ =	strace $0x8FFFFFFF  }
0x98: {  	s18 =	sld [smem:$0x3FDB];
	_ =	sdelay $0x1  }
0x99: {  	s19 =	simm.s32 $_scs_section_size  }
0x9a: {  	s4 =	simm.s32 $_size__tile_overlayer_lowered;
	s5 =	simm.s32 $_tile_overlayer_lowered  }
0x9b: {  	s22 =	simm.s32 $0x1BFF;
	s21 =	sshll.u32 s5, $0x1;
	s2 =	sadd.s32 s19, s18  }
0x9c: {  	s6 =	simm.s32 $0x0;
	s20 =	sshll.u32 s4, $0x1;
	s4 =	sadd.s32 s21, s2  }
0x9d: {  	[timem:s6], [sflag:s22] =	dma.local [hbm:s4], s20  }
0x9e: {  	_ =	swait.ge [sflag:s22], s20  }
0x9f: {  	s3 =	ssub.s32 $0x0, s20;
	[sflag:s22] =	ssyncset.done $0x0  }
0xa0: {  	[sflag:s22] =	ssyncadd.s32 s3;
	_ =	sdelay $0x1  }
0xa1: {  	s23 =	simm.s32 $0x1B8B  }
0xa2: {  	_ =	swait.ge [sflag:s23], $0x1  }
0xa3: {  	[sflag:s23] =	ssyncset.done $0x0  }
0xa4: {  	s25 =	simm.s32 $0x1B8E;
	s24 =	sld [smem:$0x3FFE];
	[sflag:s23] =	ssyncadd.s32 $0xFFFFFFFF  }
0xa5: {  	s26 =	simm.s32 $execute0_lowered;
	[smem:$0x3FD2] =	sst s25  }
0xa6: {  	s4 =	sshll.u32 s26, $0x1;
	_ =	strace $0x80000046;
	[dreg:$0x1] =	wrdreg $0xFFFFFFFF  }
0xa7: {  	s28 =	simm.s32 $_size_execute0_lowered;
	s2 =	sadd.s32 s2, s4;
	[dreg:$0x0] =	wrdreg $0x0  }
0xa8: {  	s4 =	sshll.u32 s28, $0x1;
	[dreg:$0x2] =	wrdreg s2  }
0xa9: {  	[dreg:$0x3] =	wrdreg s4  }
0xaa: {  	[dreg:$0x4] =	wrdreg $0xC0  }
0xab: {  	_ =	task [dreg:s6], $0x5FFFF  }
0xac: {  	[dreg:$0x1] =	wrdreg $0xFFFFFFFF  }
0xad: {  	[dreg:$0x0] =	wrdreg $0x60  }
0xae: {  	[dreg:$0x2] =	wrdreg s24  }
0xaf: {  	[dreg:$0x3] =	wrdreg $0x9  }
0xb0: {  	_ =	task.clear_ibuf [dreg:s6], $0x4FFFF;
	_ =	strace $0x90000046  }
0xb1: {  	s29 =	simm.s32 $0x9;
	_ =	strace $0x80000048  }
0xb2: {  	_ =	swait.ge [sflag:s29], $0x1  }
0xb3: {  	[sflag:s29] =	ssyncadd.s32 $0xFFFFFFFF  }
0xb4: {  	_ =	strace $0x90000048  }
0xb5: {  	_ =	sfence  }
0xb6: {  	s30 =	sld [smem:$0x0];
	_ =	sdelay $0x2  }
0xb7: {  	s31 =	sshll.u32 s1, $0xD;
	s1 =	sshrl.u32 s1, $0x2  }
0xb8: {  	s3 =	sand.u32 $0x4000, s31;
	s1 =	sadd.s32 s1, s30  }
0xb9: {  	s0 =	sor.u32 s3, s0;
	s1 =	sshll.u32 s1, $0x11  }
0xba: {  	s0 =	sor.u32 s1, s0  }
0xbb: {  	s0 =	sadd.s32 $0x8F2B, s0  }
0xbc: {  	[sflag:s0] =	ssyncadd.remote.s32 $0x1  }
0xbd: {  	_ =	sfence.sel $0xFFFF  }
0xbe: {  	[dreg:$0x0] =	wrdreg $0xFFFFFFFF;
	(pc) =	sbr.abs _section_cstart, $3  }
0xbf: {  	[dreg:$0x1] =	wrdreg $0xFFFFFFFF  }
0xc0: {  	_ =	task.clear_ibuf [dreg:s6], $0x2FFFF;
	_ =	strace $0x9FFFFFFF  }
0xc1: {  	(tm) =	ssettm $0x7FFFFFFF  }
tec
execute0_lowered:
.L_overlay_start_1:
0x0: {  	(tag) =	ssettag $0x1  }
0x1: {  	s0 =	rddreg [dreg:$0x0];
	s1 =	simm.s32 $0x0;
	s2 =	srdreg.scid  }
0x2: {  	s6 =	stileid.u32;
	s13 =	simm.s32 $0x5;
	s17 =	simm.s32 $0x80  }
0x3: {  	[smem:$0x7FF] =	sst s1;
	s3 =	sadd.s32 $0x1800, s0;
	s4 =	sadd.s32 $0x61800, s0  }
0x4: {  	s5 =	sadd.s32 $0xFA3C00, s0;
	s2 =	sand.u32 $0x1, s2;
	s7 =	sshll.u32 s6, $0x1  }
0x5: {  	s6 =	sadd.s32 $0x69800, s0;
	s9 =	ssub.s32 $0x2, s2;
	s2 =	sor.u32 s2, s7  }
0x6: {  	s8 =	sadd.s32 $0x168200, s0;
	s11 =	smul.u32 $0x3000, s2;
	s19 =	sshll.u32 s2, $0xA  }
0x7: {  	_ =	strace $0x80000047;
	s10 =	sshrl.u32 s9, $0x1;
	s21 =	sadd.s32 s4, s19  }
0x8: {  	s18 =	ssub.s32 s9, s10;
	s20 =	sadd.s32 s3, s11;
	[dreg:$0x3] =	wrdreg s21  }
0x9: {  	s7 =	sadd.s32 $0x88200, s0;
	s0 =	smax.u32 s18, $0x1;
	[dreg:$0x2] =	wrdreg s20  }
0xa: {  	s28 =	simm.s32 $0x4;
	s22 =	sadd.s32 $0x2, s21;
	[dreg:$0x4] =	wrdreg s0  }
0xb: {  	s29 =	simm.s32 $0xF400;
	s23 =	sadd.s32 $0x4, s21;
	[dreg:$0x5] =	wrdreg s22  }
0xc: {  	v0 =	vimm.s32 $0x0;
	v1 =	vimm.s32 $0x1;
	v2 =	vimm.s32 $0x2;
	s30 =	simm.s32 $0x11300;
	s24 =	sadd.s32 $0x6, s21;
	[dreg:$0x6] =	wrdreg s23  }
0xd: {  	v3 =	vimm.s32 $0x3;
	v4 =	vimm.s32 $0x4;
	v5 =	vlaneseq.u32;
	s9 =	sshll.u32 s2, $0x5;
	s25 =	sadd.s32 $0x8, s21;
	[dreg:$0x7] =	wrdreg s24  }
0xe: {  	v6 =	vimm.s32 $0x5;
	v7 =	vimm.s32 $0x6;
	v8 =	vimm.s32 $0x7;
	s2 =	simm.s32 $0x0;
	s26 =	sadd.s32 $0xA, s21;
	[dreg:$0x8] =	wrdreg s25  }
0xf: {  	v9 =	vimm.s32 $0x8;
	v10 =	vimm.s32 $0x9;
	v11 =	vimm.s32 $0xA;
	s31 =	sadd.s32 $0xC, s21;
	s11 =	simm.s32 $0xA800;
	[dreg:$0x9] =	wrdreg s26  }
0x10: {  	v12 =	vimm.s32 $0xB;
	v13 =	vimm.s32 $0xC;
	v14 =	vimm.s32 $0xD;
	s18 =	simm.s32 $0x1;
	[dreg:$0xa] =	wrdreg s31;
	s23 =	simm.s32 $0x7800  }
0x11: {  	v15 =	vimm.s32 $0xE;
	v16 =	vimm.s32 $0xF;
	v5 =	vmul.u32 $0x10, v5;
	s25 =	simm.s32 $0xC00;
	s20 =	simm.s32 $0x3;
	s26 =	simm.s32 $0x2  }
.LBB2_1:
0x12: {  	[dreg:$0xb] =	wrdreg s2  }
0x13: {  	s0 =	rddreg [dreg:$0x2]  }
0x14: {  	[tilespmem:s1], [sflag:$0x5] =	stream.linear.gather [hbm4b:s0+s1], $0xC00, $0x38;
	[tilespmem:$0x11600] =	vst v63  }
0x15: {  	_ =	swait.ge [sflag:s13], $0xC00  }
0x16: {  	[sflag:s13] =	ssyncset.done $0x0  }
0x17: {  	s15 =	simm.s32 $0xD9B0;
	s2 =	rddreg [dreg:$0x3];
	[sflag:s13] =	ssyncadd.s32 $0xFFFFF400  }
0x18: {  	[tilespmem:s15], [sflag:$0x5] =	stream.linear.gather [hbm4b:s2+s1], $0x10, $0x38;
	[tilespmem:$0x11600] =	vst v63  }
0x19: {  	s10 =	simm.s32 $0xDB70;
	s16 =	rddreg [dreg:$0x5]  }
0x1a: {  	[tilespmem:s10], [sflag:$0x5] =	stream.linear.gather [hbm4b:s16+s1], $0x10, $0x38;
	[tilespmem:$0x11600] =	vst v63  }
0x1b: {  	s21 =	simm.s32 $0xDD30;
	s19 =	rddreg [dreg:$0x6]  }
0x1c: {  	[tilespmem:s21], [sflag:$0x5] =	stream.linear.gather [hbm4b:s19+s1], $0x10, $0x38;
	[tilespmem:$0x11600] =	vst v63  }
0x1d: {  	s24 =	simm.s32 $0xDEF0;
	s22 =	rddreg [dreg:$0x7]  }
0x1e: {  	[tilespmem:s24], [sflag:$0x5] =	stream.linear.gather [hbm4b:s22+s1], $0x10, $0x38;
	[tilespmem:$0x11600] =	vst v63  }
0x1f: {  	s14 =	simm.s32 $0xE0B0;
	s12 =	rddreg [dreg:$0x8]  }
0x20: {  	[tilespmem:s14], [sflag:$0x5] =	stream.linear.gather [hbm4b:s12+s1], $0x10, $0x38;
	[tilespmem:$0x11600] =	vst v63  }
0x21: {  	s15 =	rddreg [dreg:$0x9];
	s16 =	simm.s32 $0xE270  }
0x22: {  	[tilespmem:s16], [sflag:$0x5] =	stream.linear.gather [hbm4b:s15+s1], $0x10, $0x38;
	[tilespmem:$0x11600] =	vst v63  }
0x23: {  	s19 =	rddreg [dreg:$0xa];
	s21 =	simm.s32 $0xE430  }
0x24: {  	[tilespmem:s21], [sflag:$0x5] =	stream.linear.gather [hbm4b:s19+s1], $0x10, $0x38;
	[tilespmem:$0x11600] =	vst v63  }
0x25: {  	s22 =	sadd.s32 $0xE, s2;
	s24 =	simm.s32 $0xE5F0  }
0x26: {  	[tilespmem:s24], [sflag:$0x5] =	stream.linear.gather [hbm4b:s22+s1], $0x10, $0x38;
	[tilespmem:$0x11600] =	vst v63  }
0x27: {  	s12 =	sadd.s32 $0x10, s2;
	s14 =	simm.s32 $0xE7B0  }
0x28: {  	[tilespmem:s14], [sflag:$0x5] =	stream.linear.gather [hbm4b:s12+s1], $0x10, $0x38;
	[tilespmem:$0x11600] =	vst v63  }
0x29: {  	s15 =	sadd.s32 $0x12, s2;
	s16 =	simm.s32 $0xE970  }
0x2a: {  	[tilespmem:s16], [sflag:$0x5] =	stream.linear.gather [hbm4b:s15+s1], $0x10, $0x38;
	[tilespmem:$0x11600] =	vst v63  }
0x2b: {  	s19 =	sadd.s32 $0x14, s2;
	s21 =	simm.s32 $0xEB30  }
0x2c: {  	[tilespmem:s21], [sflag:$0x5] =	stream.linear.gather [hbm4b:s19+s1], $0x10, $0x38;
	[tilespmem:$0x11600] =	vst v63  }
0x2d: {  	s22 =	sadd.s32 $0x16, s2;
	s24 =	simm.s32 $0xECF0  }
0x2e: {  	[tilespmem:s24], [sflag:$0x5] =	stream.linear.gather [hbm4b:s22+s1], $0x10, $0x38;
	[tilespmem:$0x11600] =	vst v63  }
0x2f: {  	s10 =	sadd.s32 $0x18, s2;
	s12 =	simm.s32 $0xEEB0  }
0x30: {  	[tilespmem:s12], [sflag:$0x5] =	stream.linear.gather [hbm4b:s10+s1], $0x10, $0x38;
	[tilespmem:$0x11600] =	vst v63  }
0x31: {  	s14 =	sadd.s32 $0x1A, s2;
	s15 =	simm.s32 $0xF070  }
0x32: {  	[tilespmem:s15], [sflag:$0x5] =	stream.linear.gather [hbm4b:s14+s1], $0x10, $0x38;
	[tilespmem:$0x11600] =	vst v63  }
0x33: {  	s16 =	sadd.s32 $0x1C, s2;
	s19 =	simm.s32 $0xF230  }
0x34: {  	[tilespmem:s19], [sflag:$0x5] =	stream.linear.gather [hbm4b:s16+s1], $0x10, $0x38;
	[tilespmem:$0x11600] =	vst v63  }
0x35: {  	s21 =	sadd.s32 $0x1E, s2;
	s22 =	simm.s32 $0xF3F0  }
0x36: {  	[tilespmem:s22], [sflag:$0x5] =	stream.linear.gather [hbm4b:s21+s1], $0x10, $0x38;
	[tilespmem:$0x11600] =	vst v63  }
0x37: {  	_ =	swait.ge [sflag:s13], $0x100  }
0x38: {  	[sflag:s13] =	ssyncset.done $0x0  }
0x39: {  	s24 =	simm.s32 $0x1800;
	[sflag:s13] =	ssyncadd.s32 $0xFFFFFF00  }
0x3a: {  	[tilespmem:s24], [sflag:$0x1] =	stream.indirect.gather [hbm4b:s5+s17], $0x10, s1, s17, $0xb8;
	[tilespmem:$0x11600] =	vst v63  }
0x3b: {  	s2 =	simm.s32 $0x300  }
0x3c: {  	[tilespmem:s23], [sflag:$0x3] =	stream.indirect.gather [hbm4b:s6+s17], $0x10, s2, s17, $0xb8;
	[tilespmem:$0x11600] =	vst v63  }
0x3d: {  	s10 =	simm.s32 $0x2000  }
0x3e: {  	[tilespmem:s10], [sflag:$0x1] =	stream.indirect.gather [hbm4b:s5+s17], $0x10, s17, s17, $0xb8;
	[tilespmem:$0x11600] =	vst v63  }
0x3f: {  	s12 =	simm.s32 $0x380;
	s14 =	simm.s32 $0x8000  }
0x40: {  	[tilespmem:s14], [sflag:$0x3] =	stream.indirect.gather [hbm4b:s6+s17], $0x10, s12, s17, $0xb8;
	[tilespmem:$0x11600] =	vst v63  }
0x41: {  	s15 =	simm.s32 $0x100;
	s16 =	simm.s32 $0x2800  }
0x42: {  	[tilespmem:s16], [sflag:$0x1] =	stream.indirect.gather [hbm4b:s5+s17], $0x10, s15, s17, $0xb8;
	[tilespmem:$0x11600] =	vst v63  }
0x43: {  	s19 =	simm.s32 $0x400;
	s21 =	simm.s32 $0x8800  }
0x44: {  	[tilespmem:s21], [sflag:$0x3] =	stream.indirect.gather [hbm4b:s6+s17], $0x10, s19, s17, $0xb8;
	[tilespmem:$0x11600] =	vst v63  }
0x45: {  	s22 =	simm.s32 $0x180;
	s24 =	simm.s32 $0x3000  }
0x46: {  	[tilespmem:s24], [sflag:$0x1] =	stream.indirect.gather [hbm4b:s5+s17], $0x10, s22, s17, $0xb8;
	[tilespmem:$0x11600] =	vst v63  }
0x47: {  	s2 =	simm.s32 $0x480;
	s10 =	simm.s32 $0x9000  }
0x48: {  	[tilespmem:s10], [sflag:$0x3] =	stream.indirect.gather [hbm4b:s6+s17], $0x10, s2, s17, $0xb8;
	[tilespmem:$0x11600] =	vst v63  }
0x49: {  	s12 =	simm.s32 $0x200;
	s14 =	simm.s32 $0x3800  }
0x4a: {  	[tilespmem:s14], [sflag:$0x1] =	stream.indirect.gather [hbm4b:s5+s17], $0x10, s12, s17, $0xb8;
	[tilespmem:$0x11600] =	vst v63  }
0x4b: {  	s15 =	simm.s32 $0x500;
	s16 =	simm.s32 $0x9800  }
0x4c: {  	[tilespmem:s16], [sflag:$0x3] =	stream.indirect.gather [hbm4b:s6+s17], $0x10, s15, s17, $0xb8;
	[tilespmem:$0x11600] =	vst v63  }
0x4d: {  	s19 =	simm.s32 $0x280;
	s21 =	simm.s32 $0x4000  }
0x4e: {  	[tilespmem:s21], [sflag:$0x1] =	stream.indirect.gather [hbm4b:s5+s17], $0x10, s19, s17, $0xb8;
	[tilespmem:$0x11600] =	vst v63  }
0x4f: {  	s31 =	simm.s32 $0x0;
	s22 =	simm.s32 $0x580;
	s24 =	simm.s32 $0xA000  }
0x50: {  	[tilespmem:s24], [sflag:$0x3] =	stream.indirect.gather [hbm4b:s6+s17], $0x10, s22, s17, $0xb8;
	[tilespmem:$0x11600] =	vst v63  }
.LBB2_2:
0x51: {  	s0 =	sshll.u32 s31, $0x1  }
0x52: {  	s2 =	sor.u32 s9, s0  }
0x53: {  	s10 =	sor.u32 $0x1, s2  }
0x54: {  	s12 =	smul.u32 $0x180, s10;
	_ =	sdelay $0x1  }
0x55: {  	s12 =	sadd.s32 s3, s12  }
0x56: {  	[tilespmem:s25], [sflag:$0x5] =	stream.linear.gather [hbm4b:s12+s1], $0xC00, $0x38;
	[tilespmem:$0x11600] =	vst v63  }
0x57: {  	s10 =	sshll.u32 s10, $0x5;
	_ =	swait.ge [sflag:s13], $0xC00  }
0x58: {  	s10 =	sand.u32 $0x1FFFFFE0, s10;
	[sflag:s13] =	ssyncset.done $0x0  }
0x59: {  	s19 =	simm.s32 $0xF5B0;
	s10 =	sadd.s32 s4, s10;
	[sflag:s13] =	ssyncadd.s32 $0xFFFFF400  }
0x5a: {  	[tilespmem:s19], [sflag:$0x5] =	stream.linear.gather [hbm4b:s10+s1], $0x10, $0x38;
	[tilespmem:$0x11600] =	vst v63  }
0x5b: {  	s14 =	simm.s32 $0xF770;
	s21 =	sadd.s32 $0x2, s10  }
0x5c: {  	[tilespmem:s14], [sflag:$0x5] =	stream.linear.gather [hbm4b:s21+s1], $0x10, $0x38;
	[tilespmem:$0x11600] =	vst v63  }
0x5d: {  	s24 =	simm.s32 $0xF930;
	s22 =	sadd.s32 $0x4, s10  }
0x5e: {  	[tilespmem:s24], [sflag:$0x5] =	stream.linear.gather [hbm4b:s22+s1], $0x10, $0x38;
	[tilespmem:$0x11600] =	vst v63  }
0x5f: {  	s16 =	simm.s32 $0xFAF0;
	s15 =	sadd.s32 $0x6, s10  }
0x60: {  	[tilespmem:s16], [sflag:$0x5] =	stream.linear.gather [hbm4b:s15+s1], $0x10, $0x38;
	[tilespmem:$0x11600] =	vst v63  }
0x61: {  	s19 =	sadd.s32 $0x8, s10;
	s21 =	simm.s32 $0xFCB0  }
0x62: {  	[tilespmem:s21], [sflag:$0x5] =	stream.linear.gather [hbm4b:s19+s1], $0x10, $0x38;
	[tilespmem:$0x11600] =	vst v63  }
0x63: {  	s22 =	sadd.s32 $0xA, s10;
	s24 =	simm.s32 $0xFE70  }
0x64: {  	[tilespmem:s24], [sflag:$0x5] =	stream.linear.gather [hbm4b:s22+s1], $0x10, $0x38;
	[tilespmem:$0x11600] =	vst v63  }
0x65: {  	s15 =	sadd.s32 $0xC, s10;
	s16 =	simm.s32 $0x10030  }
0x66: {  	[tilespmem:s16], [sflag:$0x5] =	stream.linear.gather [hbm4b:s15+s1], $0x10, $0x38;
	[tilespmem:$0x11600] =	vst v63  }
0x67: {  	s19 =	sadd.s32 $0xE, s10;
	s21 =	simm.s32 $0x101F0  }
0x68: {  	[tilespmem:s21], [sflag:$0x5] =	stream.linear.gather [hbm4b:s19+s1], $0x10, $0x38;
	[tilespmem:$0x11600] =	vst v63  }
0x69: {  	s22 =	sadd.s32 $0x10, s10;
	s24 =	simm.s32 $0x103B0  }
0x6a: {  	[tilespmem:s24], [sflag:$0x5] =	stream.linear.gather [hbm4b:s22+s1], $0x10, $0x38;
	[tilespmem:$0x11600] =	vst v63  }
0x6b: {  	s15 =	sadd.s32 $0x12, s10;
	s16 =	simm.s32 $0x10570  }
0x6c: {  	[tilespmem:s16], [sflag:$0x5] =	stream.linear.gather [hbm4b:s15+s1], $0x10, $0x38;
	[tilespmem:$0x11600] =	vst v63  }
0x6d: {  	s19 =	sadd.s32 $0x14, s10;
	s21 =	simm.s32 $0x10730  }
0x6e: {  	[tilespmem:s21], [sflag:$0x5] =	stream.linear.gather [hbm4b:s19+s1], $0x10, $0x38;
	[tilespmem:$0x11600] =	vst v63  }
0x6f: {  	s22 =	sadd.s32 $0x16, s10;
	s24 =	simm.s32 $0x108F0  }
0x70: {  	[tilespmem:s24], [sflag:$0x5] =	stream.linear.gather [hbm4b:s22+s1], $0x10, $0x38;
	[tilespmem:$0x11600] =	vst v63  }
0x71: {  	s15 =	sadd.s32 $0x18, s10;
	s16 =	simm.s32 $0x10AB0  }
0x72: {  	[tilespmem:s16], [sflag:$0x5] =	stream.linear.gather [hbm4b:s15+s1], $0x10, $0x38;
	[tilespmem:$0x11600] =	vst v63  }
0x73: {  	s19 =	sadd.s32 $0x1A, s10;
	s21 =	simm.s32 $0x10C70  }
0x74: {  	[tilespmem:s21], [sflag:$0x5] =	stream.linear.gather [hbm4b:s19+s1], $0x10, $0x38;
	[tilespmem:$0x11600] =	vst v63  }
0x75: {  	s22 =	sadd.s32 $0x1C, s10;
	s24 =	simm.s32 $0x10E30  }
0x76: {  	[tilespmem:s24], [sflag:$0x5] =	stream.linear.gather [hbm4b:s22+s1], $0x10, $0x38;
	[tilespmem:$0x11600] =	vst v63  }
0x77: {  	s14 =	simm.s32 $0x10FF0;
	s10 =	sadd.s32 $0x1E, s10  }
0x78: {  	[tilespmem:s14], [sflag:$0x5] =	stream.linear.gather [hbm4b:s10+s1], $0x10, $0x38;
	[tilespmem:$0x11600] =	vst v63  }
0x79: {  	_ =	swait.ge [sflag:s13], $0x100  }
0x7a: {  	[sflag:s13] =	ssyncset.done $0x0  }
0x7b: {  	s15 =	simm.s32 $0x4800;
	[sflag:s13] =	ssyncadd.s32 $0xFFFFFF00  }
0x7c: {  	[tilespmem:s15], [sflag:$0x2] =	stream.indirect.gather [hbm4b:s5+s17], $0x10, s25, s17, $0xb8;
	[tilespmem:$0x11600] =	vst v63  }
0x7d: {  	s16 =	simm.s32 $0xF00  }
0x7e: {  	[tilespmem:s11], [sflag:$0x4] =	stream.indirect.gather [hbm4b:s6+s17], $0x10, s16, s17, $0xb8;
	[tilespmem:$0x11600] =	vst v63  }
0x7f: {  	s19 =	simm.s32 $0xC80;
	s21 =	simm.s32 $0x5000  }
0x80: {  	[tilespmem:s21], [sflag:$0x2] =	stream.indirect.gather [hbm4b:s5+s17], $0x10, s19, s17, $0xb8;
	[tilespmem:$0x11600] =	vst v63  }
0x81: {  	s22 =	simm.s32 $0xF80;
	s24 =	simm.s32 $0xB000  }
0x82: {  	[tilespmem:s24], [sflag:$0x4] =	stream.indirect.gather [hbm4b:s6+s17], $0x10, s22, s17, $0xb8;
	[tilespmem:$0x11600] =	vst v63  }
0x83: {  	s12 =	simm.s32 $0xD00;
	s14 =	simm.s32 $0x5800  }
0x84: {  	[tilespmem:s14], [sflag:$0x2] =	stream.indirect.gather [hbm4b:s5+s17], $0x10, s12, s17, $0xb8;
	[tilespmem:$0x11600] =	vst v63  }
0x85: {  	s15 =	simm.s32 $0x1000;
	s16 =	simm.s32 $0xB800  }
0x86: {  	[tilespmem:s16], [sflag:$0x4] =	stream.indirect.gather [hbm4b:s6+s17], $0x10, s15, s17, $0xb8;
	[tilespmem:$0x11600] =	vst v63  }
0x87: {  	s19 =	simm.s32 $0xD80;
	s21 =	simm.s32 $0x6000  }
0x88: {  	[tilespmem:s21], [sflag:$0x2] =	stream.indirect.gather [hbm4b:s5+s17], $0x10, s19, s17, $0xb8;
	[tilespmem:$0x11600] =	vst v63  }
0x89: {  	s22 =	simm.s32 $0x1080;
	s24 =	simm.s32 $0xC000  }
0x8a: {  	[tilespmem:s24], [sflag:$0x4] =	stream.indirect.gather [hbm4b:s6+s17], $0x10, s22, s17, $0xb8;
	[tilespmem:$0x11600] =	vst v63  }
0x8b: {  	s12 =	simm.s32 $0xE00;
	s14 =	simm.s32 $0x6800  }
0x8c: {  	[tilespmem:s14], [sflag:$0x2] =	stream.indirect.gather [hbm4b:s5+s17], $0x10, s12, s17, $0xb8;
	[tilespmem:$0x11600] =	vst v63  }
0x8d: {  	s15 =	simm.s32 $0x1100;
	s16 =	simm.s32 $0xC800  }
0x8e: {  	[tilespmem:s16], [sflag:$0x4] =	stream.indirect.gather [hbm4b:s6+s17], $0x10, s15, s17, $0xb8;
	[tilespmem:$0x11600] =	vst v63  }
0x8f: {  	s19 =	simm.s32 $0xE80;
	s21 =	simm.s32 $0x7000  }
0x90: {  	[tilespmem:s21], [sflag:$0x2] =	stream.indirect.gather [hbm4b:s5+s17], $0x10, s19, s17, $0xb8;
	[tilespmem:$0x11600] =	vst v63  }
0x91: {  	s22 =	simm.s32 $0x1180;
	s24 =	simm.s32 $0xD000  }
0x92: {  	[tilespmem:s24], [sflag:$0x4] =	stream.indirect.gather [hbm4b:s6+s17], $0x10, s22, s17, $0xb8;
	[tilespmem:$0x11600] =	vst v63  }
0x93: {  	_ =	swait.ge [sflag:s18], $0x800  }
0x94: {  	[sflag:s18] =	ssyncset.done $0x0  }
0x95: {  	[sflag:s18] =	ssyncadd.s32 $0xFFFFF800  }
0x96: {  	_ =	swait.ge [sflag:s20], $0x800  }
0x97: {  	[sflag:s20] =	ssyncset.done $0x0  }
0x98: {  	[sflag:s20] =	ssyncadd.s32 $0xFFFFF800  }
0x99: {  	_ =	swait.ge [sflag:s18], $0x800  }
0x9a: {  	[sflag:s18] =	ssyncset.done $0x0  }
0x9b: {  	[sflag:s18] =	ssyncadd.s32 $0xFFFFF800  }
0x9c: {  	_ =	swait.ge [sflag:s20], $0x800  }
0x9d: {  	[sflag:s20] =	ssyncset.done $0x0  }
0x9e: {  	[sflag:s20] =	ssyncadd.s32 $0xFFFFF800  }
0x9f: {  	_ =	swait.ge [sflag:s18], $0x800  }
0xa0: {  	[sflag:s18] =	ssyncset.done $0x0  }
0xa1: {  	[sflag:s18] =	ssyncadd.s32 $0xFFFFF800  }
0xa2: {  	_ =	swait.ge [sflag:s20], $0x800  }
0xa3: {  	[sflag:s20] =	ssyncset.done $0x0  }
0xa4: {  	[sflag:s20] =	ssyncadd.s32 $0xFFFFF800  }
0xa5: {  	_ =	swait.ge [sflag:s18], $0x800  }
0xa6: {  	[sflag:s18] =	ssyncset.done $0x0  }
0xa7: {  	[sflag:s18] =	ssyncadd.s32 $0xFFFFF800  }
0xa8: {  	_ =	swait.ge [sflag:s20], $0x800  }
0xa9: {  	[sflag:s20] =	ssyncset.done $0x0  }
0xaa: {  	[sflag:s20] =	ssyncadd.s32 $0xFFFFF800  }
0xab: {  	_ =	swait.ge [sflag:s18], $0x800  }
0xac: {  	[sflag:s18] =	ssyncset.done $0x0  }
0xad: {  	[sflag:s18] =	ssyncadd.s32 $0xFFFFF800  }
0xae: {  	_ =	swait.ge [sflag:s20], $0x800  }
0xaf: {  	[sflag:s20] =	ssyncset.done $0x0  }
0xb0: {  	[sflag:s20] =	ssyncadd.s32 $0xFFFFF800  }
0xb1: {  	_ =	swait.ge [sflag:s18], $0x800  }
0xb2: {  	[sflag:s18] =	ssyncset.done $0x0  }
0xb3: {  	[sflag:s18] =	ssyncadd.s32 $0xFFFFF800  }
0xb4: {  	_ =	swait.ge [sflag:s20], $0x800  }
0xb5: {  	s10 =	simm.s32 $0x20;
	s12 =	simm.s32 $0xD8D0;
	[sflag:s20] =	ssyncset.done $0x0  }
0xb6: {  	s15 =	simm.s32 $0x11020;
	s19 =	simm.s32 $0x1970;
	[sflag:s20] =	ssyncadd.s32 $0xFFFFF800  }
.LBB2_3:
0xb7: {  	s22 =	sadd.s32 $0xFFFFFFE0, s10  }
0xb8: {  	s24 =	sand.u32 $0x3F0, s22  }
0xb9: {  	v19 =	vld [tilespmem:s24+$0x900];
	_ =	sdelay $0x1  }
0xba: {  	v17 =	vld [tilespmem:s19+$0xFFFFFE90];
	_ =	sdelay $0x2  }
0xbb: {  	v20 =	vperm.xlane v19, v0  }
0xbc: {  	s14 =	sadd.s32 $0xFFFFFFF0, s10  }
0xbd: {  	s16 =	sand.u32 $0x7F0, s14;
	v20 =	vmul.f32 v17, v20  }
0xbe: {  	s21 =	sand.u32 $0x7F0, s10;
	v18 =	vld [tilespmem:s16+$0x900]  }
0xbf: {  	v17 =	vld [tilespmem:s21+$0x900];
	[tilespmem:s12+$0xFFFFFF30] =	vst v20  }
0xc0: {  	v20 =	vld [tilespmem:s19+$0xFFFFFEA0];
	_ =	sdelay $0x2  }
0xc1: {  	v21 =	vperm.xlane v19, v1;
	_ =	sdelay $0x1  }
0xc2: {  	v20 =	vmul.f32 v20, v21;
	_ =	sdelay $0x1  }
0xc3: {  	[tilespmem:s12+$0xFFFFFF40] =	vst v20  }
0xc4: {  	v20 =	vld [tilespmem:s19+$0xFFFFFEB0];
	_ =	sdelay $0x2  }
0xc5: {  	v53 =	vperm.xlane v19, v2;
	_ =	sdelay $0x1  }
0xc6: {  	v20 =	vmul.f32 v20, v53;
	_ =	sdelay $0x1  }
0xc7: {  	[tilespmem:s12+$0xFFFFFF50] =	vst v20  }
0xc8: {  	v20 =	vld [tilespmem:s19+$0xFFFFFEC0];
	_ =	sdelay $0x2  }
0xc9: {  	v54 =	vperm.xlane v19, v3;
	_ =	sdelay $0x1  }
0xca: {  	v20 =	vmul.f32 v20, v54;
	_ =	sdelay $0x1  }
0xcb: {  	[tilespmem:s12+$0xFFFFFF60] =	vst v20  }
0xcc: {  	v20 =	vld [tilespmem:s19+$0xFFFFFED0];
	_ =	sdelay $0x2  }
0xcd: {  	v55 =	vperm.xlane v19, v4;
	_ =	sdelay $0x1  }
0xce: {  	v20 =	vmul.f32 v20, v55;
	_ =	sdelay $0x1  }
0xcf: {  	[tilespmem:s12+$0xFFFFFF70] =	vst v20  }
0xd0: {  	v20 =	vld [tilespmem:s19+$0xFFFFFEE0];
	_ =	sdelay $0x2  }
0xd1: {  	v56 =	vperm.xlane v19, v6;
	_ =	sdelay $0x1  }
0xd2: {  	v20 =	vmul.f32 v20, v56;
	_ =	sdelay $0x1  }
0xd3: {  	[tilespmem:s12+$0xFFFFFF80] =	vst v20  }
0xd4: {  	v20 =	vld [tilespmem:s19+$0xFFFFFEF0];
	_ =	sdelay $0x2  }
0xd5: {  	v57 =	vperm.xlane v19, v7;
	_ =	sdelay $0x1  }
0xd6: {  	v20 =	vmul.f32 v20, v57;
	_ =	sdelay $0x1  }
0xd7: {  	[tilespmem:s12+$0xFFFFFF90] =	vst v20  }
0xd8: {  	v20 =	vld [tilespmem:s19+$0xFFFFFF00];
	_ =	sdelay $0x2  }
0xd9: {  	v58 =	vperm.xlane v19, v8;
	_ =	sdelay $0x1  }
0xda: {  	v20 =	vmul.f32 v20, v58;
	_ =	sdelay $0x1  }
0xdb: {  	[tilespmem:s12+$0xFFFFFFA0] =	vst v20  }
0xdc: {  	v20 =	vld [tilespmem:s19+$0xFFFFFF10];
	_ =	sdelay $0x2  }
0xdd: {  	v59 =	vperm.xlane v19, v9;
	_ =	sdelay $0x1  }
0xde: {  	v20 =	vmul.f32 v20, v59;
	_ =	sdelay $0x1  }
0xdf: {  	[tilespmem:s12+$0xFFFFFFB0] =	vst v20  }
0xe0: {  	v20 =	vld [tilespmem:s19+$0xFFFFFF20];
	_ =	sdelay $0x2  }
0xe1: {  	v60 =	vperm.xlane v19, v10;
	_ =	sdelay $0x1  }
0xe2: {  	v20 =	vmul.f32 v20, v60;
	_ =	sdelay $0x1  }
0xe3: {  	[tilespmem:s12+$0xFFFFFFC0] =	vst v20  }
0xe4: {  	v20 =	vld [tilespmem:s19+$0xFFFFFF30];
	_ =	sdelay $0x2  }
0xe5: {  	v61 =	vperm.xlane v19, v11;
	_ =	sdelay $0x1  }
0xe6: {  	v20 =	vmul.f32 v20, v61;
	_ =	sdelay $0x1  }
0xe7: {  	[tilespmem:s12+$0xFFFFFFD0] =	vst v20  }
0xe8: {  	v20 =	vld [tilespmem:s19+$0xFFFFFF40];
	_ =	sdelay $0x2  }
0xe9: {  	v62 =	vperm.xlane v19, v12;
	_ =	sdelay $0x1  }
0xea: {  	v20 =	vmul.f32 v20, v62;
	_ =	sdelay $0x1  }
0xeb: {  	[tilespmem:s12+$0xFFFFFFE0] =	vst v20  }
0xec: {  	v20 =	vld [tilespmem:s19+$0xFFFFFF50];
	_ =	sdelay $0x2  }
0xed: {  	v63 =	vperm.xlane v19, v13;
	_ =	sdelay $0x1  }
0xee: {  	v20 =	vmul.f32 v20, v63;
	_ =	sdelay $0x1  }
0xef: {  	[tilespmem:s12+$0xFFFFFFF0] =	vst v20  }
0xf0: {  	v20 =	vld [tilespmem:s19+$0xFFFFFF60];
	_ =	sdelay $0x2  }
0xf1: {  	v24 =	vperm.xlane v19, v14;
	_ =	sdelay $0x1  }
0xf2: {  	v20 =	vmul.f32 v20, v24;
	_ =	sdelay $0x1  }
0xf3: {  	[tilespmem:s12+$0x0] =	vst v20  }
0xf4: {  	v20 =	vld [tilespmem:s19+$0xFFFFFF70];
	_ =	sdelay $0x2  }
0xf5: {  	v25 =	vperm.xlane v19, v15;
	_ =	sdelay $0x1  }
0xf6: {  	v20 =	vmul.f32 v20, v25;
	_ =	sdelay $0x1  }
0xf7: {  	[tilespmem:s12+$0x10] =	vst v20  }
0xf8: {  	v20 =	vld [tilespmem:s19+$0xFFFFFF80];
	_ =	sdelay $0x2  }
0xf9: {  	v26 =	vperm.xlane v19, v16;
	_ =	sdelay $0x1  }
0xfa: {  	v20 =	vmul.f32 v20, v26;
	_ =	sdelay $0x1  }
0xfb: {  	[tilespmem:s12+$0x20] =	vst v20  }
0xfc: {  	v20 =	vld [tilespmem:s19+$0xFFFFFF90];
	_ =	sdelay $0x2  }
0xfd: {  	v27 =	vperm.xlane v18, v0;
	_ =	sdelay $0x1  }
0xfe: {  	v20 =	vmul.f32 v20, v27;
	_ =	sdelay $0x1  }
0xff: {  	[tilespmem:s12+$0x30] =	vst v20  }
0x100: {  	v20 =	vld [tilespmem:s19+$0xFFFFFFA0];
	_ =	sdelay $0x2  }
0x101: {  	v28 =	vperm.xlane v18, v1;
	_ =	sdelay $0x1  }
0x102: {  	v20 =	vmul.f32 v20, v28;
	_ =	sdelay $0x1  }
0x103: {  	[tilespmem:s12+$0x40] =	vst v20  }
0x104: {  	v20 =	vld [tilespmem:s19+$0xFFFFFFB0];
	_ =	sdelay $0x2  }
0x105: {  	v29 =	vperm.xlane v18, v2;
	_ =	sdelay $0x1  }
0x106: {  	v20 =	vmul.f32 v20, v29;
	_ =	sdelay $0x1  }
0x107: {  	[tilespmem:s12+$0x50] =	vst v20  }
0x108: {  	v20 =	vld [tilespmem:s19+$0xFFFFFFC0];
	_ =	sdelay $0x2  }
0x109: {  	v30 =	vperm.xlane v18, v3;
	_ =	sdelay $0x1  }
0x10a: {  	v20 =	vmul.f32 v20, v30;
	_ =	sdelay $0x1  }
0x10b: {  	[tilespmem:s12+$0x60] =	vst v20  }
0x10c: {  	v20 =	vld [tilespmem:s19+$0xFFFFFFD0];
	_ =	sdelay $0x2  }
0x10d: {  	v31 =	vperm.xlane v18, v4;
	_ =	sdelay $0x1  }
0x10e: {  	v20 =	vmul.f32 v20, v31;
	_ =	sdelay $0x1  }
0x10f: {  	[tilespmem:s12+$0x70] =	vst v20  }
0x110: {  	v20 =	vld [tilespmem:s19+$0xFFFFFFE0];
	_ =	sdelay $0x2  }
0x111: {  	v32 =	vperm.xlane v18, v6;
	_ =	sdelay $0x1  }
0x112: {  	v20 =	vmul.f32 v20, v32;
	_ =	sdelay $0x1  }
0x113: {  	[tilespmem:s12+$0x80] =	vst v20  }
0x114: {  	v20 =	vld [tilespmem:s19+$0xFFFFFFF0];
	_ =	sdelay $0x2  }
0x115: {  	v33 =	vperm.xlane v18, v7;
	_ =	sdelay $0x1  }
0x116: {  	v20 =	vmul.f32 v20, v33;
	_ =	sdelay $0x1  }
0x117: {  	[tilespmem:s12+$0x90] =	vst v20  }
0x118: {  	v20 =	vld [tilespmem:s19+$0x0];
	_ =	sdelay $0x2  }
0x119: {  	v34 =	vperm.xlane v18, v8;
	_ =	sdelay $0x1  }
0x11a: {  	v20 =	vmul.f32 v20, v34;
	_ =	sdelay $0x1  }
0x11b: {  	[tilespmem:s12+$0xA0] =	vst v20  }
0x11c: {  	v20 =	vld [tilespmem:s19+$0x10];
	_ =	sdelay $0x2  }
0x11d: {  	v35 =	vperm.xlane v18, v9;
	_ =	sdelay $0x1  }
0x11e: {  	v20 =	vmul.f32 v20, v35;
	_ =	sdelay $0x1  }
0x11f: {  	[tilespmem:s12+$0xB0] =	vst v20  }
0x120: {  	v20 =	vld [tilespmem:s19+$0x20];
	_ =	sdelay $0x2  }
0x121: {  	v36 =	vperm.xlane v18, v10;
	_ =	sdelay $0x1  }
0x122: {  	v20 =	vmul.f32 v20, v36;
	_ =	sdelay $0x1  }
0x123: {  	[tilespmem:s12+$0xC0] =	vst v20  }
0x124: {  	v20 =	vld [tilespmem:s19+$0x30]  }
0x125: {  	v37 =	vld [tilespmem:s19+$0x40]  }
0x126: {  	v22 =	vld [tilespmem:s19+$0x50]  }
0x127: {  	v23 =	vperm.xlane v18, v11;
	v38 =	vperm.xlane v18, v13;
	v24 =	vld [tilespmem:s19+$0x60]  }
0x128: {  	v39 =	vperm.xlane v18, v14;
	v40 =	vperm.xlane v18, v15;
	v26 =	vld [tilespmem:s19+$0x70]  }
0x129: {  	v41 =	vperm.xlane v18, v16;
	v42 =	vperm.xlane v17, v0;
	v27 =	vld [tilespmem:s19+$0x80]  }
0x12a: {  	v43 =	vperm.xlane v17, v1;
	v44 =	vperm.xlane v17, v2;
	v28 =	vld [tilespmem:s19+$0x90]  }
0x12b: {  	v45 =	vperm.xlane v17, v3;
	v46 =	vperm.xlane v17, v4;
	v29 =	vld [tilespmem:s19+$0xA0]  }
0x12c: {  	v47 =	vperm.xlane v17, v6;
	v48 =	vperm.xlane v17, v11;
	v30 =	vld [tilespmem:s19+$0xB0]  }
0x12d: {  	v50 =	vperm.xlane v17, v13;
	v51 =	vperm.xlane v17, v14;
	v31 =	vld [tilespmem:s19+$0xC0]  }
0x12e: {  	v56 =	vperm.xlane v17, v9;
	v25 =	vperm.xlane v18, v12;
	v32 =	vld [tilespmem:s19+$0xD0]  }
0x12f: {  	v57 =	vperm.xlane v17, v10;
	v34 =	vld [tilespmem:s19+$0x130];
	v20 =	vmul.f32 v20, v23  }
0x130: {  	v36 =	vld [tilespmem:s19+$0x150];
	v21 =	vmul.f32 v37, v25;
	v22 =	vmul.f32 v22, v38  }
0x131: {  	v33 =	vld [tilespmem:s19+$0xE0];
	v24 =	vmul.f32 v24, v39;
	v23 =	vmul.f32 v26, v40  }
0x132: {  	v25 =	vmul.f32 v27, v41;
	v26 =	vmul.f32 v28, v42  }
0x133: {  	v35 =	vld [tilespmem:s19+$0x140];
	v27 =	vmul.f32 v29, v43;
	v28 =	vmul.f32 v30, v44  }
0x134: {  	v49 =	vld [tilespmem:s19+$0xF0];
	v30 =	vmul.f32 v32, v46;
	v32 =	vmul.f32 v34, v48  }
0x135: {  	v53 =	vld [tilespmem:s19+$0x110];
	v29 =	vmul.f32 v31, v45;
	v34 =	vmul.f32 v36, v50  }
0x136: {  	v31 =	vmul.f32 v33, v47;
	v38 =	vperm.xlane v17, v12;
	v20 =	vadd.f32 v32, v20  }
0x137: {  	v54 =	vld [tilespmem:s19+$0x120];
	v40 =	vperm.xlane v17, v7;
	v22 =	vadd.f32 v34, v22;
	v23 =	vadd.f32 $0.0e+00, v23  }
0x138: {  	v37 =	vld [tilespmem:s19+$0x160];
	v35 =	vmul.f32 v35, v38;
	v25 =	vadd.f32 $0.0e+00, v25;
	v26 =	vadd.f32 $0.0e+00, v26  }
0x139: {  	v39 =	vld [tilespmem:s19+$0x100];
	v33 =	vmul.f32 v49, v40;
	v27 =	vadd.f32 $0.0e+00, v27;
	v28 =	vadd.f32 $0.0e+00, v28  }
0x13a: {  	v34 =	vmul.f32 v53, v56;
	v29 =	vadd.f32 $0.0e+00, v29;
	v30 =	vadd.f32 $0.0e+00, v30  }
0x13b: {  	v52 =	vperm.xlane v17, v8;
	v31 =	vadd.f32 $0.0e+00, v31;
	v21 =	vadd.f32 v35, v21  }
0x13c: {  	v35 =	vmul.f32 v54, v57;
	v33 =	vadd.f32 $0.0e+00, v33;
	v34 =	vadd.f32 $0.0e+00, v34  }
0x13d: {  	v20 =	vadd.f32 v20, v28;
	v22 =	vadd.f32 v22, v30  }
0x13e: {  	v37 =	vmul.f32 v37, v51;
	v55 =	vmul.f32 v39, v52;
	v35 =	vadd.f32 $0.0e+00, v35  }
0x13f: {  	v21 =	vadd.f32 v21, v29;
	v23 =	vadd.f32 v33, v23  }
0x140: {  	v24 =	vadd.f32 v37, v24;
	v32 =	vadd.f32 $0.0e+00, v55  }
0x141: {  	v26 =	vadd.f32 v34, v26;
	v27 =	vadd.f32 v35, v27  }
0x142: {  	v24 =	vadd.f32 v24, v31;
	v25 =	vadd.f32 v32, v25  }
0x143: {  	v20 =	vadd.f32 v20, v23;
	v22 =	vadd.f32 v22, v26  }
0x144: {  	v21 =	vadd.f32 v21, v25;
	v58 =	vadd.f32 v24, v27;
	_ =	sdelay $0x1  }
0x145: {  	v20 =	vadd.f32 v22, v20;
	v21 =	vadd.f32 v58, v21;
	_ =	sdelay $0x1  }
0x146: {  	v20 =	vadd.f32 v21, v20;
	_ =	sdelay $0x1  }
0x147: {  	[tilespmem:s12+$0xD0] =	vst v20  }
0x148: {  	v20 =	vld [tilespmem:s24+$0x600];
	_ =	sdelay $0x2  }
0x149: {  	v59 =	vmov s22  }
0x14a: {  	v21 =	vshll.u32 v59, $0x4  }
0x14b: {  	v21 =	vor.u32 v5, v21;
	v60 =	vand.u32 $0xFFFFFFF8, v20  }
0x14c: {  	v20 =	vand.u32 $0x7, v20;
	v21 =	vadd.s32 v21, v60  }
0x14d: {  	v20 =	vor.u32 v20, v21;
	_ =	sdelay $0x4  }
0x14e: {  	v20 =	vld.idx.msk [tilespmem:v20+s23+$0x0], $0xffff;
	_ =	sdelay $0x4  }
0x14f: {  	v19 =	vmul.f32 v20, v19;
	_ =	sdelay $0x1  }
0x150: {  	[tilespmem:s15+$0xFFFFFFE0] =	vst v19  }
0x151: {  	v19 =	vld [tilespmem:s16+$0x600];
	_ =	sdelay $0x2  }
0x152: {  	v61 =	vmov s14  }
0x153: {  	v20 =	vshll.u32 v61, $0x4  }
0x154: {  	v20 =	vor.u32 v5, v20;
	v62 =	vand.u32 $0xFFFFFFF8, v19  }
0x155: {  	v19 =	vand.u32 $0x7, v19;
	v20 =	vadd.s32 v20, v62  }
0x156: {  	v19 =	vor.u32 v19, v20;
	_ =	sdelay $0x4  }
0x157: {  	v19 =	vld.idx.msk [tilespmem:v19+s23+$0x0], $0xffff;
	_ =	sdelay $0x4  }
0x158: {  	v18 =	vmul.f32 v19, v18;
	_ =	sdelay $0x1  }
0x159: {  	[tilespmem:s15+$0xFFFFFFF0] =	vst v18  }
0x15a: {  	v18 =	vld [tilespmem:s21+$0x600];
	_ =	sdelay $0x2  }
0x15b: {  	v19 =	vmov s10  }
0x15c: {  	v19 =	vshll.u32 v19, $0x4  }
0x15d: {  	v19 =	vor.u32 v5, v19;
	v63 =	vand.u32 $0xFFFFFFF8, v18  }
0x15e: {  	v18 =	vand.u32 $0x7, v18;
	v19 =	vadd.s32 v19, v63  }
0x15f: {  	v18 =	vor.u32 v18, v19;
	_ =	sdelay $0x4  }
0x160: {  	v18 =	vld.idx.msk [tilespmem:v18+s23+$0x0], $0xffff;
	_ =	sdelay $0x1  }
0x161: {  	p0 =	sne.s32 s10, $0x2F0  }
.Ltmp0:
0x162: {  	_ = 	snop;
	(pc) =	sbr.rel @p0 .LBB2_3-.Ltmp0, $4  }
0x163: {  	_ = 	snop  }
0x164: {  	v17 =	vmul.f32 v18, v17  }
0x165: {  	s19 =	sadd.s32 $0x300, s19  }
0x166: {  	s12 =	sadd.s32 $0x1C0, s12;
	s10 =	sadd.s32 $0x30, s10;
	[tilespmem:s15+$0x0] =	vst v17;
	s15 =	sadd.s32 $0x30, s15  }
0x167: {  	s10 =	smul.u32 $0x380, s2;
	_ =	sdelay $0x1  }
0x168: {  	s12 =	simm.s32 $0xD800;
	s10 =	sadd.s32 s7, s10  }
0x169: {  	[hbm4b:s10+s1] =	stream.linear.scatter [tilespmem:s12], [sflag:$0x5], $0x1C00, $0x38;
	[tilespmem:$0x11600] =	vst v63  }
0x16a: {  	s22 =	smul.u32 $0x60, s2;
	_ =	swait.ge [sflag:s13], $0x1C00  }
0x16b: {  	s24 =	simm.s32 $0x11000;
	p0 =	seq.s32 s31, $0xF;
	[sflag:s13] =	ssyncset.done $0x0  }
.Ltmp1:
0x16c: {  	s2 =	sadd.s32 s8, s22;
	[sflag:s13] =	ssyncadd.s32 $0xFFFFE400;
	(pc) =	sbr.rel @p0 .LBB2_6-.Ltmp1, $4  }
0x16d: {  	[hbm4b:s2+s1] =	stream.linear.scatter [tilespmem:s24], [sflag:$0x5], $0x300, $0x38;
	[tilespmem:$0x11600] =	vst v63  }
0x16e: {  	_ =	swait.ge [sflag:s13], $0x300  }
0x16f: {  	[sflag:s13] =	ssyncset.done $0x0  }
0x170: {  	s0 =	sor.u32 $0x1, s0;
	[sflag:s13] =	ssyncadd.s32 $0xFFFFFD00  }
0x171: {  	s2 =	sor.u32 s9, s0  }
0x172: {  	s2 =	sadd.s32 $0x1, s2  }
0x173: {  	s10 =	smul.u32 $0x180, s2;
	_ =	sdelay $0x1  }
0x174: {  	s10 =	sadd.s32 s3, s10  }
0x175: {  	[tilespmem:s1], [sflag:$0x5] =	stream.linear.gather [hbm4b:s10+s1], $0xC00, $0x38;
	[tilespmem:$0x11600] =	vst v63  }
0x176: {  	s2 =	sshll.u32 s2, $0x5;
	_ =	swait.ge [sflag:s13], $0xC00  }
0x177: {  	s2 =	sand.u32 $0x1FFFFFC0, s2;
	[sflag:s13] =	ssyncset.done $0x0  }
0x178: {  	s22 =	simm.s32 $0xD9B0;
	s2 =	sadd.s32 s4, s2;
	[sflag:s13] =	ssyncadd.s32 $0xFFFFF400  }
0x179: {  	[tilespmem:s22], [sflag:$0x5] =	stream.linear.gather [hbm4b:s2+s1], $0x10, $0x38;
	[tilespmem:$0x11600] =	vst v63  }
0x17a: {  	s12 =	simm.s32 $0xDB70;
	s24 =	sadd.s32 $0x2, s2  }
0x17b: {  	[tilespmem:s12], [sflag:$0x5] =	stream.linear.gather [hbm4b:s24+s1], $0x10, $0x38;
	[tilespmem:$0x11600] =	vst v63  }
0x17c: {  	s14 =	simm.s32 $0xDD30;
	s12 =	sadd.s32 $0x4, s2  }
0x17d: {  	[tilespmem:s14], [sflag:$0x5] =	stream.linear.gather [hbm4b:s12+s1], $0x10, $0x38;
	[tilespmem:$0x11600] =	vst v63  }
0x17e: {  	s16 =	simm.s32 $0xDEF0;
	s15 =	sadd.s32 $0x6, s2  }
0x17f: {  	[tilespmem:s16], [sflag:$0x5] =	stream.linear.gather [hbm4b:s15+s1], $0x10, $0x38;
	[tilespmem:$0x11600] =	vst v63  }
0x180: {  	s21 =	simm.s32 $0xE0B0;
	s19 =	sadd.s32 $0x8, s2  }
0x181: {  	[tilespmem:s21], [sflag:$0x5] =	stream.linear.gather [hbm4b:s19+s1], $0x10, $0x38;
	[tilespmem:$0x11600] =	vst v63  }
0x182: {  	s22 =	sadd.s32 $0xA, s2;
	s24 =	simm.s32 $0xE270  }
0x183: {  	[tilespmem:s24], [sflag:$0x5] =	stream.linear.gather [hbm4b:s22+s1], $0x10, $0x38;
	[tilespmem:$0x11600] =	vst v63  }
0x184: {  	s12 =	sadd.s32 $0xC, s2;
	s14 =	simm.s32 $0xE430  }
0x185: {  	[tilespmem:s14], [sflag:$0x5] =	stream.linear.gather [hbm4b:s12+s1], $0x10, $0x38;
	[tilespmem:$0x11600] =	vst v63  }
0x186: {  	s15 =	sadd.s32 $0xE, s2;
	s16 =	simm.s32 $0xE5F0  }
0x187: {  	[tilespmem:s16], [sflag:$0x5] =	stream.linear.gather [hbm4b:s15+s1], $0x10, $0x38;
	[tilespmem:$0x11600] =	vst v63  }
0x188: {  	s19 =	sadd.s32 $0x10, s2;
	s21 =	simm.s32 $0xE7B0  }
0x189: {  	[tilespmem:s21], [sflag:$0x5] =	stream.linear.gather [hbm4b:s19+s1], $0x10, $0x38;
	[tilespmem:$0x11600] =	vst v63  }
0x18a: {  	s22 =	sadd.s32 $0x12, s2;
	s24 =	simm.s32 $0xE970  }
0x18b: {  	[tilespmem:s24], [sflag:$0x5] =	stream.linear.gather [hbm4b:s22+s1], $0x10, $0x38;
	[tilespmem:$0x11600] =	vst v63  }
0x18c: {  	s12 =	sadd.s32 $0x14, s2;
	s14 =	simm.s32 $0xEB30  }
0x18d: {  	[tilespmem:s14], [sflag:$0x5] =	stream.linear.gather [hbm4b:s12+s1], $0x10, $0x38;
	[tilespmem:$0x11600] =	vst v63  }
0x18e: {  	s15 =	sadd.s32 $0x16, s2;
	s16 =	simm.s32 $0xECF0  }
0x18f: {  	[tilespmem:s16], [sflag:$0x5] =	stream.linear.gather [hbm4b:s15+s1], $0x10, $0x38;
	[tilespmem:$0x11600] =	vst v63  }
0x190: {  	s19 =	sadd.s32 $0x18, s2;
	s21 =	simm.s32 $0xEEB0  }
0x191: {  	[tilespmem:s21], [sflag:$0x5] =	stream.linear.gather [hbm4b:s19+s1], $0x10, $0x38;
	[tilespmem:$0x11600] =	vst v63  }
0x192: {  	s22 =	sadd.s32 $0x1A, s2;
	s24 =	simm.s32 $0xF070  }
0x193: {  	[tilespmem:s24], [sflag:$0x5] =	stream.linear.gather [hbm4b:s22+s1], $0x10, $0x38;
	[tilespmem:$0x11600] =	vst v63  }
0x194: {  	s12 =	sadd.s32 $0x1C, s2;
	s14 =	simm.s32 $0xF230  }
0x195: {  	[tilespmem:s14], [sflag:$0x5] =	stream.linear.gather [hbm4b:s12+s1], $0x10, $0x38;
	[tilespmem:$0x11600] =	vst v63  }
0x196: {  	s2 =	sadd.s32 $0x1E, s2;
	s15 =	simm.s32 $0xF3F0  }
0x197: {  	[tilespmem:s15], [sflag:$0x5] =	stream.linear.gather [hbm4b:s2+s1], $0x10, $0x38;
	[tilespmem:$0x11600] =	vst v63  }
0x198: {  	_ =	swait.ge [sflag:s13], $0x100  }
0x199: {  	[sflag:s13] =	ssyncset.done $0x0  }
0x19a: {  	s16 =	simm.s32 $0x1800;
	[sflag:s13] =	ssyncadd.s32 $0xFFFFFF00  }
0x19b: {  	[tilespmem:s16], [sflag:$0x1] =	stream.indirect.gather [hbm4b:s5+s17], $0x10, s1, s17, $0xb8;
	[tilespmem:$0x11600] =	vst v63  }
0x19c: {  	s19 =	simm.s32 $0x300  }
0x19d: {  	[tilespmem:s23], [sflag:$0x3] =	stream.indirect.gather [hbm4b:s6+s17], $0x10, s19, s17, $0xb8;
	[tilespmem:$0x11600] =	vst v63  }
0x19e: {  	s21 =	simm.s32 $0x2000  }
0x19f: {  	[tilespmem:s21], [sflag:$0x1] =	stream.indirect.gather [hbm4b:s5+s17], $0x10, s17, s17, $0xb8;
	[tilespmem:$0x11600] =	vst v63  }
0x1a0: {  	s22 =	simm.s32 $0x380;
	s24 =	simm.s32 $0x8000  }
0x1a1: {  	[tilespmem:s24], [sflag:$0x3] =	stream.indirect.gather [hbm4b:s6+s17], $0x10, s22, s17, $0xb8;
	[tilespmem:$0x11600] =	vst v63  }
0x1a2: {  	s12 =	simm.s32 $0x100;
	s14 =	simm.s32 $0x2800  }
0x1a3: {  	[tilespmem:s14], [sflag:$0x1] =	stream.indirect.gather [hbm4b:s5+s17], $0x10, s12, s17, $0xb8;
	[tilespmem:$0x11600] =	vst v63  }
0x1a4: {  	s15 =	simm.s32 $0x400;
	s16 =	simm.s32 $0x8800  }
0x1a5: {  	[tilespmem:s16], [sflag:$0x3] =	stream.indirect.gather [hbm4b:s6+s17], $0x10, s15, s17, $0xb8;
	[tilespmem:$0x11600] =	vst v63  }
0x1a6: {  	s19 =	simm.s32 $0x180;
	s21 =	simm.s32 $0x3000  }
0x1a7: {  	[tilespmem:s21], [sflag:$0x1] =	stream.indirect.gather [hbm4b:s5+s17], $0x10, s19, s17, $0xb8;
	[tilespmem:$0x11600] =	vst v63  }
0x1a8: {  	s22 =	simm.s32 $0x480;
	s24 =	simm.s32 $0x9000  }
0x1a9: {  	[tilespmem:s24], [sflag:$0x3] =	stream.indirect.gather [hbm4b:s6+s17], $0x10, s22, s17, $0xb8;
	[tilespmem:$0x11600] =	vst v63  }
0x1aa: {  	s12 =	simm.s32 $0x200;
	s14 =	simm.s32 $0x3800  }
0x1ab: {  	[tilespmem:s14], [sflag:$0x1] =	stream.indirect.gather [hbm4b:s5+s17], $0x10, s12, s17, $0xb8;
	[tilespmem:$0x11600] =	vst v63  }
0x1ac: {  	s15 =	simm.s32 $0x500;
	s16 =	simm.s32 $0x9800  }
0x1ad: {  	[tilespmem:s16], [sflag:$0x3] =	stream.indirect.gather [hbm4b:s6+s17], $0x10, s15, s17, $0xb8;
	[tilespmem:$0x11600] =	vst v63  }
0x1ae: {  	s19 =	simm.s32 $0x280;
	s21 =	simm.s32 $0x4000  }
0x1af: {  	[tilespmem:s21], [sflag:$0x1] =	stream.indirect.gather [hbm4b:s5+s17], $0x10, s19, s17, $0xb8;
	[tilespmem:$0x11600] =	vst v63  }
0x1b0: {  	s22 =	simm.s32 $0x580;
	s24 =	simm.s32 $0xA000  }
0x1b1: {  	[tilespmem:s24], [sflag:$0x3] =	stream.indirect.gather [hbm4b:s6+s17], $0x10, s22, s17, $0xb8;
	[tilespmem:$0x11600] =	vst v63  }
.LBB2_6:
0x1b2: {  	_ =	swait.ge [sflag:s26], $0x800  }
0x1b3: {  	[sflag:s26] =	ssyncset.done $0x0  }
0x1b4: {  	[sflag:s26] =	ssyncadd.s32 $0xFFFFF800  }
0x1b5: {  	_ =	swait.ge [sflag:s28], $0x800  }
0x1b6: {  	[sflag:s28] =	ssyncset.done $0x0  }
0x1b7: {  	[sflag:s28] =	ssyncadd.s32 $0xFFFFF800  }
0x1b8: {  	_ =	swait.ge [sflag:s26], $0x800  }
0x1b9: {  	[sflag:s26] =	ssyncset.done $0x0  }
0x1ba: {  	[sflag:s26] =	ssyncadd.s32 $0xFFFFF800  }
0x1bb: {  	_ =	swait.ge [sflag:s28], $0x800  }
0x1bc: {  	[sflag:s28] =	ssyncset.done $0x0  }
0x1bd: {  	[sflag:s28] =	ssyncadd.s32 $0xFFFFF800  }
0x1be: {  	_ =	swait.ge [sflag:s26], $0x800  }
0x1bf: {  	[sflag:s26] =	ssyncset.done $0x0  }
0x1c0: {  	[sflag:s26] =	ssyncadd.s32 $0xFFFFF800  }
0x1c1: {  	_ =	swait.ge [sflag:s28], $0x800  }
0x1c2: {  	[sflag:s28] =	ssyncset.done $0x0  }
0x1c3: {  	[sflag:s28] =	ssyncadd.s32 $0xFFFFF800  }
0x1c4: {  	_ =	swait.ge [sflag:s26], $0x800  }
0x1c5: {  	[sflag:s26] =	ssyncset.done $0x0  }
0x1c6: {  	[sflag:s26] =	ssyncadd.s32 $0xFFFFF800  }
0x1c7: {  	_ =	swait.ge [sflag:s28], $0x800  }
0x1c8: {  	[sflag:s28] =	ssyncset.done $0x0  }
0x1c9: {  	[sflag:s28] =	ssyncadd.s32 $0xFFFFF800  }
0x1ca: {  	_ =	swait.ge [sflag:s26], $0x800  }
0x1cb: {  	[sflag:s26] =	ssyncset.done $0x0  }
0x1cc: {  	[sflag:s26] =	ssyncadd.s32 $0xFFFFF800  }
0x1cd: {  	_ =	swait.ge [sflag:s28], $0x800  }
0x1ce: {  	[sflag:s28] =	ssyncset.done $0x0  }
0x1cf: {  	[sflag:s28] =	ssyncadd.s32 $0xFFFFF800  }
0x1d0: {  	_ =	swait.ge [sflag:s26], $0x800  }
0x1d1: {  	[sflag:s26] =	ssyncset.done $0x0  }
0x1d2: {  	[sflag:s26] =	ssyncadd.s32 $0xFFFFF800  }
0x1d3: {  	_ =	swait.ge [sflag:s28], $0x800  }
0x1d4: {  	s2 =	simm.s32 $0x20;
	s10 =	simm.s32 $0xF4D0;
	[sflag:s28] =	ssyncset.done $0x0  }
0x1d5: {  	s12 =	simm.s32 $0x11320;
	s15 =	simm.s32 $0x4970;
	[sflag:s28] =	ssyncadd.s32 $0xFFFFF800  }
.LBB2_7:
0x1d6: {  	s21 =	sadd.s32 $0xFFFFFFE0, s2  }
0x1d7: {  	s22 =	sand.u32 $0x3F0, s21  }
0x1d8: {  	v19 =	vld [tilespmem:s22+$0x1500];
	_ =	sdelay $0x1  }
0x1d9: {  	v17 =	vld [tilespmem:s15+$0xFFFFFE90];
	_ =	sdelay $0x2  }
0x1da: {  	v20 =	vperm.xlane v19, v0  }
0x1db: {  	s14 =	sadd.s32 $0xFFFFFFF0, s2  }
0x1dc: {  	s16 =	sand.u32 $0x7F0, s14;
	v20 =	vmul.f32 v17, v20  }
0x1dd: {  	s19 =	sand.u32 $0x7F0, s2;
	v18 =	vld [tilespmem:s16+$0x1500]  }
0x1de: {  	v17 =	vld [tilespmem:s19+$0x1500];
	[tilespmem:s10+$0xFFFFFF30] =	vst v20  }
0x1df: {  	v20 =	vld [tilespmem:s15+$0xFFFFFEA0];
	_ =	sdelay $0x2  }
0x1e0: {  	v21 =	vperm.xlane v19, v1;
	_ =	sdelay $0x1  }
0x1e1: {  	v20 =	vmul.f32 v20, v21;
	_ =	sdelay $0x1  }
0x1e2: {  	[tilespmem:s10+$0xFFFFFF40] =	vst v20  }
0x1e3: {  	v20 =	vld [tilespmem:s15+$0xFFFFFEB0];
	_ =	sdelay $0x2  }
0x1e4: {  	v53 =	vperm.xlane v19, v2;
	_ =	sdelay $0x1  }
0x1e5: {  	v20 =	vmul.f32 v20, v53;
	_ =	sdelay $0x1  }
0x1e6: {  	[tilespmem:s10+$0xFFFFFF50] =	vst v20  }
0x1e7: {  	v20 =	vld [tilespmem:s15+$0xFFFFFEC0];
	_ =	sdelay $0x2  }
0x1e8: {  	v54 =	vperm.xlane v19, v3;
	_ =	sdelay $0x1  }
0x1e9: {  	v20 =	vmul.f32 v20, v54;
	_ =	sdelay $0x1  }
0x1ea: {  	[tilespmem:s10+$0xFFFFFF60] =	vst v20  }
0x1eb: {  	v20 =	vld [tilespmem:s15+$0xFFFFFED0];
	_ =	sdelay $0x2  }
0x1ec: {  	v55 =	vperm.xlane v19, v4;
	_ =	sdelay $0x1  }
0x1ed: {  	v20 =	vmul.f32 v20, v55;
	_ =	sdelay $0x1  }
0x1ee: {  	[tilespmem:s10+$0xFFFFFF70] =	vst v20  }
0x1ef: {  	v20 =	vld [tilespmem:s15+$0xFFFFFEE0];
	_ =	sdelay $0x2  }
0x1f0: {  	v56 =	vperm.xlane v19, v6;
	_ =	sdelay $0x1  }
0x1f1: {  	v20 =	vmul.f32 v20, v56;
	_ =	sdelay $0x1  }
0x1f2: {  	[tilespmem:s10+$0xFFFFFF80] =	vst v20  }
0x1f3: {  	v20 =	vld [tilespmem:s15+$0xFFFFFEF0];
	_ =	sdelay $0x2  }
0x1f4: {  	v57 =	vperm.xlane v19, v7;
	_ =	sdelay $0x1  }
0x1f5: {  	v20 =	vmul.f32 v20, v57;
	_ =	sdelay $0x1  }
0x1f6: {  	[tilespmem:s10+$0xFFFFFF90] =	vst v20  }
0x1f7: {  	v20 =	vld [tilespmem:s15+$0xFFFFFF00];
	_ =	sdelay $0x2  }
0x1f8: {  	v58 =	vperm.xlane v19, v8;
	_ =	sdelay $0x1  }
0x1f9: {  	v20 =	vmul.f32 v20, v58;
	_ =	sdelay $0x1  }
0x1fa: {  	[tilespmem:s10+$0xFFFFFFA0] =	vst v20  }
0x1fb: {  	v20 =	vld [tilespmem:s15+$0xFFFFFF10];
	_ =	sdelay $0x2  }
0x1fc: {  	v59 =	vperm.xlane v19, v9;
	_ =	sdelay $0x1  }
0x1fd: {  	v20 =	vmul.f32 v20, v59;
	_ =	sdelay $0x1  }
0x1fe: {  	[tilespmem:s10+$0xFFFFFFB0] =	vst v20  }
0x1ff: {  	v20 =	vld [tilespmem:s15+$0xFFFFFF20];
	_ =	sdelay $0x2  }
0x200: {  	v60 =	vperm.xlane v19, v10;
	_ =	sdelay $0x1  }
0x201: {  	v20 =	vmul.f32 v20, v60;
	_ =	sdelay $0x1  }
0x202: {  	[tilespmem:s10+$0xFFFFFFC0] =	vst v20  }
0x203: {  	v20 =	vld [tilespmem:s15+$0xFFFFFF30];
	_ =	sdelay $0x2  }
0x204: {  	v61 =	vperm.xlane v19, v11;
	_ =	sdelay $0x1  }
0x205: {  	v20 =	vmul.f32 v20, v61;
	_ =	sdelay $0x1  }
0x206: {  	[tilespmem:s10+$0xFFFFFFD0] =	vst v20  }
0x207: {  	v20 =	vld [tilespmem:s15+$0xFFFFFF40];
	_ =	sdelay $0x2  }
0x208: {  	v62 =	vperm.xlane v19, v12;
	_ =	sdelay $0x1  }
0x209: {  	v20 =	vmul.f32 v20, v62;
	_ =	sdelay $0x1  }
0x20a: {  	[tilespmem:s10+$0xFFFFFFE0] =	vst v20  }
0x20b: {  	v20 =	vld [tilespmem:s15+$0xFFFFFF50];
	_ =	sdelay $0x2  }
0x20c: {  	v63 =	vperm.xlane v19, v13;
	_ =	sdelay $0x1  }
0x20d: {  	v20 =	vmul.f32 v20, v63;
	_ =	sdelay $0x1  }
0x20e: {  	[tilespmem:s10+$0xFFFFFFF0] =	vst v20  }
0x20f: {  	v20 =	vld [tilespmem:s15+$0xFFFFFF60];
	_ =	sdelay $0x2  }
0x210: {  	v24 =	vperm.xlane v19, v14;
	_ =	sdelay $0x1  }
0x211: {  	v20 =	vmul.f32 v20, v24;
	_ =	sdelay $0x1  }
0x212: {  	[tilespmem:s10+$0x0] =	vst v20  }
0x213: {  	v20 =	vld [tilespmem:s15+$0xFFFFFF70];
	_ =	sdelay $0x2  }
0x214: {  	v25 =	vperm.xlane v19, v15;
	_ =	sdelay $0x1  }
0x215: {  	v20 =	vmul.f32 v20, v25;
	_ =	sdelay $0x1  }
0x216: {  	[tilespmem:s10+$0x10] =	vst v20  }
0x217: {  	v20 =	vld [tilespmem:s15+$0xFFFFFF80];
	_ =	sdelay $0x2  }
0x218: {  	v26 =	vperm.xlane v19, v16;
	_ =	sdelay $0x1  }
0x219: {  	v20 =	vmul.f32 v20, v26;
	_ =	sdelay $0x1  }
0x21a: {  	[tilespmem:s10+$0x20] =	vst v20  }
0x21b: {  	v20 =	vld [tilespmem:s15+$0xFFFFFF90];
	_ =	sdelay $0x2  }
0x21c: {  	v27 =	vperm.xlane v18, v0;
	_ =	sdelay $0x1  }
0x21d: {  	v20 =	vmul.f32 v20, v27;
	_ =	sdelay $0x1  }
0x21e: {  	[tilespmem:s10+$0x30] =	vst v20  }
0x21f: {  	v20 =	vld [tilespmem:s15+$0xFFFFFFA0];
	_ =	sdelay $0x2  }
0x220: {  	v28 =	vperm.xlane v18, v1;
	_ =	sdelay $0x1  }
0x221: {  	v20 =	vmul.f32 v20, v28;
	_ =	sdelay $0x1  }
0x222: {  	[tilespmem:s10+$0x40] =	vst v20  }
0x223: {  	v20 =	vld [tilespmem:s15+$0xFFFFFFB0];
	_ =	sdelay $0x2  }
0x224: {  	v29 =	vperm.xlane v18, v2;
	_ =	sdelay $0x1  }
0x225: {  	v20 =	vmul.f32 v20, v29;
	_ =	sdelay $0x1  }
0x226: {  	[tilespmem:s10+$0x50] =	vst v20  }
0x227: {  	v20 =	vld [tilespmem:s15+$0xFFFFFFC0];
	_ =	sdelay $0x2  }
0x228: {  	v30 =	vperm.xlane v18, v3;
	_ =	sdelay $0x1  }
0x229: {  	v20 =	vmul.f32 v20, v30;
	_ =	sdelay $0x1  }
0x22a: {  	[tilespmem:s10+$0x60] =	vst v20  }
0x22b: {  	v20 =	vld [tilespmem:s15+$0xFFFFFFD0];
	_ =	sdelay $0x2  }
0x22c: {  	v31 =	vperm.xlane v18, v4;
	_ =	sdelay $0x1  }
0x22d: {  	v20 =	vmul.f32 v20, v31;
	_ =	sdelay $0x1  }
0x22e: {  	[tilespmem:s10+$0x70] =	vst v20  }
0x22f: {  	v20 =	vld [tilespmem:s15+$0xFFFFFFE0];
	_ =	sdelay $0x2  }
0x230: {  	v32 =	vperm.xlane v18, v6;
	_ =	sdelay $0x1  }
0x231: {  	v20 =	vmul.f32 v20, v32;
	_ =	sdelay $0x1  }
0x232: {  	[tilespmem:s10+$0x80] =	vst v20  }
0x233: {  	v20 =	vld [tilespmem:s15+$0xFFFFFFF0];
	_ =	sdelay $0x2  }
0x234: {  	v33 =	vperm.xlane v18, v7;
	_ =	sdelay $0x1  }
0x235: {  	v20 =	vmul.f32 v20, v33;
	_ =	sdelay $0x1  }
0x236: {  	[tilespmem:s10+$0x90] =	vst v20  }
0x237: {  	v20 =	vld [tilespmem:s15+$0x0];
	_ =	sdelay $0x2  }
0x238: {  	v34 =	vperm.xlane v18, v8;
	_ =	sdelay $0x1  }
0x239: {  	v20 =	vmul.f32 v20, v34;
	_ =	sdelay $0x1  }
0x23a: {  	[tilespmem:s10+$0xA0] =	vst v20  }
0x23b: {  	v20 =	vld [tilespmem:s15+$0x10];
	_ =	sdelay $0x2  }
0x23c: {  	v35 =	vperm.xlane v18, v9;
	_ =	sdelay $0x1  }
0x23d: {  	v20 =	vmul.f32 v20, v35;
	_ =	sdelay $0x1  }
0x23e: {  	[tilespmem:s10+$0xB0] =	vst v20  }
0x23f: {  	v20 =	vld [tilespmem:s15+$0x20];
	_ =	sdelay $0x2  }
0x240: {  	v36 =	vperm.xlane v18, v10;
	_ =	sdelay $0x1  }
0x241: {  	v20 =	vmul.f32 v20, v36;
	_ =	sdelay $0x1  }
0x242: {  	[tilespmem:s10+$0xC0] =	vst v20  }
0x243: {  	v20 =	vld [tilespmem:s15+$0x30]  }
0x244: {  	v37 =	vld [tilespmem:s15+$0x40]  }
0x245: {  	v22 =	vld [tilespmem:s15+$0x50]  }
0x246: {  	v23 =	vperm.xlane v18, v11;
	v38 =	vperm.xlane v18, v13;
	v24 =	vld [tilespmem:s15+$0x60]  }
0x247: {  	v39 =	vperm.xlane v18, v14;
	v40 =	vperm.xlane v18, v15;
	v26 =	vld [tilespmem:s15+$0x70]  }
0x248: {  	v41 =	vperm.xlane v18, v16;
	v42 =	vperm.xlane v17, v0;
	v27 =	vld [tilespmem:s15+$0x80]  }
0x249: {  	v43 =	vperm.xlane v17, v1;
	v44 =	vperm.xlane v17, v2;
	v28 =	vld [tilespmem:s15+$0x90]  }
0x24a: {  	v45 =	vperm.xlane v17, v3;
	v46 =	vperm.xlane v17, v4;
	v29 =	vld [tilespmem:s15+$0xA0]  }
0x24b: {  	v47 =	vperm.xlane v17, v6;
	v48 =	vperm.xlane v17, v11;
	v30 =	vld [tilespmem:s15+$0xB0]  }
0x24c: {  	v50 =	vperm.xlane v17, v13;
	v51 =	vperm.xlane v17, v14;
	v31 =	vld [tilespmem:s15+$0xC0]  }
0x24d: {  	v56 =	vperm.xlane v17, v9;
	v25 =	vperm.xlane v18, v12;
	v32 =	vld [tilespmem:s15+$0xD0]  }
0x24e: {  	v57 =	vperm.xlane v17, v10;
	v34 =	vld [tilespmem:s15+$0x130];
	v20 =	vmul.f32 v20, v23  }
0x24f: {  	v36 =	vld [tilespmem:s15+$0x150];
	v21 =	vmul.f32 v37, v25;
	v22 =	vmul.f32 v22, v38  }
0x250: {  	v33 =	vld [tilespmem:s15+$0xE0];
	v24 =	vmul.f32 v24, v39;
	v23 =	vmul.f32 v26, v40  }
0x251: {  	v25 =	vmul.f32 v27, v41;
	v26 =	vmul.f32 v28, v42  }
0x252: {  	v35 =	vld [tilespmem:s15+$0x140];
	v27 =	vmul.f32 v29, v43;
	v28 =	vmul.f32 v30, v44  }
0x253: {  	v49 =	vld [tilespmem:s15+$0xF0];
	v30 =	vmul.f32 v32, v46;
	v32 =	vmul.f32 v34, v48  }
0x254: {  	v53 =	vld [tilespmem:s15+$0x110];
	v29 =	vmul.f32 v31, v45;
	v34 =	vmul.f32 v36, v50  }
0x255: {  	v31 =	vmul.f32 v33, v47;
	v38 =	vperm.xlane v17, v12;
	v20 =	vadd.f32 v32, v20  }
0x256: {  	v54 =	vld [tilespmem:s15+$0x120];
	v40 =	vperm.xlane v17, v7;
	v22 =	vadd.f32 v34, v22;
	v23 =	vadd.f32 $0.0e+00, v23  }
0x257: {  	v37 =	vld [tilespmem:s15+$0x160];
	v35 =	vmul.f32 v35, v38;
	v25 =	vadd.f32 $0.0e+00, v25;
	v26 =	vadd.f32 $0.0e+00, v26  }
0x258: {  	v39 =	vld [tilespmem:s15+$0x100];
	v33 =	vmul.f32 v49, v40;
	v27 =	vadd.f32 $0.0e+00, v27;
	v28 =	vadd.f32 $0.0e+00, v28  }
0x259: {  	v34 =	vmul.f32 v53, v56;
	v29 =	vadd.f32 $0.0e+00, v29;
	v30 =	vadd.f32 $0.0e+00, v30  }
0x25a: {  	v52 =	vperm.xlane v17, v8;
	v31 =	vadd.f32 $0.0e+00, v31;
	v21 =	vadd.f32 v35, v21  }
0x25b: {  	v35 =	vmul.f32 v54, v57;
	v33 =	vadd.f32 $0.0e+00, v33;
	v34 =	vadd.f32 $0.0e+00, v34  }
0x25c: {  	v20 =	vadd.f32 v20, v28;
	v22 =	vadd.f32 v22, v30  }
0x25d: {  	v37 =	vmul.f32 v37, v51;
	v55 =	vmul.f32 v39, v52;
	v35 =	vadd.f32 $0.0e+00, v35  }
0x25e: {  	v21 =	vadd.f32 v21, v29;
	v23 =	vadd.f32 v33, v23  }
0x25f: {  	v24 =	vadd.f32 v37, v24;
	v32 =	vadd.f32 $0.0e+00, v55  }
0x260: {  	v26 =	vadd.f32 v34, v26;
	v27 =	vadd.f32 v35, v27  }
0x261: {  	v24 =	vadd.f32 v24, v31;
	v25 =	vadd.f32 v32, v25  }
0x262: {  	v20 =	vadd.f32 v20, v23;
	v22 =	vadd.f32 v22, v26  }
0x263: {  	v21 =	vadd.f32 v21, v25;
	v58 =	vadd.f32 v24, v27;
	_ =	sdelay $0x1  }
0x264: {  	v20 =	vadd.f32 v22, v20;
	v21 =	vadd.f32 v58, v21;
	_ =	sdelay $0x1  }
0x265: {  	v20 =	vadd.f32 v21, v20;
	_ =	sdelay $0x1  }
0x266: {  	[tilespmem:s10+$0xD0] =	vst v20  }
0x267: {  	v20 =	vld [tilespmem:s22+$0x1200];
	_ =	sdelay $0x2  }
0x268: {  	v59 =	vmov s21  }
0x269: {  	v21 =	vshll.u32 v59, $0x4  }
0x26a: {  	v21 =	vor.u32 v5, v21;
	v60 =	vand.u32 $0xFFFFFFF8, v20  }
0x26b: {  	v20 =	vand.u32 $0x7, v20;
	v21 =	vadd.s32 v21, v60  }
0x26c: {  	v20 =	vor.u32 v20, v21;
	_ =	sdelay $0x4  }
0x26d: {  	v20 =	vld.idx.msk [tilespmem:v20+s11+$0x0], $0xffff;
	_ =	sdelay $0x4  }
0x26e: {  	v19 =	vmul.f32 v20, v19;
	_ =	sdelay $0x1  }
0x26f: {  	[tilespmem:s12+$0xFFFFFFE0] =	vst v19  }
0x270: {  	v19 =	vld [tilespmem:s16+$0x1200];
	_ =	sdelay $0x2  }
0x271: {  	v61 =	vmov s14  }
0x272: {  	v20 =	vshll.u32 v61, $0x4  }
0x273: {  	v20 =	vor.u32 v5, v20;
	v62 =	vand.u32 $0xFFFFFFF8, v19  }
0x274: {  	v19 =	vand.u32 $0x7, v19;
	v20 =	vadd.s32 v20, v62  }
0x275: {  	v19 =	vor.u32 v19, v20;
	_ =	sdelay $0x4  }
0x276: {  	v19 =	vld.idx.msk [tilespmem:v19+s11+$0x0], $0xffff;
	_ =	sdelay $0x4  }
0x277: {  	v18 =	vmul.f32 v19, v18;
	_ =	sdelay $0x1  }
0x278: {  	[tilespmem:s12+$0xFFFFFFF0] =	vst v18  }
0x279: {  	v18 =	vld [tilespmem:s19+$0x1200];
	_ =	sdelay $0x2  }
0x27a: {  	v19 =	vmov s2  }
0x27b: {  	v19 =	vshll.u32 v19, $0x4  }
0x27c: {  	v19 =	vor.u32 v5, v19;
	v63 =	vand.u32 $0xFFFFFFF8, v18  }
0x27d: {  	v18 =	vand.u32 $0x7, v18;
	v19 =	vadd.s32 v19, v63  }
0x27e: {  	v18 =	vor.u32 v18, v19;
	_ =	sdelay $0x4  }
0x27f: {  	v18 =	vld.idx.msk [tilespmem:v18+s11+$0x0], $0xffff;
	_ =	sdelay $0x1  }
0x280: {  	p0 =	sne.s32 s2, $0x2F0  }
.Ltmp2:
0x281: {  	_ = 	snop;
	(pc) =	sbr.rel @p0 .LBB2_7-.Ltmp2, $4  }
0x282: {  	_ = 	snop  }
0x283: {  	v17 =	vmul.f32 v18, v17  }
0x284: {  	s15 =	sadd.s32 $0x300, s15  }
0x285: {  	s10 =	sadd.s32 $0x1C0, s10;
	s2 =	sadd.s32 $0x30, s2;
	[tilespmem:s12+$0x0] =	vst v17;
	s12 =	sadd.s32 $0x30, s12  }
0x286: {  	s0 =	sor.u32 s9, s0  }
0x287: {  	s2 =	smul.u32 $0x380, s0;
	_ =	sdelay $0x1  }
0x288: {  	s2 =	sadd.s32 s7, s2  }
0x289: {  	[hbm4b:s2+s1] =	stream.linear.scatter [tilespmem:s29], [sflag:$0x5], $0x1C00, $0x38;
	[tilespmem:$0x11600] =	vst v63  }
0x28a: {  	s31 =	sadd.s32 $0x1, s31;
	s0 =	smul.u32 $0x60, s0;
	_ =	swait.ge [sflag:s13], $0x1C00  }
0x28b: {  	p0 =	sne.s32 s31, $0x10;
	[sflag:s13] =	ssyncset.done $0x0  }
.Ltmp3:
0x28c: {  	s0 =	sadd.s32 s8, s0;
	[sflag:s13] =	ssyncadd.s32 $0xFFFFE400;
	(pc) =	sbr.rel @p0 .LBB2_2-.Ltmp3, $4  }
0x28d: {  	[hbm4b:s0+s1] =	stream.linear.scatter [tilespmem:s30], [sflag:$0x5], $0x300, $0x38;
	[tilespmem:$0x11600] =	vst v63  }
0x28e: {  	_ =	swait.ge [sflag:s13], $0x300  }
0x28f: {  	[sflag:s13] =	ssyncset.done $0x0  }
0x290: {  	[sflag:s13] =	ssyncadd.s32 $0xFFFFFD00  }
0x291: {  	s2 =	rddreg [dreg:$0xb]  }
0x292: {  	s0 =	rddreg [dreg:$0x4];
	s2 =	sadd.s32 $0x1, s2  }
0x293: {  	p0 =	sne.s32 s2, s0  }
.Ltmp4:
0x294: {  	_ = 	snop;
	(pc) =	sbr.rel @p0 .LBB2_1-.Ltmp4, $1  }
0x295: {  	_ =	sdelay $0x3  }
0x296: {  	_ =	sfence.sel $0x180000  }
0x297: {  	[bflag:$0x0] =	sbarrier.arrive $0xFFFF  }
0x298: {  	_ =	strace $0x90000047  }
0x299: {  	s0 =	stileid.u32;
	[bflag:$0x2] =	sbarrier.arrive $0xFFFF  }
0x29a: {  	p0 =	sne.s32 s0, $0x0;
	s0 =	rddreg [dreg:$0x1]  }
0x29b: {  	s0 =	sadd.s32 @!p0 $0x100000, s0  }
0x29c: {  	[sflag:s0] =	ssyncadd.tile.s32 @!p0 $0x1;
	_ =	shalt  }
.Lfunc_end2:
_tile_overlayer_lowered:
.L_overlay_start_2:
0x29d: {  	(tag) =	ssettag $0x2  }
0x29e: {  	s0 =	rddreg [dreg:$0x0];
	s2 =	stileid.u32  }
0x29f: {  	s1 =	rddreg [dreg:$0x1];
	p0 =	sne.s32 s2, $0x0  }
0x2a0: {  	s3 =	rddreg [dreg:$0x2];
	[bflag:$0x3] =	sbarrier.arrive $0xFFFF;
	s2 =	simm.s32 @!p0 $0x1C05  }
0x2a1: {  	[timem:s3], [sflag:s2] =	dma.local @!p0 [hbm:s0], s1  }
0x2a2: {  	s0 =	simm.s32 @!p0 $0x5  }
0x2a3: {  	_ =	swait.ge @!p0 [sflag:s0], s1  }
0x2a4: {  	s1 =	ssub.s32 @!p0 $0x0, s1;
	[sflag:s0] =	ssyncset.done @!p0 $0x0  }
0x2a5: {  	[sflag:s0] =	ssyncadd.s32 @!p0 s1  }
0x2a6: {  	[bflag:$0x3] =	sbarrier.arrive $0xFFFF  }
0x2a7: {  	_ =	shalt  }

</sc_bundles>
